<compile_context>
chip_gen: v7x
topology: tpu7x:2x2x1
jax: 0.10.2.dev20260603
libtpu: 0.0.44.dev20260713+nightly
codegen_flags: <defaults>
</compile_context>

<pallas_src>
import functools

import jax
import jax.numpy as jnp
import numpy as np
from jax import lax
from jax.experimental import pallas as pl
from jax.experimental.pallas import tpu as pltpu
from jax.experimental.pallas import tpu_sc as plsc

_N = 100000
_E = 1600000
_IN = 128
_HID = 8
_HEADS = 4
_OUT = 16

_RB = 1000
_EB = 128
_ZB = 200
_NZ = _N // _ZB
_NCH = -(-_N // _EB)
_TAIL = _N - (_NCH - 1) * _EB
_G = _EB // 16


def _block_diag_cols(a):
    h, f = a.shape
    eye = jnp.eye(h, dtype=a.dtype)
    return (a[:, :, None] * eye[:, None, :]).reshape(h * f, h)


def _featprep1_body(x_ref, w_ref, m_ref, feat_ref, elr_ref):
    f = lax.dot_general(x_ref[...], w_ref[...], (((1,), (1,)), ((), ())),
                        preferred_element_type=jnp.float32,
                        precision=lax.Precision.HIGHEST)
    feat_ref[...] = f
    elr_ref[...] = lax.dot_general(f, m_ref[...], (((1,), (0,)), ((), ())),
                                   preferred_element_type=jnp.float32,
                                   precision=lax.Precision.HIGHEST)


def _featprep1(emb, w1, melr1):
    c = _HEADS * _HID
    return pl.pallas_call(
        _featprep1_body,
        grid=(_N // _RB,),
        in_specs=[
            pl.BlockSpec((_RB, _IN), lambda i: (i, 0)),
            pl.BlockSpec((c, _IN), lambda i: (0, 0)),
            pl.BlockSpec((c, 16), lambda i: (0, 0)),
        ],
        out_specs=[
            pl.BlockSpec((_RB, c), lambda i: (i, 0)),
            pl.BlockSpec((_RB, 16), lambda i: (i, 0)),
        ],
        out_shape=[
            jax.ShapeDtypeStruct((_N, c), jnp.float32),
            jax.ShapeDtypeStruct((_N, 16), jnp.float32),
        ],
    )(emb, w1, melr1)


def _sc_edge_pass(src, dst, feat_tab, elr, layer):
    mesh = plsc.VectorSubcoreMesh(core_axis_name="c", subcore_axis_name="s")
    nblk = _E // _EB if layer == 1 else _E // _EB // 2

    @functools.partial(
        pl.kernel,
        out_type=(
            jax.ShapeDtypeStruct((2 * _N, 16), jnp.float32),
            jax.ShapeDtypeStruct((2 * _N, 16), jnp.float32),
        ),
        mesh=mesh,
        compiler_params=pltpu.CompilerParams(needs_layout_passes=False,
                                             use_tc_tiling_on_sc=False),
        scratch_types=(
            pltpu.VMEM_SHARED((_N, 16), jnp.float32),
            pltpu.VMEM((_EB,), jnp.int32),
            pltpu.VMEM((_EB,), jnp.int32),
            pltpu.VMEM((_EB,), jnp.int32),
            pltpu.VMEM((_EB, 16), jnp.float32),
            pltpu.VMEM((_EB, 16), jnp.float32),
            pltpu.VMEM((_EB, 16), jnp.float32),
            pltpu.VMEM((_EB, 16), jnp.float32),
            pltpu.VMEM((_ZB, 16), jnp.float32),
            pltpu.SemaphoreType.DMA,
        ),
    )
    def k(src_h, dst_h, feat_h, elr_h, num_h, den_h,
          acc_sh, src_v, dst_v, fidx_v, elrs_v, elrd_v, feat_v,
          msg_v, z16_v, sem):
        cid = lax.axis_index("c")
        sid = lax.axis_index("s")
        iota = lax.broadcasted_iota(jnp.int32, (16,), 0)
        zf = jnp.zeros((16,), jnp.float32)
        ci0 = jnp.zeros((16,), jnp.int32)

        def _z16(i, c):
            z16_v[i, :] = zf
            return c
        lax.fori_loop(0, _ZB, _z16, 0)

        def _zmsg(i, c):
            msg_v[i, :] = zf
            return c
        lax.fori_loop(0, _EB, _zmsg, 0)

        ha = cid * 2

        def _zero_acc():
            def _zsh(b, c):
                blk = sid + b * 16

                @pl.when(blk < _NZ)
                def _():
                    pltpu.sync_copy(z16_v, acc_sh.at[pl.ds(blk * _ZB, _ZB)])
                return c
            lax.fori_loop(0, -(-_NZ // 16), _zsh, 0)

        def _write_acc(out_h):
            def _wb(b, c):
                blk = sid + b * 16

                @pl.when(blk < _NZ)
                def _():
                    pltpu.sync_copy(acc_sh.at[pl.ds(blk * _ZB, _ZB)], z16_v)
                    pltpu.sync_copy(
                        z16_v, out_h.at[pl.ds(cid * _N + blk * _ZB, _ZB)])
                return c
            lax.fori_loop(0, -(-_NZ // 16), _wb, 0)
            lax.fori_loop(0, _ZB, _z16, 0)

        def _edge_base(blk):
            if layer == 1:
                return blk * _EB
            return (cid * nblk + blk) * _EB

        _zero_acc()
        plsc.subcore_barrier()

        def _blkden(b, c):
            blk = sid + b * 16

            @pl.when(blk < nblk)
            def _():
                base = _edge_base(blk)
                cp0a = pltpu.async_copy(src_h.at[pl.ds(base, _EB)], src_v, sem)
                cp0b = pltpu.async_copy(dst_h.at[pl.ds(base, _EB)], dst_v, sem)
                cp0a.wait()
                cp0b.wait()
                cp1 = pltpu.async_copy(elr_h.at[src_v], elrs_v, sem)
                cp2 = pltpu.async_copy(elr_h.at[dst_v], elrd_v, sem)
                cp1.wait()
                cp2.wait()

                if layer == 1:
                    def _grp(g, c2):
                        lane = g * 16 + iota
                        ca = ci0 + ha
                        els_a = plsc.load_gather(elrs_v, [lane, ca])
                        els_b = plsc.load_gather(elrs_v, [lane, ca + 1])
                        erd_a = plsc.load_gather(elrd_v, [lane, ca + 4])
                        erd_b = plsc.load_gather(elrd_v, [lane, ca + 5])
                        ea = els_a + erd_a
                        eb = els_b + erd_b
                        eea = jnp.exp(jnp.maximum(ea, ea * 0.2))
                        eeb = jnp.exp(jnp.maximum(eb, eb * 0.2))
                        plsc.store_scatter(msg_v, [lane, ci0], eea)
                        plsc.store_scatter(msg_v, [lane, ci0 + 1], eeb)
                        return c2
                else:
                    def _grp(g, c2):
                        lane = g * 16 + iota
                        el = plsc.load_gather(elrs_v, [lane, ci0])
                        er = plsc.load_gather(elrd_v, [lane, ci0 + 1])
                        e = el + er
                        ee = jnp.exp(jnp.maximum(e, e * 0.2))
                        plsc.store_scatter(msg_v, [lane, ci0], ee)
                        return c2
                lax.fori_loop(0, _G, _grp, 0)
                pltpu.sync_copy(msg_v, acc_sh.at[dst_v], add=True)
            return c
        lax.fori_loop(0, -(-nblk // 16), _blkden, 0)
        plsc.subcore_barrier()
        _write_acc(den_h)
        plsc.subcore_barrier()

        _zero_acc()
        plsc.subcore_barrier()

        def _blk(b, c):
            blk = sid + b * 16

            @pl.when(blk < nblk)
            def _():
                base = _edge_base(blk)
                cp0a = pltpu.async_copy(src_h.at[pl.ds(base, _EB)], src_v, sem)
                cp0b = pltpu.async_copy(dst_h.at[pl.ds(base, _EB)], dst_v, sem)
                cp0a.wait()
                cp0b.wait()

                if layer == 1:
                    def _fidx(g, c2):
                        lane = g * 16 + iota
                        v = plsc.load_gather(src_v, [lane])
                        plsc.store_scatter(fidx_v, [lane], v * 2 + cid)
                        return c2
                    lax.fori_loop(0, _G, _fidx, 0)
                    feat_idx = fidx_v
                else:
                    feat_idx = src_v

                cp1 = pltpu.async_copy(elr_h.at[src_v], elrs_v, sem)
                cp2 = pltpu.async_copy(elr_h.at[dst_v], elrd_v, sem)
                cp3 = pltpu.async_copy(feat_h.at[feat_idx], feat_v, sem)
                cp1.wait()
                cp2.wait()
                cp3.wait()

                if layer == 1:
                    def _grp(g, c2):
                        lane = g * 16 + iota
                        ca = ci0 + ha
                        els_a = plsc.load_gather(elrs_v, [lane, ca])
                        els_b = plsc.load_gather(elrs_v, [lane, ca + 1])
                        erd_a = plsc.load_gather(elrd_v, [lane, ca + 4])
                        erd_b = plsc.load_gather(elrd_v, [lane, ca + 5])
                        ea = els_a + erd_a
                        eb = els_b + erd_b
                        eea = jnp.exp(jnp.maximum(ea, ea * 0.2))
                        eeb = jnp.exp(jnp.maximum(eb, eb * 0.2))
                        for j in range(16):
                            f = plsc.load_gather(feat_v, [lane, ci0 + j])
                            plsc.store_scatter(msg_v, [lane, ci0 + j],
                                               f * (eea if j < 8 else eeb))
                        return c2
                else:
                    def _grp(g, c2):
                        lane = g * 16 + iota
                        el = plsc.load_gather(elrs_v, [lane, ci0])
                        er = plsc.load_gather(elrd_v, [lane, ci0 + 1])
                        e = el + er
                        ee = jnp.exp(jnp.maximum(e, e * 0.2))
                        for j in range(16):
                            f = plsc.load_gather(feat_v, [lane, ci0 + j])
                            plsc.store_scatter(msg_v, [lane, ci0 + j], f * ee)
                        return c2
                lax.fori_loop(0, _G, _grp, 0)
                pltpu.sync_copy(msg_v, acc_sh.at[dst_v], add=True)
            return c
        lax.fori_loop(0, -(-nblk // 16), _blk, 0)
        plsc.subcore_barrier()
        _write_acc(num_h)

    return k(src, dst, feat_tab, elr)


def _mid_body(n0_ref, n1_ref, d0_ref, d1_ref, b1_ref, w2a_ref, w2b_ref,
              s01_ref, melr2_ref, feat2_ref, elr2_ref):
    s01 = s01_ref[...]
    d0 = d0_ref[...][:, :2]
    d1 = d1_ref[...][:, :2]
    r0 = jnp.where(d0 > 0, 1.0 / d0, 0.0)
    r1 = jnp.where(d1 > 0, 1.0 / d1, 0.0)
    e0 = lax.dot_general(r0, s01, (((1,), (0,)), ((), ())),
                         preferred_element_type=jnp.float32,
                         precision=lax.Precision.HIGHEST)
    e1 = lax.dot_general(r1, s01, (((1,), (0,)), ((), ())),
                         preferred_element_type=jnp.float32,
                         precision=lax.Precision.HIGHEST)
    b1v = b1_ref[...]
    h0 = n0_ref[...] * e0 + b1v[:, :16]
    h1 = n1_ref[...] * e1 + b1v[:, 16:]
    h0 = jnp.where(h0 > 0, h0, jnp.exp(h0) - 1.0)
    h1 = jnp.where(h1 > 0, h1, jnp.exp(h1) - 1.0)
    f2 = (lax.dot_general(h0, w2a_ref[...], (((1,), (1,)), ((), ())),
                          preferred_element_type=jnp.float32,
                          precision=lax.Precision.HIGHEST)
          + lax.dot_general(h1, w2b_ref[...], (((1,), (1,)), ((), ())),
                            preferred_element_type=jnp.float32,
                            precision=lax.Precision.HIGHEST))
    feat2_ref[...] = f2
    elr2_ref[...] = lax.dot_general(f2, melr2_ref[...], (((1,), (0,)), ((), ())),
                                    preferred_element_type=jnp.float32,
                                    precision=lax.Precision.HIGHEST)


def _mid(num0, num1, den0, den1, b1, w2a, w2b, s01, melr2):
    return pl.pallas_call(
        _mid_body,
        grid=(_N // _RB,),
        in_specs=[
            pl.BlockSpec((_RB, 16), lambda i: (i, 0)),
            pl.BlockSpec((_RB, 16), lambda i: (i + _N // _RB, 0)),
            pl.BlockSpec((_RB, 16), lambda i: (i, 0)),
            pl.BlockSpec((_RB, 16), lambda i: (i + _N // _RB, 0)),
            pl.BlockSpec((1, 32), lambda i: (0, 0)),
            pl.BlockSpec((16, 16), lambda i: (0, 0)),
            pl.BlockSpec((16, 16), lambda i: (0, 0)),
            pl.BlockSpec((2, 16), lambda i: (0, 0)),
            pl.BlockSpec((16, 16), lambda i: (0, 0)),
        ],
        out_specs=[
            pl.BlockSpec((_RB, 16), lambda i: (i, 0)),
            pl.BlockSpec((_RB, 16), lambda i: (i, 0)),
        ],
        out_shape=[
            jax.ShapeDtypeStruct((_N, 16), jnp.float32),
            jax.ShapeDtypeStruct((_N, 16), jnp.float32),
        ],
    )(num0, num1, den0, den1, b1, w2a, w2b, s01, melr2)


def _final_body(n0_ref, n1_ref, d0_ref, d1_ref, b2_ref, out_ref):
    num = n0_ref[...] + n1_ref[...]
    dsum = d0_ref[...][:, 0:1] + d1_ref[...][:, 0:1]
    r = jnp.where(dsum > 0, 1.0 / dsum, 0.0)
    out_ref[...] = num * r + b2_ref[...]


def _final(num0, num1, den0, den1, b2):
    return pl.pallas_call(
        _final_body,
        grid=(_N // _RB,),
        in_specs=[
            pl.BlockSpec((_RB, 16), lambda i: (i, 0)),
            pl.BlockSpec((_RB, 16), lambda i: (i + _N // _RB, 0)),
            pl.BlockSpec((_RB, 16), lambda i: (i, 0)),
            pl.BlockSpec((_RB, 16), lambda i: (i + _N // _RB, 0)),
            pl.BlockSpec((1, 16), lambda i: (0, 0)),
        ],
        out_specs=pl.BlockSpec((_RB, 16), lambda i: (i, 0)),
        out_shape=jax.ShapeDtypeStruct((_N, 16), jnp.float32),
    )(num0, num1, den0, den1, b2)


def kernel(emb, edge_index, W1, al1, ar1, b1, W2, al2, ar2, b2):
    src = edge_index[0]
    dst = edge_index[1]

    melr1 = jnp.concatenate(
        [_block_diag_cols(al1.reshape(_HEADS, _HID)),
         _block_diag_cols(ar1.reshape(_HEADS, _HID)),
         jnp.zeros((_HEADS * _HID, 8), jnp.float32)], axis=1)
    melr2 = jnp.concatenate(
        [al2.reshape(_OUT, 1), ar2.reshape(_OUT, 1),
         jnp.zeros((_OUT, 14), jnp.float32)], axis=1)
    s01 = jnp.asarray(np.kron(np.eye(2, dtype=np.float32),
                              np.ones((1, 8), np.float32)))

    feat1, elr1 = _featprep1(emb, W1, melr1)
    num_a, den_a = _sc_edge_pass(
        src, dst, feat1.reshape(2 * _N, 16), elr1, layer=1)
    feat2, elr2 = _mid(num_a, num_a, den_a, den_a, b1.reshape(1, 32),
                       W2[:, :16], W2[:, 16:], s01, melr2)
    num_b, den_b = _sc_edge_pass(src, dst, feat2, elr2, layer=2)
    return _final(num_b, num_b, den_b, den_b, b2.reshape(1, 16))

# --- scband reference (transcript-rebuilt; emitter-appended) ---
"""Pipeline reference for scband-gat-node-classifier-49761491091780 (READ-ONLY COPY).

The authoritative reference and input builder live on the scoring server;
editing this copy changes nothing except your own understanding.
"""

import jax, jax.numpy as jnp
import numpy as np

N = 100000
E = 1600000
IN_DIM = 128
HID = 8
HEADS = 4
OUT_DIM = 16


def gat_conv(x, edge_index, W, attn_l, attn_r, bias, num_heads, out_feats):
    src = edge_index[0]
    dst = edge_index[1]
    n = x.shape[0]
    feat = (x @ W.T).reshape(n, num_heads, out_feats)
    el = jnp.sum(feat * attn_l, axis=-1)  # (N, H)
    er = jnp.sum(feat * attn_r, axis=-1)  # (N, H)
    e = jax.nn.leaky_relu(el[src] + er[dst], negative_slope=0.2)  # (E, H)
    e_max = jax.ops.segment_max(e, dst, num_segments=n)
    e_max = jnp.where(jnp.isfinite(e_max), e_max, 0.0)
    ee = jnp.exp(e - e_max[dst])
    denom = jax.ops.segment_sum(ee, dst, num_segments=n)
    alpha = ee / denom[dst]  # (E, H) edge softmax per dst node
    msg = feat[src] * alpha[..., None]  # (E, H, out_feats)
    out = jax.ops.segment_sum(msg, dst, num_segments=n)  # (N, H, out_feats)
    return out + bias.reshape(1, num_heads, out_feats)


def setup_inputs(seed: int = 0) -> dict:
    key = jax.random.key(seed)
    ks = jax.random.split(key, 10)
    emb = jax.random.normal(ks[0], (N, IN_DIM), dtype=jnp.float32)
    edge_index = jax.random.randint(ks[1], (2, E), 0, N, dtype=jnp.int32)
    W1 = jax.random.normal(ks[2], (HEADS * HID, IN_DIM), dtype=jnp.float32) * 0.1
    al1 = jax.random.normal(ks[3], (1, HEADS, HID), dtype=jnp.float32) * 0.1
    ar1 = jax.random.normal(ks[4], (1, HEADS, HID), dtype=jnp.float32) * 0.1
    b1 = jnp.zeros((HEADS * HID,), dtype=jnp.float32)
    W2 = jax.random.normal(ks[5], (OUT_DIM, HEADS * HID), dtype=jnp.float32) * 0.1
    al2 = jax.random.normal(ks[6], (1, 1, OUT_DIM), dtype=jnp.float32) * 0.1
    ar2 = jax.random.normal(ks[7], (1, 1, OUT_DIM), dtype=jnp.float32) * 0.1
    b2 = jnp.zeros((OUT_DIM,), dtype=jnp.float32)
    return {"emb": emb, "edge_index": edge_index, "W1": W1, "al1": al1, "ar1": ar1, "b1": b1, "W2": W2, "al2": al2, "ar2": ar2, "b2": b2}


def reference(emb, edge_index, W1, al1, ar1, b1, W2, al2, ar2, b2):
    h = gat_conv(emb, edge_index, W1, al1, ar1, b1, HEADS, HID)  # (N, H, HID)
    h = h.reshape(-1, HEADS * HID)
    h = jax.nn.elu(h)
    out = gat_conv(h, edge_index, W2, al2, ar2, b2, 1, OUT_DIM)  # (N, 1, OUT_DIM)
    return jnp.squeeze(out)

if __name__ == "__main__":
    import jax
    _d = setup_inputs()
    print(jax.jit(kernel)(*tuple(_d.values())))

</pallas_src>

<mosaic_0001>
#map = affine_map<(d0, d1) -> (0)>
#map1 = affine_map<(d0, d1) -> (0, 0)>
module attributes {stable_mosaic.version = 14 : i64} {
  func.func @k(%arg0: i32, %arg1: i32, %arg2: memref<1600000xi32, #tpu.memory_space<hbm>>, %arg3: memref<1600000xi32, #tpu.memory_space<hbm>>, %arg4: memref<100000x16xf32, #tpu.memory_space<hbm>>, %arg5: memref<100000x16xf32, #tpu.memory_space<hbm>>, %arg6: memref<200000x16xf32, #tpu.memory_space<hbm>>, %arg7: memref<200000x16xf32, #tpu.memory_space<hbm>>, %arg8: memref<100000x16xf32, #tpu.memory_space<vmem_shared>>, %arg9: memref<128xi32, #tpu.memory_space<vmem>>, %arg10: memref<128xi32, #tpu.memory_space<vmem>>, %arg11: memref<128xi32, #tpu.memory_space<vmem>>, %arg12: memref<128x16xf32, #tpu.memory_space<vmem>>, %arg13: memref<128x16xf32, #tpu.memory_space<vmem>>, %arg14: memref<128x16xf32, #tpu.memory_space<vmem>>, %arg15: memref<128x16xf32, #tpu.memory_space<vmem>>, %arg16: memref<200x16xf32, #tpu.memory_space<vmem>>, %arg17: memref<!tpu.dma_semaphore, #tpu.memory_space<semaphore_mem>>) attributes {dimension_semantics = [#tpu.dimension_semantics<core_parallel>, #tpu.dimension_semantics<subcore_parallel>], iteration_bounds = array<i64: 2, 16>, scalar_prefetch = 0 : i64, scratch_operands = 10 : i64, tpu.core_type = #tpu.core_type<sc_vector_subcore>, window_params = [{transform_indices = #map}, {transform_indices = #map}, {transform_indices = #map1}, {transform_indices = #map1}, {transform_indices = #map1}, {transform_indices = #map1}]} {
    %iota3A = tpu.iota {dimensions = array<i32: 0>} : vector<16xi32>
    %broadcast_in_dim3A = arith.constant 0.000000e+00 : f32
    %broadcast_in_dim3A_0 = vector.broadcast %broadcast_in_dim3A : f32 to vector<16xf32>
    %broadcast_in_dim3A_1 = arith.constant 0 : i32
    %broadcast_in_dim3A_2 = vector.broadcast %broadcast_in_dim3A_1 : i32 to vector<16xi32>
    %scan3A = arith.constant 0 : i32
    %scan3A_3 = arith.constant 0 : i32
    %scan3A_4 = arith.constant 200 : i32
    %scan3A_5 = arith.addi %scan3A_3, %scan3A_4 : i32
    %scan3A_6 = arith.constant 1 : i32
    scf.for %scan3A_67 = %scan3A_3 to %scan3A_5 step %scan3A_6  : i32 {
      %swap3A = arith.index_cast %scan3A_67 : i32 to index
      %swap3A_68 = arith.constant 0 : index
      %swap3A_69 = tpu.vector_load %arg16[%swap3A, %swap3A_68] {strides = array<i32>} : memref<200x16xf32, #tpu.memory_space<vmem>>, vector<16xf32>,
      tpu.vector_store %arg16[%swap3A, %swap3A_68], %broadcast_in_dim3A_0 {strides = array<i32>} : memref<200x16xf32, #tpu.memory_space<vmem>>, vector<16xf32>,
    }
    %scan3A_7 = arith.constant 200 : i32
    %scan3A_8 = arith.constant 0 : i32
    %scan3A_9 = arith.constant 0 : i32
    %scan3A_10 = arith.constant 128 : i32
    %scan3A_11 = arith.addi %scan3A_9, %scan3A_10 : i32
    %scan3A_12 = arith.constant 1 : i32
    scf.for %scan3A_67 = %scan3A_9 to %scan3A_11 step %scan3A_12  : i32 {
      %swap3A = arith.index_cast %scan3A_67 : i32 to index
      %swap3A_68 = arith.constant 0 : index
      %swap3A_69 = tpu.vector_load %arg15[%swap3A, %swap3A_68] {strides = array<i32>} : memref<128x16xf32, #tpu.memory_space<vmem>>, vector<16xf32>,
      tpu.vector_store %arg15[%swap3A, %swap3A_68], %broadcast_in_dim3A_0 {strides = array<i32>} : memref<128x16xf32, #tpu.memory_space<vmem>>, vector<16xf32>,
    }
    %scan3A_13 = arith.constant 128 : i32
    %mul3A = arith.constant 2 : i32
    %mul3A_14 = arith.muli %arg0, %mul3A : i32
    %scan3A_15 = arith.constant 0 : i32
    %scan3A_16 = arith.constant 0 : i32
    %scan3A_17 = arith.constant 32 : i32
    %scan3A_18 = arith.addi %scan3A_16, %scan3A_17 : i32
    %scan3A_19 = arith.constant 1 : i32
    scf.for %scan3A_67 = %scan3A_16 to %scan3A_18 step %scan3A_19  : i32 {
      %mul3A_68 = arith.constant 16 : i32
      %mul3A_69 = arith.muli %scan3A_67, %mul3A_68 : i32
      %add3A = arith.addi %arg1, %mul3A_69 : i32
      %lt3A = arith.constant 500 : i32
      %lt3A_70 = arith.cmpi slt, %add3A, %lt3A : i32
      %convert_element_type3A = arith.extui %lt3A_70 : i1 to i32
      %cond3A = arith.constant 0 : i32
      %cond3A_71 = arith.cmpi ne, %convert_element_type3A, %cond3A : i32
      scf.if %cond3A_71 {
        %mul3A_72 = arith.constant 200 : i32
        %mul3A_73 = arith.muli %add3A, %mul3A_72 : i32
        "tpu.region"() ({
          %run_scoped3A = tpu.sem_alloc : memref<!tpu.dma_semaphore, #tpu.memory_space<semaphore_mem>>
          %dma_start3A = arith.constant 0 : i32
          %dma_start3A_74 = tpu.memref_slice %arg8[%mul3A_73, %dma_start3A] : memref<100000x16xf32, #tpu.memory_space<vmem_shared>> -> memref<200x16xf32, #tpu.memory_space<vmem_shared>>
          %dma_start3A_75 = arith.constant 0 : i32
          %dma_start3A_76 = tpu.memref_slice %arg8[%mul3A_73, %dma_start3A_75] : memref<100000x16xf32, #tpu.memory_space<vmem_shared>> -> memref<200x16xf32, #tpu.memory_space<vmem_shared>>
          tpu.enqueue_dma source(%arg16 : memref<200x16xf32, #tpu.memory_space<vmem>>) target(%dma_start3A_76 : memref<200x16xf32, #tpu.memory_space<vmem_shared>>) target_semaphore(%run_scoped3A : memref<!tpu.dma_semaphore, #tpu.memory_space<semaphore_mem>>)
          %dma_wait3A = arith.constant 0 : i32
          %dma_wait3A_77 = tpu.memref_slice %arg8[%mul3A_73, %dma_wait3A] : memref<100000x16xf32, #tpu.memory_space<vmem_shared>> -> memref<200x16xf32, #tpu.memory_space<vmem_shared>>
          %dma_wait3A_78 = arith.constant 0 : i32
          %dma_wait3A_79 = tpu.memref_slice %arg8[%mul3A_73, %dma_wait3A_78] : memref<100000x16xf32, #tpu.memory_space<vmem_shared>> -> memref<200x16xf32, #tpu.memory_space<vmem_shared>>
          tpu.wait_dma2 semaphore(%run_scoped3A : memref<!tpu.dma_semaphore, #tpu.memory_space<semaphore_mem>>) src(%arg16 : memref<200x16xf32, #tpu.memory_space<vmem>>) dst(%dma_wait3A_79 : memref<200x16xf32, #tpu.memory_space<vmem_shared>>)
          tpu.yield
        }) : () -> ()
      } else {
      }
    }
    %scan3A_20 = arith.constant 32 : i32
    %barrier3A = arith.constant 0 : index
    tpu.barrier barrier_id(%barrier3A)
    %scan3A_21 = arith.constant 0 : i32
    %scan3A_22 = arith.constant 0 : i32
    %scan3A_23 = arith.constant 391 : i32
    %scan3A_24 = arith.addi %scan3A_22, %scan3A_23 : i32
    %scan3A_25 = arith.constant 1 : i32
    scf.for %scan3A_67 = %scan3A_22 to %scan3A_24 step %scan3A_25  : i32 {
      %mul3A_68 = arith.constant 16 : i32
      %mul3A_69 = arith.muli %scan3A_67, %mul3A_68 : i32
      %add3A = arith.addi %arg1, %mul3A_69 : i32
      %lt3A = arith.constant 6250 : i32
      %lt3A_70 = arith.cmpi slt, %add3A, %lt3A : i32
      %convert_element_type3A = arith.extui %lt3A_70 : i1 to i32
      %cond3A = arith.constant 0 : i32
      %cond3A_71 = arith.cmpi ne, %convert_element_type3A, %cond3A : i32
      scf.if %cond3A_71 {
        %mul3A_72 = arith.constant 6250 : i32
        %mul3A_73 = arith.muli %arg0, %mul3A_72 : i32
        %add3A_74 = arith.addi %mul3A_73, %add3A : i32
        %mul3A_75 = arith.constant 128 : i32
        %mul3A_76 = arith.muli %add3A_74, %mul3A_75 : i32
        %dma_start3A = tpu.memref_slice %arg2[%mul3A_76] : memref<1600000xi32, #tpu.memory_space<hbm>> -> memref<128xi32, #tpu.memory_space<hbm>>
        %dma_start3A_77 = tpu.memref_slice %arg2[%mul3A_76] : memref<1600000xi32, #tpu.memory_space<hbm>> -> memref<128xi32, #tpu.memory_space<hbm>>
        tpu.enqueue_dma source(%dma_start3A_77 : memref<128xi32, #tpu.memory_space<hbm>>) target(%arg9 : memref<128xi32, #tpu.memory_space<vmem>>) target_semaphore(%arg17 : memref<!tpu.dma_semaphore, #tpu.memory_space<semaphore_mem>>)
        %dma_start3A_78 = tpu.memref_slice %arg3[%mul3A_76] : memref<1600000xi32, #tpu.memory_space<hbm>> -> memref<128xi32, #tpu.memory_space<hbm>>
        %dma_start3A_79 = tpu.memref_slice %arg3[%mul3A_76] : memref<1600000xi32, #tpu.memory_space<hbm>> -> memref<128xi32, #tpu.memory_space<hbm>>
        tpu.enqueue_dma source(%dma_start3A_79 : memref<128xi32, #tpu.memory_space<hbm>>) target(%arg10 : memref<128xi32, #tpu.memory_space<vmem>>) target_semaphore(%arg17 : memref<!tpu.dma_semaphore, #tpu.memory_space<semaphore_mem>>)
        %dma_wait3A = tpu.memref_slice %arg2[%mul3A_76] : memref<1600000xi32, #tpu.memory_space<hbm>> -> memref<128xi32, #tpu.memory_space<hbm>>
        %dma_wait3A_80 = tpu.memref_slice %arg2[%mul3A_76] : memref<1600000xi32, #tpu.memory_space<hbm>> -> memref<128xi32, #tpu.memory_space<hbm>>
        tpu.wait_dma2 semaphore(%arg17 : memref<!tpu.dma_semaphore, #tpu.memory_space<semaphore_mem>>) src(%dma_wait3A_80 : memref<128xi32, #tpu.memory_space<hbm>>) dst(%arg9 : memref<128xi32, #tpu.memory_space<vmem>>)
        %dma_wait3A_81 = tpu.memref_slice %arg3[%mul3A_76] : memref<1600000xi32, #tpu.memory_space<hbm>> -> memref<128xi32, #tpu.memory_space<hbm>>
        %dma_wait3A_82 = tpu.memref_slice %arg3[%mul3A_76] : memref<1600000xi32, #tpu.memory_space<hbm>> -> memref<128xi32, #tpu.memory_space<hbm>>
        tpu.wait_dma2 semaphore(%arg17 : memref<!tpu.dma_semaphore, #tpu.memory_space<semaphore_mem>>) src(%dma_wait3A_82 : memref<128xi32, #tpu.memory_space<hbm>>) dst(%arg10 : memref<128xi32, #tpu.memory_space<vmem>>)
        %dma_start3A_83 = arith.constant 0 : i32
        %dma_start3A_84 = arith.constant 0 : i32
        %dma_start3A_85 = tpu.memref_slice %arg5[%dma_start3A_83, %dma_start3A_84] : memref<100000x16xf32, #tpu.memory_space<hbm>> -> memref<100000x16xf32, #tpu.memory_space<hbm>>
        tpu.enqueue_indirect_dma source(%dma_start3A_85 : memref<100000x16xf32, #tpu.memory_space<hbm>>) target(%arg12 : memref<128x16xf32, #tpu.memory_space<vmem>>) offsets(%arg9 : memref<128xi32, #tpu.memory_space<vmem>>) semaphore(%arg17 : memref<!tpu.dma_semaphore, #tpu.memory_space<semaphore_mem>>)
        %dma_start3A_86 = arith.constant 0 : i32
        %dma_start3A_87 = arith.constant 0 : i32
        %dma_start3A_88 = tpu.memref_slice %arg5[%dma_start3A_86, %dma_start3A_87] : memref<100000x16xf32, #tpu.memory_space<hbm>> -> memref<100000x16xf32, #tpu.memory_space<hbm>>
        tpu.enqueue_indirect_dma source(%dma_start3A_88 : memref<100000x16xf32, #tpu.memory_space<hbm>>) target(%arg13 : memref<128x16xf32, #tpu.memory_space<vmem>>) offsets(%arg10 : memref<128xi32, #tpu.memory_space<vmem>>) semaphore(%arg17 : memref<!tpu.dma_semaphore, #tpu.memory_space<semaphore_mem>>)
        %dma_wait3A_89 = arith.constant 0 : i32
        %dma_wait3A_90 = arith.constant 0 : i32
        %dma_wait3A_91 = tpu.memref_slice %arg5[%dma_wait3A_89, %dma_wait3A_90] : memref<100000x16xf32, #tpu.memory_space<hbm>> -> memref<100000x16xf32, #tpu.memory_space<hbm>>
        tpu.wait_indirect_dma semaphore(%arg17 : memref<!tpu.dma_semaphore, #tpu.memory_space<semaphore_mem>>) src(%dma_wait3A_91 : memref<100000x16xf32, #tpu.memory_space<hbm>>) dst(%arg12 : memref<128x16xf32, #tpu.memory_space<vmem>>)
        %dma_wait3A_92 = arith.constant 0 : i32
        %dma_wait3A_93 = arith.constant 0 : i32
        %dma_wait3A_94 = tpu.memref_slice %arg5[%dma_wait3A_92, %dma_wait3A_93] : memref<100000x16xf32, #tpu.memory_space<hbm>> -> memref<100000x16xf32, #tpu.memory_space<hbm>>
        tpu.wait_indirect_dma semaphore(%arg17 : memref<!tpu.dma_semaphore, #tpu.memory_space<semaphore_mem>>) src(%dma_wait3A_94 : memref<100000x16xf32, #tpu.memory_space<hbm>>) dst(%arg13 : memref<128x16xf32, #tpu.memory_space<vmem>>)
        %scan3A_95 = arith.constant 0 : i32
        %scan3A_96 = arith.constant 0 : i32
        %scan3A_97 = arith.constant 8 : i32
        %scan3A_98 = arith.addi %scan3A_96, %scan3A_97 : i32
        %scan3A_99 = arith.constant 1 : i32
        scf.for %scan3A_101 = %scan3A_96 to %scan3A_98 step %scan3A_99  : i32 {
          %mul3A_102 = arith.constant 16 : i32
          %mul3A_103 = arith.muli %scan3A_101, %mul3A_102 : i32
          %add3A_104 = vector.broadcast %mul3A_103 : i32 to vector<16xi32>
          %add3A_105 = arith.addi %add3A_104, %iota3A : vector<16xi32>
          %gather3A = tpu.vector_load_idx %arg12[%add3A_105, %broadcast_in_dim3A_2] : memref<128x16xf32, #tpu.memory_space<vmem>>[vector<16xi32>, vector<16xi32>], vector<16xf32>,
          %add3A_106 = arith.constant 1 : i32
          %add3A_107 = vector.broadcast %add3A_106 : i32 to vector<16xi32>
          %add3A_108 = arith.addi %broadcast_in_dim3A_2, %add3A_107 : vector<16xi32>
          %gather3A_109 = tpu.vector_load_idx %arg13[%add3A_105, %add3A_108] : memref<128x16xf32, #tpu.memory_space<vmem>>[vector<16xi32>, vector<16xi32>], vector<16xf32>,
          %add3A_110 = arith.addf %gather3A, %gather3A_109 : vector<16xf32>
          %mul3A_111 = arith.constant 2.000000e-01 : f32
          %mul3A_112 = vector.broadcast %mul3A_111 : f32 to vector<16xf32>
          %mul3A_113 = arith.mulf %add3A_110, %mul3A_112 : vector<16xf32>
          %max3A = arith.maximumf %add3A_110, %mul3A_113 : vector<16xf32>
          %exp3A = math.exp %max3A : vector<16xf32>
          tpu.vector_store_idx %arg15[%add3A_105, %broadcast_in_dim3A_2], %exp3A : memref<128x16xf32, #tpu.memory_space<vmem>>[vector<16xi32>, vector<16xi32>], vector<16xf32>,
        }
        %scan3A_100 = arith.constant 8 : i32
        "tpu.region"() ({
          %run_scoped3A = tpu.sem_alloc : memref<!tpu.dma_semaphore, #tpu.memory_space<semaphore_mem>>
          %dma_start3A_101 = arith.constant 0 : i32
          %dma_start3A_102 = arith.constant 0 : i32
          %dma_start3A_103 = tpu.memref_slice %arg8[%dma_start3A_101, %dma_start3A_102] : memref<100000x16xf32, #tpu.memory_space<vmem_shared>> -> memref<100000x16xf32, #tpu.memory_space<vmem_shared>>
          tpu.enqueue_indirect_dma source(%arg15 : memref<128x16xf32, #tpu.memory_space<vmem>>) target(%dma_start3A_103 : memref<100000x16xf32, #tpu.memory_space<vmem_shared>>) offsets(%arg10 : memref<128xi32, #tpu.memory_space<vmem>>) semaphore(%run_scoped3A : memref<!tpu.dma_semaphore, #tpu.memory_space<semaphore_mem>>) {add = true}
          %dma_wait3A_104 = arith.constant 0 : i32
          %dma_wait3A_105 = arith.constant 0 : i32
          %dma_wait3A_106 = tpu.memref_slice %arg8[%dma_wait3A_104, %dma_wait3A_105] : memref<100000x16xf32, #tpu.memory_space<vmem_shared>> -> memref<100000x16xf32, #tpu.memory_space<vmem_shared>>
          tpu.wait_indirect_dma semaphore(%run_scoped3A : memref<!tpu.dma_semaphore, #tpu.memory_space<semaphore_mem>>) src(%arg15 : memref<128x16xf32, #tpu.memory_space<vmem>>) dst(%dma_wait3A_106 : memref<100000x16xf32, #tpu.memory_space<vmem_shared>>)
          tpu.yield
        }) : () -> ()
      } else {
      }
    }
    %scan3A_26 = arith.constant 391 : i32
    %barrier3A_27 = arith.constant 0 : index
    tpu.barrier barrier_id(%barrier3A_27)
    %scan3A_28 = arith.constant 0 : i32
    %scan3A_29 = arith.constant 0 : i32
    %scan3A_30 = arith.constant 32 : i32
    %scan3A_31 = arith.addi %scan3A_29, %scan3A_30 : i32
    %scan3A_32 = arith.constant 1 : i32
    scf.for %scan3A_67 = %scan3A_29 to %scan3A_31 step %scan3A_32  : i32 {
      %mul3A_68 = arith.constant 16 : i32
      %mul3A_69 = arith.muli %scan3A_67, %mul3A_68 : i32
      %add3A = arith.addi %arg1, %mul3A_69 : i32
      %lt3A = arith.constant 500 : i32
      %lt3A_70 = arith.cmpi slt, %add3A, %lt3A : i32
      %convert_element_type3A = arith.extui %lt3A_70 : i1 to i32
      %cond3A = arith.constant 0 : i32
      %cond3A_71 = arith.cmpi ne, %convert_element_type3A, %cond3A : i32
      scf.if %cond3A_71 {
        %mul3A_72 = arith.constant 200 : i32
        %mul3A_73 = arith.muli %add3A, %mul3A_72 : i32
        "tpu.region"() ({
          %run_scoped3A = tpu.sem_alloc : memref<!tpu.dma_semaphore, #tpu.memory_space<semaphore_mem>>
          %dma_start3A = arith.constant 0 : i32
          %dma_start3A_79 = tpu.memref_slice %arg8[%mul3A_73, %dma_start3A] : memref<100000x16xf32, #tpu.memory_space<vmem_shared>> -> memref<200x16xf32, #tpu.memory_space<vmem_shared>>
          %dma_start3A_80 = arith.constant 0 : i32
          %dma_start3A_81 = tpu.memref_slice %arg8[%mul3A_73, %dma_start3A_80] : memref<100000x16xf32, #tpu.memory_space<vmem_shared>> -> memref<200x16xf32, #tpu.memory_space<vmem_shared>>
          tpu.enqueue_dma source(%dma_start3A_81 : memref<200x16xf32, #tpu.memory_space<vmem_shared>>) target(%arg16 : memref<200x16xf32, #tpu.memory_space<vmem>>) target_semaphore(%run_scoped3A : memref<!tpu.dma_semaphore, #tpu.memory_space<semaphore_mem>>)
          %dma_wait3A = arith.constant 0 : i32
          %dma_wait3A_82 = tpu.memref_slice %arg8[%mul3A_73, %dma_wait3A] : memref<100000x16xf32, #tpu.memory_space<vmem_shared>> -> memref<200x16xf32, #tpu.memory_space<vmem_shared>>
          %dma_wait3A_83 = arith.constant 0 : i32
          %dma_wait3A_84 = tpu.memref_slice %arg8[%mul3A_73, %dma_wait3A_83] : memref<100000x16xf32, #tpu.memory_space<vmem_shared>> -> memref<200x16xf32, #tpu.memory_space<vmem_shared>>
          tpu.wait_dma2 semaphore(%run_scoped3A : memref<!tpu.dma_semaphore, #tpu.memory_space<semaphore_mem>>) src(%dma_wait3A_84 : memref<200x16xf32, #tpu.memory_space<vmem_shared>>) dst(%arg16 : memref<200x16xf32, #tpu.memory_space<vmem>>)
          tpu.yield
        }) : () -> ()
        %mul3A_74 = arith.constant 100000 : i32
        %mul3A_75 = arith.muli %arg0, %mul3A_74 : i32
        %mul3A_76 = arith.constant 200 : i32
        %mul3A_77 = arith.muli %add3A, %mul3A_76 : i32
        %add3A_78 = arith.addi %mul3A_75, %mul3A_77 : i32
        "tpu.region"() ({
          %run_scoped3A = tpu.sem_alloc : memref<!tpu.dma_semaphore, #tpu.memory_space<semaphore_mem>>
          %dma_start3A = arith.constant 0 : i32
          %dma_start3A_79 = tpu.memref_slice %arg7[%add3A_78, %dma_start3A] : memref<200000x16xf32, #tpu.memory_space<hbm>> -> memref<200x16xf32, #tpu.memory_space<hbm>>
          %dma_start3A_80 = arith.constant 0 : i32
          %dma_start3A_81 = tpu.memref_slice %arg7[%add3A_78, %dma_start3A_80] : memref<200000x16xf32, #tpu.memory_space<hbm>> -> memref<200x16xf32, #tpu.memory_space<hbm>>
          tpu.enqueue_dma source(%arg16 : memref<200x16xf32, #tpu.memory_space<vmem>>) target(%dma_start3A_81 : memref<200x16xf32, #tpu.memory_space<hbm>>) target_semaphore(%run_scoped3A : memref<!tpu.dma_semaphore, #tpu.memory_space<semaphore_mem>>)
          %dma_wait3A = arith.constant 0 : i32
          %dma_wait3A_82 = tpu.memref_slice %arg7[%add3A_78, %dma_wait3A] : memref<200000x16xf32, #tpu.memory_space<hbm>> -> memref<200x16xf32, #tpu.memory_space<hbm>>
          %dma_wait3A_83 = arith.constant 0 : i32
          %dma_wait3A_84 = tpu.memref_slice %arg7[%add3A_78, %dma_wait3A_83] : memref<200000x16xf32, #tpu.memory_space<hbm>> -> memref<200x16xf32, #tpu.memory_space<hbm>>
          tpu.wait_dma2 semaphore(%run_scoped3A : memref<!tpu.dma_semaphore, #tpu.memory_space<semaphore_mem>>) src(%arg16 : memref<200x16xf32, #tpu.memory_space<vmem>>) dst(%dma_wait3A_84 : memref<200x16xf32, #tpu.memory_space<hbm>>)
          tpu.yield
        }) : () -> ()
      } else {
      }
    }
    %scan3A_33 = arith.constant 32 : i32
    %scan3A_34 = arith.constant 0 : i32
    %scan3A_35 = arith.constant 0 : i32
    %scan3A_36 = arith.constant 200 : i32
    %scan3A_37 = arith.addi %scan3A_35, %scan3A_36 : i32
    %scan3A_38 = arith.constant 1 : i32
    scf.for %scan3A_67 = %scan3A_35 to %scan3A_37 step %scan3A_38  : i32 {
      %swap3A = arith.index_cast %scan3A_67 : i32 to index
      %swap3A_68 = arith.constant 0 : index
      %swap3A_69 = tpu.vector_load %arg16[%swap3A, %swap3A_68] {strides = array<i32>} : memref<200x16xf32, #tpu.memory_space<vmem>>, vector<16xf32>,
      tpu.vector_store %arg16[%swap3A, %swap3A_68], %broadcast_in_dim3A_0 {strides = array<i32>} : memref<200x16xf32, #tpu.memory_space<vmem>>, vector<16xf32>,
    }
    %scan3A_39 = arith.constant 200 : i32
    %barrier3A_40 = arith.constant 0 : index
    tpu.barrier barrier_id(%barrier3A_40)
    %scan3A_41 = arith.constant 0 : i32
    %scan3A_42 = arith.constant 0 : i32
    %scan3A_43 = arith.constant 32 : i32
    %scan3A_44 = arith.addi %scan3A_42, %scan3A_43 : i32
    %scan3A_45 = arith.constant 1 : i32
    scf.for %scan3A_67 = %scan3A_42 to %scan3A_44 step %scan3A_45  : i32 {
      %mul3A_68 = arith.constant 16 : i32
      %mul3A_69 = arith.muli %scan3A_67, %mul3A_68 : i32
      %add3A = arith.addi %arg1, %mul3A_69 : i32
      %lt3A = arith.constant 500 : i32
      %lt3A_70 = arith.cmpi slt, %add3A, %lt3A : i32
      %convert_element_type3A = arith.extui %lt3A_70 : i1 to i32
      %cond3A = arith.constant 0 : i32
      %cond3A_71 = arith.cmpi ne, %convert_element_type3A, %cond3A : i32
      scf.if %cond3A_71 {
        %mul3A_72 = arith.constant 200 : i32
        %mul3A_73 = arith.muli %add3A, %mul3A_72 : i32
        "tpu.region"() ({
          %run_scoped3A = tpu.sem_alloc : memref<!tpu.dma_semaphore, #tpu.memory_space<semaphore_mem>>
          %dma_start3A = arith.constant 0 : i32
          %dma_start3A_74 = tpu.memref_slice %arg8[%mul3A_73, %dma_start3A] : memref<100000x16xf32, #tpu.memory_space<vmem_shared>> -> memref<200x16xf32, #tpu.memory_space<vmem_shared>>
          %dma_start3A_75 = arith.constant 0 : i32
          %dma_start3A_76 = tpu.memref_slice %arg8[%mul3A_73, %dma_start3A_75] : memref<100000x16xf32, #tpu.memory_space<vmem_shared>> -> memref<200x16xf32, #tpu.memory_space<vmem_shared>>
          tpu.enqueue_dma source(%arg16 : memref<200x16xf32, #tpu.memory_space<vmem>>) target(%dma_start3A_76 : memref<200x16xf32, #tpu.memory_space<vmem_shared>>) target_semaphore(%run_scoped3A : memref<!tpu.dma_semaphore, #tpu.memory_space<semaphore_mem>>)
          %dma_wait3A = arith.constant 0 : i32
          %dma_wait3A_77 = tpu.memref_slice %arg8[%mul3A_73, %dma_wait3A] : memref<100000x16xf32, #tpu.memory_space<vmem_shared>> -> memref<200x16xf32, #tpu.memory_space<vmem_shared>>
          %dma_wait3A_78 = arith.constant 0 : i32
          %dma_wait3A_79 = tpu.memref_slice %arg8[%mul3A_73, %dma_wait3A_78] : memref<100000x16xf32, #tpu.memory_space<vmem_shared>> -> memref<200x16xf32, #tpu.memory_space<vmem_shared>>
          tpu.wait_dma2 semaphore(%run_scoped3A : memref<!tpu.dma_semaphore, #tpu.memory_space<semaphore_mem>>) src(%arg16 : memref<200x16xf32, #tpu.memory_space<vmem>>) dst(%dma_wait3A_79 : memref<200x16xf32, #tpu.memory_space<vmem_shared>>)
          tpu.yield
        }) : () -> ()
      } else {
      }
    }
    %scan3A_46 = arith.constant 32 : i32
    %barrier3A_47 = arith.constant 0 : index
    tpu.barrier barrier_id(%barrier3A_47)
    %scan3A_48 = arith.constant 0 : i32
    %scan3A_49 = arith.constant 0 : i32
    %scan3A_50 = arith.constant 391 : i32
    %scan3A_51 = arith.addi %scan3A_49, %scan3A_50 : i32
    %scan3A_52 = arith.constant 1 : i32
    scf.for %scan3A_67 = %scan3A_49 to %scan3A_51 step %scan3A_52  : i32 {
      %mul3A_68 = arith.constant 16 : i32
      %mul3A_69 = arith.muli %scan3A_67, %mul3A_68 : i32
      %add3A = arith.addi %arg1, %mul3A_69 : i32
      %lt3A = arith.constant 6250 : i32
      %lt3A_70 = arith.cmpi slt, %add3A, %lt3A : i32
      %convert_element_type3A = arith.extui %lt3A_70 : i1 to i32
      %cond3A = arith.constant 0 : i32
      %cond3A_71 = arith.cmpi ne, %convert_element_type3A, %cond3A : i32
      scf.if %cond3A_71 {
        %mul3A_72 = arith.constant 6250 : i32
        %mul3A_73 = arith.muli %arg0, %mul3A_72 : i32
        %add3A_74 = arith.addi %mul3A_73, %add3A : i32
        %mul3A_75 = arith.constant 128 : i32
        %mul3A_76 = arith.muli %add3A_74, %mul3A_75 : i32
        %dma_start3A = tpu.memref_slice %arg2[%mul3A_76] : memref<1600000xi32, #tpu.memory_space<hbm>> -> memref<128xi32, #tpu.memory_space<hbm>>
        %dma_start3A_77 = tpu.memref_slice %arg2[%mul3A_76] : memref<1600000xi32, #tpu.memory_space<hbm>> -> memref<128xi32, #tpu.memory_space<hbm>>
        tpu.enqueue_dma source(%dma_start3A_77 : memref<128xi32, #tpu.memory_space<hbm>>) target(%arg9 : memref<128xi32, #tpu.memory_space<vmem>>) target_semaphore(%arg17 : memref<!tpu.dma_semaphore, #tpu.memory_space<semaphore_mem>>)
        %dma_start3A_78 = tpu.memref_slice %arg3[%mul3A_76] : memref<1600000xi32, #tpu.memory_space<hbm>> -> memref<128xi32, #tpu.memory_space<hbm>>
        %dma_start3A_79 = tpu.memref_slice %arg3[%mul3A_76] : memref<1600000xi32, #tpu.memory_space<hbm>> -> memref<128xi32, #tpu.memory_space<hbm>>
        tpu.enqueue_dma source(%dma_start3A_79 : memref<128xi32, #tpu.memory_space<hbm>>) target(%arg10 : memref<128xi32, #tpu.memory_space<vmem>>) target_semaphore(%arg17 : memref<!tpu.dma_semaphore, #tpu.memory_space<semaphore_mem>>)
        %dma_wait3A = tpu.memref_slice %arg2[%mul3A_76] : memref<1600000xi32, #tpu.memory_space<hbm>> -> memref<128xi32, #tpu.memory_space<hbm>>
        %dma_wait3A_80 = tpu.memref_slice %arg2[%mul3A_76] : memref<1600000xi32, #tpu.memory_space<hbm>> -> memref<128xi32, #tpu.memory_space<hbm>>
        tpu.wait_dma2 semaphore(%arg17 : memref<!tpu.dma_semaphore, #tpu.memory_space<semaphore_mem>>) src(%dma_wait3A_80 : memref<128xi32, #tpu.memory_space<hbm>>) dst(%arg9 : memref<128xi32, #tpu.memory_space<vmem>>)
        %dma_wait3A_81 = tpu.memref_slice %arg3[%mul3A_76] : memref<1600000xi32, #tpu.memory_space<hbm>> -> memref<128xi32, #tpu.memory_space<hbm>>
        %dma_wait3A_82 = tpu.memref_slice %arg3[%mul3A_76] : memref<1600000xi32, #tpu.memory_space<hbm>> -> memref<128xi32, #tpu.memory_space<hbm>>
        tpu.wait_dma2 semaphore(%arg17 : memref<!tpu.dma_semaphore, #tpu.memory_space<semaphore_mem>>) src(%dma_wait3A_82 : memref<128xi32, #tpu.memory_space<hbm>>) dst(%arg10 : memref<128xi32, #tpu.memory_space<vmem>>)
        %dma_start3A_83 = arith.constant 0 : i32
        %dma_start3A_84 = arith.constant 0 : i32
        %dma_start3A_85 = tpu.memref_slice %arg5[%dma_start3A_83, %dma_start3A_84] : memref<100000x16xf32, #tpu.memory_space<hbm>> -> memref<100000x16xf32, #tpu.memory_space<hbm>>
        tpu.enqueue_indirect_dma source(%dma_start3A_85 : memref<100000x16xf32, #tpu.memory_space<hbm>>) target(%arg12 : memref<128x16xf32, #tpu.memory_space<vmem>>) offsets(%arg9 : memref<128xi32, #tpu.memory_space<vmem>>) semaphore(%arg17 : memref<!tpu.dma_semaphore, #tpu.memory_space<semaphore_mem>>)
        %dma_start3A_86 = arith.constant 0 : i32
        %dma_start3A_87 = arith.constant 0 : i32
        %dma_start3A_88 = tpu.memref_slice %arg5[%dma_start3A_86, %dma_start3A_87] : memref<100000x16xf32, #tpu.memory_space<hbm>> -> memref<100000x16xf32, #tpu.memory_space<hbm>>
        tpu.enqueue_indirect_dma source(%dma_start3A_88 : memref<100000x16xf32, #tpu.memory_space<hbm>>) target(%arg13 : memref<128x16xf32, #tpu.memory_space<vmem>>) offsets(%arg10 : memref<128xi32, #tpu.memory_space<vmem>>) semaphore(%arg17 : memref<!tpu.dma_semaphore, #tpu.memory_space<semaphore_mem>>)
        %dma_start3A_89 = arith.constant 0 : i32
        %dma_start3A_90 = arith.constant 0 : i32
        %dma_start3A_91 = tpu.memref_slice %arg4[%dma_start3A_89, %dma_start3A_90] : memref<100000x16xf32, #tpu.memory_space<hbm>> -> memref<100000x16xf32, #tpu.memory_space<hbm>>
        tpu.enqueue_indirect_dma source(%dma_start3A_91 : memref<100000x16xf32, #tpu.memory_space<hbm>>) target(%arg14 : memref<128x16xf32, #tpu.memory_space<vmem>>) offsets(%arg9 : memref<128xi32, #tpu.memory_space<vmem>>) semaphore(%arg17 : memref<!tpu.dma_semaphore, #tpu.memory_space<semaphore_mem>>)
        %dma_wait3A_92 = arith.constant 0 : i32
        %dma_wait3A_93 = arith.constant 0 : i32
        %dma_wait3A_94 = tpu.memref_slice %arg5[%dma_wait3A_92, %dma_wait3A_93] : memref<100000x16xf32, #tpu.memory_space<hbm>> -> memref<100000x16xf32, #tpu.memory_space<hbm>>
        tpu.wait_indirect_dma semaphore(%arg17 : memref<!tpu.dma_semaphore, #tpu.memory_space<semaphore_mem>>) src(%dma_wait3A_94 : memref<100000x16xf32, #tpu.memory_space<hbm>>) dst(%arg12 : memref<128x16xf32, #tpu.memory_space<vmem>>)
        %dma_wait3A_95 = arith.constant 0 : i32
        %dma_wait3A_96 = arith.constant 0 : i32
        %dma_wait3A_97 = tpu.memref_slice %arg5[%dma_wait3A_95, %dma_wait3A_96] : memref<100000x16xf32, #tpu.memory_space<hbm>> -> memref<100000x16xf32, #tpu.memory_space<hbm>>
        tpu.wait_indirect_dma semaphore(%arg17 : memref<!tpu.dma_semaphore, #tpu.memory_space<semaphore_mem>>) src(%dma_wait3A_97 : memref<100000x16xf32, #tpu.memory_space<hbm>>) dst(%arg13 : memref<128x16xf32, #tpu.memory_space<vmem>>)
        %dma_wait3A_98 = arith.constant 0 : i32
        %dma_wait3A_99 = arith.constant 0 : i32
        %dma_wait3A_100 = tpu.memref_slice %arg4[%dma_wait3A_98, %dma_wait3A_99] : memref<100000x16xf32, #tpu.memory_space<hbm>> -> memref<100000x16xf32, #tpu.memory_space<hbm>>
        tpu.wait_indirect_dma semaphore(%arg17 : memref<!tpu.dma_semaphore, #tpu.memory_space<semaphore_mem>>) src(%dma_wait3A_100 : memref<100000x16xf32, #tpu.memory_space<hbm>>) dst(%arg14 : memref<128x16xf32, #tpu.memory_space<vmem>>)
        %scan3A_101 = arith.constant 0 : i32
        %scan3A_102 = arith.constant 0 : i32
        %scan3A_103 = arith.constant 8 : i32
        %scan3A_104 = arith.addi %scan3A_102, %scan3A_103 : i32
        %scan3A_105 = arith.constant 1 : i32
        scf.for %scan3A_107 = %scan3A_102 to %scan3A_104 step %scan3A_105  : i32 {
          %mul3A_108 = arith.constant 16 : i32
          %mul3A_109 = arith.muli %scan3A_107, %mul3A_108 : i32
          %add3A_110 = vector.broadcast %mul3A_109 : i32 to vector<16xi32>
          %add3A_111 = arith.addi %add3A_110, %iota3A : vector<16xi32>
          %gather3A = tpu.vector_load_idx %arg12[%add3A_111, %broadcast_in_dim3A_2] : memref<128x16xf32, #tpu.memory_space<vmem>>[vector<16xi32>, vector<16xi32>], vector<16xf32>,
          %add3A_112 = arith.constant 1 : i32
          %add3A_113 = vector.broadcast %add3A_112 : i32 to vector<16xi32>
          %add3A_114 = arith.addi %broadcast_in_dim3A_2, %add3A_113 : vector<16xi32>
          %gather3A_115 = tpu.vector_load_idx %arg13[%add3A_111, %add3A_114] : memref<128x16xf32, #tpu.memory_space<vmem>>[vector<16xi32>, vector<16xi32>], vector<16xf32>,
          %add3A_116 = arith.addf %gather3A, %gather3A_115 : vector<16xf32>
          %mul3A_117 = arith.constant 2.000000e-01 : f32
          %mul3A_118 = vector.broadcast %mul3A_117 : f32 to vector<16xf32>
          %mul3A_119 = arith.mulf %add3A_116, %mul3A_118 : vector<16xf32>
          %max3A = arith.maximumf %add3A_116, %mul3A_119 : vector<16xf32>
          %exp3A = math.exp %max3A : vector<16xf32>
          %add3A_120 = arith.constant 0 : i32
          %add3A_121 = vector.broadcast %add3A_120 : i32 to vector<16xi32>
          %add3A_122 = arith.addi %broadcast_in_dim3A_2, %add3A_121 : vector<16xi32>
          %gather3A_123 = tpu.vector_load_idx %arg14[%add3A_111, %add3A_122] : memref<128x16xf32, #tpu.memory_space<vmem>>[vector<16xi32>, vector<16xi32>], vector<16xf32>,
          %add3A_124 = arith.constant 0 : i32
          %add3A_125 = vector.broadcast %add3A_124 : i32 to vector<16xi32>
          %add3A_126 = arith.addi %broadcast_in_dim3A_2, %add3A_125 : vector<16xi32>
          %mul3A_127 = arith.mulf %gather3A_123, %exp3A : vector<16xf32>
          tpu.vector_store_idx %arg15[%add3A_111, %add3A_126], %mul3A_127 : memref<128x16xf32, #tpu.memory_space<vmem>>[vector<16xi32>, vector<16xi32>], vector<16xf32>,
          %add3A_128 = arith.constant 1 : i32
          %add3A_129 = vector.broadcast %add3A_128 : i32 to vector<16xi32>
          %add3A_130 = arith.addi %broadcast_in_dim3A_2, %add3A_129 : vector<16xi32>
          %gather3A_131 = tpu.vector_load_idx %arg14[%add3A_111, %add3A_130] : memref<128x16xf32, #tpu.memory_space<vmem>>[vector<16xi32>, vector<16xi32>], vector<16xf32>,
          %add3A_132 = arith.constant 1 : i32
          %add3A_133 = vector.broadcast %add3A_132 : i32 to vector<16xi32>
          %add3A_134 = arith.addi %broadcast_in_dim3A_2, %add3A_133 : vector<16xi32>
          %mul3A_135 = arith.mulf %gather3A_131, %exp3A : vector<16xf32>
          tpu.vector_store_idx %arg15[%add3A_111, %add3A_134], %mul3A_135 : memref<128x16xf32, #tpu.memory_space<vmem>>[vector<16xi32>, vector<16xi32>], vector<16xf32>,
          %add3A_136 = arith.constant 2 : i32
          %add3A_137 = vector.broadcast %add3A_136 : i32 to vector<16xi32>
          %add3A_138 = arith.addi %broadcast_in_dim3A_2, %add3A_137 : vector<16xi32>
          %gather3A_139 = tpu.vector_load_idx %arg14[%add3A_111, %add3A_138] : memref<128x16xf32, #tpu.memory_space<vmem>>[vector<16xi32>, vector<16xi32>], vector<16xf32>,
          %add3A_140 = arith.constant 2 : i32
          %add3A_141 = vector.broadcast %add3A_140 : i32 to vector<16xi32>
          %add3A_142 = arith.addi %broadcast_in_dim3A_2, %add3A_141 : vector<16xi32>
          %mul3A_143 = arith.mulf %gather3A_139, %exp3A : vector<16xf32>
          tpu.vector_store_idx %arg15[%add3A_111, %add3A_142], %mul3A_143 : memref<128x16xf32, #tpu.memory_space<vmem>>[vector<16xi32>, vector<16xi32>], vector<16xf32>,
          %add3A_144 = arith.constant 3 : i32
          %add3A_145 = vector.broadcast %add3A_144 : i32 to vector<16xi32>
          %add3A_146 = arith.addi %broadcast_in_dim3A_2, %add3A_145 : vector<16xi32>
          %gather3A_147 = tpu.vector_load_idx %arg14[%add3A_111, %add3A_146] : memref<128x16xf32, #tpu.memory_space<vmem>>[vector<16xi32>, vector<16xi32>], vector<16xf32>,
          %add3A_148 = arith.constant 3 : i32
          %add3A_149 = vector.broadcast %add3A_148 : i32 to vector<16xi32>
          %add3A_150 = arith.addi %broadcast_in_dim3A_2, %add3A_149 : vector<16xi32>
          %mul3A_151 = arith.mulf %gather3A_147, %exp3A : vector<16xf32>
          tpu.vector_store_idx %arg15[%add3A_111, %add3A_150], %mul3A_151 : memref<128x16xf32, #tpu.memory_space<vmem>>[vector<16xi32>, vector<16xi32>], vector<16xf32>,
          %add3A_152 = arith.constant 4 : i32
          %add3A_153 = vector.broadcast %add3A_152 : i32 to vector<16xi32>
          %add3A_154 = arith.addi %broadcast_in_dim3A_2, %add3A_153 : vector<16xi32>
          %gather3A_155 = tpu.vector_load_idx %arg14[%add3A_111, %add3A_154] : memref<128x16xf32, #tpu.memory_space<vmem>>[vector<16xi32>, vector<16xi32>], vector<16xf32>,
          %add3A_156 = arith.constant 4 : i32
          %add3A_157 = vector.broadcast %add3A_156 : i32 to vector<16xi32>
          %add3A_158 = arith.addi %broadcast_in_dim3A_2, %add3A_157 : vector<16xi32>
          %mul3A_159 = arith.mulf %gather3A_155, %exp3A : vector<16xf32>
          tpu.vector_store_idx %arg15[%add3A_111, %add3A_158], %mul3A_159 : memref<128x16xf32, #tpu.memory_space<vmem>>[vector<16xi32>, vector<16xi32>], vector<16xf32>,
          %add3A_160 = arith.constant 5 : i32
          %add3A_161 = vector.broadcast %add3A_160 : i32 to vector<16xi32>
          %add3A_162 = arith.addi %broadcast_in_dim3A_2, %add3A_161 : vector<16xi32>
          %gather3A_163 = tpu.vector_load_idx %arg14[%add3A_111, %add3A_162] : memref<128x16xf32, #tpu.memory_space<vmem>>[vector<16xi32>, vector<16xi32>], vector<16xf32>,
          %add3A_164 = arith.constant 5 : i32
          %add3A_165 = vector.broadcast %add3A_164 : i32 to vector<16xi32>
          %add3A_166 = arith.addi %broadcast_in_dim3A_2, %add3A_165 : vector<16xi32>
          %mul3A_167 = arith.mulf %gather3A_163, %exp3A : vector<16xf32>
          tpu.vector_store_idx %arg15[%add3A_111, %add3A_166], %mul3A_167 : memref<128x16xf32, #tpu.memory_space<vmem>>[vector<16xi32>, vector<16xi32>], vector<16xf32>,
          %add3A_168 = arith.constant 6 : i32
          %add3A_169 = vector.broadcast %add3A_168 : i32 to vector<16xi32>
          %add3A_170 = arith.addi %broadcast_in_dim3A_2, %add3A_169 : vector<16xi32>
          %gather3A_171 = tpu.vector_load_idx %arg14[%add3A_111, %add3A_170] : memref<128x16xf32, #tpu.memory_space<vmem>>[vector<16xi32>, vector<16xi32>], vector<16xf32>,
          %add3A_172 = arith.constant 6 : i32
          %add3A_173 = vector.broadcast %add3A_172 : i32 to vector<16xi32>
          %add3A_174 = arith.addi %broadcast_in_dim3A_2, %add3A_173 : vector<16xi32>
          %mul3A_175 = arith.mulf %gather3A_171, %exp3A : vector<16xf32>
          tpu.vector_store_idx %arg15[%add3A_111, %add3A_174], %mul3A_175 : memref<128x16xf32, #tpu.memory_space<vmem>>[vector<16xi32>, vector<16xi32>], vector<16xf32>,
          %add3A_176 = arith.constant 7 : i32
          %add3A_177 = vector.broadcast %add3A_176 : i32 to vector<16xi32>
          %add3A_178 = arith.addi %broadcast_in_dim3A_2, %add3A_177 : vector<16xi32>
          %gather3A_179 = tpu.vector_load_idx %arg14[%add3A_111, %add3A_178] : memref<128x16xf32, #tpu.memory_space<vmem>>[vector<16xi32>, vector<16xi32>], vector<16xf32>,
          %add3A_180 = arith.constant 7 : i32
          %add3A_181 = vector.broadcast %add3A_180 : i32 to vector<16xi32>
          %add3A_182 = arith.addi %broadcast_in_dim3A_2, %add3A_181 : vector<16xi32>
          %mul3A_183 = arith.mulf %gather3A_179, %exp3A : vector<16xf32>
          tpu.vector_store_idx %arg15[%add3A_111, %add3A_182], %mul3A_183 : memref<128x16xf32, #tpu.memory_space<vmem>>[vector<16xi32>, vector<16xi32>], vector<16xf32>,
          %add3A_184 = arith.constant 8 : i32
          %add3A_185 = vector.broadcast %add3A_184 : i32 to vector<16xi32>
          %add3A_186 = arith.addi %broadcast_in_dim3A_2, %add3A_185 : vector<16xi32>
          %gather3A_187 = tpu.vector_load_idx %arg14[%add3A_111, %add3A_186] : memref<128x16xf32, #tpu.memory_space<vmem>>[vector<16xi32>, vector<16xi32>], vector<16xf32>,
          %add3A_188 = arith.constant 8 : i32
          %add3A_189 = vector.broadcast %add3A_188 : i32 to vector<16xi32>
          %add3A_190 = arith.addi %broadcast_in_dim3A_2, %add3A_189 : vector<16xi32>
          %mul3A_191 = arith.mulf %gather3A_187, %exp3A : vector<16xf32>
          tpu.vector_store_idx %arg15[%add3A_111, %add3A_190], %mul3A_191 : memref<128x16xf32, #tpu.memory_space<vmem>>[vector<16xi32>, vector<16xi32>], vector<16xf32>,
          %add3A_192 = arith.constant 9 : i32
          %add3A_193 = vector.broadcast %add3A_192 : i32 to vector<16xi32>
          %add3A_194 = arith.addi %broadcast_in_dim3A_2, %add3A_193 : vector<16xi32>
          %gather3A_195 = tpu.vector_load_idx %arg14[%add3A_111, %add3A_194] : memref<128x16xf32, #tpu.memory_space<vmem>>[vector<16xi32>, vector<16xi32>], vector<16xf32>,
          %add3A_196 = arith.constant 9 : i32
          %add3A_197 = vector.broadcast %add3A_196 : i32 to vector<16xi32>
          %add3A_198 = arith.addi %broadcast_in_dim3A_2, %add3A_197 : vector<16xi32>
          %mul3A_199 = arith.mulf %gather3A_195, %exp3A : vector<16xf32>
          tpu.vector_store_idx %arg15[%add3A_111, %add3A_198], %mul3A_199 : memref<128x16xf32, #tpu.memory_space<vmem>>[vector<16xi32>, vector<16xi32>], vector<16xf32>,
          %add3A_200 = arith.constant 10 : i32
          %add3A_201 = vector.broadcast %add3A_200 : i32 to vector<16xi32>
          %add3A_202 = arith.addi %broadcast_in_dim3A_2, %add3A_201 : vector<16xi32>
          %gather3A_203 = tpu.vector_load_idx %arg14[%add3A_111, %add3A_202] : memref<128x16xf32, #tpu.memory_space<vmem>>[vector<16xi32>, vector<16xi32>], vector<16xf32>,
          %add3A_204 = arith.constant 10 : i32
          %add3A_205 = vector.broadcast %add3A_204 : i32 to vector<16xi32>
          %add3A_206 = arith.addi %broadcast_in_dim3A_2, %add3A_205 : vector<16xi32>
          %mul3A_207 = arith.mulf %gather3A_203, %exp3A : vector<16xf32>
          tpu.vector_store_idx %arg15[%add3A_111, %add3A_206], %mul3A_207 : memref<128x16xf32, #tpu.memory_space<vmem>>[vector<16xi32>, vector<16xi32>], vector<16xf32>,
          %add3A_208 = arith.constant 11 : i32
          %add3A_209 = vector.broadcast %add3A_208 : i32 to vector<16xi32>
          %add3A_210 = arith.addi %broadcast_in_dim3A_2, %add3A_209 : vector<16xi32>
          %gather3A_211 = tpu.vector_load_idx %arg14[%add3A_111, %add3A_210] : memref<128x16xf32, #tpu.memory_space<vmem>>[vector<16xi32>, vector<16xi32>], vector<16xf32>,
          %add3A_212 = arith.constant 11 : i32
          %add3A_213 = vector.broadcast %add3A_212 : i32 to vector<16xi32>
          %add3A_214 = arith.addi %broadcast_in_dim3A_2, %add3A_213 : vector<16xi32>
          %mul3A_215 = arith.mulf %gather3A_211, %exp3A : vector<16xf32>
          tpu.vector_store_idx %arg15[%add3A_111, %add3A_214], %mul3A_215 : memref<128x16xf32, #tpu.memory_space<vmem>>[vector<16xi32>, vector<16xi32>], vector<16xf32>,
          %add3A_216 = arith.constant 12 : i32
          %add3A_217 = vector.broadcast %add3A_216 : i32 to vector<16xi32>
          %add3A_218 = arith.addi %broadcast_in_dim3A_2, %add3A_217 : vector<16xi32>
          %gather3A_219 = tpu.vector_load_idx %arg14[%add3A_111, %add3A_218] : memref<128x16xf32, #tpu.memory_space<vmem>>[vector<16xi32>, vector<16xi32>], vector<16xf32>,
          %add3A_220 = arith.constant 12 : i32
          %add3A_221 = vector.broadcast %add3A_220 : i32 to vector<16xi32>
          %add3A_222 = arith.addi %broadcast_in_dim3A_2, %add3A_221 : vector<16xi32>
          %mul3A_223 = arith.mulf %gather3A_219, %exp3A : vector<16xf32>
          tpu.vector_store_idx %arg15[%add3A_111, %add3A_222], %mul3A_223 : memref<128x16xf32, #tpu.memory_space<vmem>>[vector<16xi32>, vector<16xi32>], vector<16xf32>,
          %add3A_224 = arith.constant 13 : i32
          %add3A_225 = vector.broadcast %add3A_224 : i32 to vector<16xi32>
          %add3A_226 = arith.addi %broadcast_in_dim3A_2, %add3A_225 : vector<16xi32>
          %gather3A_227 = tpu.vector_load_idx %arg14[%add3A_111, %add3A_226] : memref<128x16xf32, #tpu.memory_space<vmem>>[vector<16xi32>, vector<16xi32>], vector<16xf32>,
          %add3A_228 = arith.constant 13 : i32
          %add3A_229 = vector.broadcast %add3A_228 : i32 to vector<16xi32>
          %add3A_230 = arith.addi %broadcast_in_dim3A_2, %add3A_229 : vector<16xi32>
          %mul3A_231 = arith.mulf %gather3A_227, %exp3A : vector<16xf32>
          tpu.vector_store_idx %arg15[%add3A_111, %add3A_230], %mul3A_231 : memref<128x16xf32, #tpu.memory_space<vmem>>[vector<16xi32>, vector<16xi32>], vector<16xf32>,
          %add3A_232 = arith.constant 14 : i32
          %add3A_233 = vector.broadcast %add3A_232 : i32 to vector<16xi32>
          %add3A_234 = arith.addi %broadcast_in_dim3A_2, %add3A_233 : vector<16xi32>
          %gather3A_235 = tpu.vector_load_idx %arg14[%add3A_111, %add3A_234] : memref<128x16xf32, #tpu.memory_space<vmem>>[vector<16xi32>, vector<16xi32>], vector<16xf32>,
          %add3A_236 = arith.constant 14 : i32
          %add3A_237 = vector.broadcast %add3A_236 : i32 to vector<16xi32>
          %add3A_238 = arith.addi %broadcast_in_dim3A_2, %add3A_237 : vector<16xi32>
          %mul3A_239 = arith.mulf %gather3A_235, %exp3A : vector<16xf32>
          tpu.vector_store_idx %arg15[%add3A_111, %add3A_238], %mul3A_239 : memref<128x16xf32, #tpu.memory_space<vmem>>[vector<16xi32>, vector<16xi32>], vector<16xf32>,
          %add3A_240 = arith.constant 15 : i32
          %add3A_241 = vector.broadcast %add3A_240 : i32 to vector<16xi32>
          %add3A_242 = arith.addi %broadcast_in_dim3A_2, %add3A_241 : vector<16xi32>
          %gather3A_243 = tpu.vector_load_idx %arg14[%add3A_111, %add3A_242] : memref<128x16xf32, #tpu.memory_space<vmem>>[vector<16xi32>, vector<16xi32>], vector<16xf32>,
          %add3A_244 = arith.constant 15 : i32
          %add3A_245 = vector.broadcast %add3A_244 : i32 to vector<16xi32>
          %add3A_246 = arith.addi %broadcast_in_dim3A_2, %add3A_245 : vector<16xi32>
          %mul3A_247 = arith.mulf %gather3A_243, %exp3A : vector<16xf32>
          tpu.vector_store_idx %arg15[%add3A_111, %add3A_246], %mul3A_247 : memref<128x16xf32, #tpu.memory_space<vmem>>[vector<16xi32>, vector<16xi32>], vector<16xf32>,
        }
        %scan3A_106 = arith.constant 8 : i32
        "tpu.region"() ({
          %run_scoped3A = tpu.sem_alloc : memref<!tpu.dma_semaphore, #tpu.memory_space<semaphore_mem>>
          %dma_start3A_107 = arith.constant 0 : i32
          %dma_start3A_108 = arith.constant 0 : i32
          %dma_start3A_109 = tpu.memref_slice %arg8[%dma_start3A_107, %dma_start3A_108] : memref<100000x16xf32, #tpu.memory_space<vmem_shared>> -> memref<100000x16xf32, #tpu.memory_space<vmem_shared>>
          tpu.enqueue_indirect_dma source(%arg15 : memref<128x16xf32, #tpu.memory_space<vmem>>) target(%dma_start3A_109 : memref<100000x16xf32, #tpu.memory_space<vmem_shared>>) offsets(%arg10 : memref<128xi32, #tpu.memory_space<vmem>>) semaphore(%run_scoped3A : memref<!tpu.dma_semaphore, #tpu.memory_space<semaphore_mem>>) {add = true}
          %dma_wait3A_110 = arith.constant 0 : i32
          %dma_wait3A_111 = arith.constant 0 : i32
          %dma_wait3A_112 = tpu.memref_slice %arg8[%dma_wait3A_110, %dma_wait3A_111] : memref<100000x16xf32, #tpu.memory_space<vmem_shared>> -> memref<100000x16xf32, #tpu.memory_space<vmem_shared>>
          tpu.wait_indirect_dma semaphore(%run_scoped3A : memref<!tpu.dma_semaphore, #tpu.memory_space<semaphore_mem>>) src(%arg15 : memref<128x16xf32, #tpu.memory_space<vmem>>) dst(%dma_wait3A_112 : memref<100000x16xf32, #tpu.memory_space<vmem_shared>>)
          tpu.yield
        }) : () -> ()
      } else {
      }
    }
    %scan3A_53 = arith.constant 391 : i32
    %barrier3A_54 = arith.constant 0 : index
    tpu.barrier barrier_id(%barrier3A_54)
    %scan3A_55 = arith.constant 0 : i32
    %scan3A_56 = arith.constant 0 : i32
    %scan3A_57 = arith.constant 32 : i32
    %scan3A_58 = arith.addi %scan3A_56, %scan3A_57 : i32
    %scan3A_59 = arith.constant 1 : i32
    scf.for %scan3A_67 = %scan3A_56 to %scan3A_58 step %scan3A_59  : i32 {
      %mul3A_68 = arith.constant 16 : i32
      %mul3A_69 = arith.muli %scan3A_67, %mul3A_68 : i32
      %add3A = arith.addi %arg1, %mul3A_69 : i32
      %lt3A = arith.constant 500 : i32
      %lt3A_70 = arith.cmpi slt, %add3A, %lt3A : i32
      %convert_element_type3A = arith.extui %lt3A_70 : i1 to i32
      %cond3A = arith.constant 0 : i32
      %cond3A_71 = arith.cmpi ne, %convert_element_type3A, %cond3A : i32
      scf.if %cond3A_71 {
        %mul3A_72 = arith.constant 200 : i32
        %mul3A_73 = arith.muli %add3A, %mul3A_72 : i32
        "tpu.region"() ({
          %run_scoped3A = tpu.sem_alloc : memref<!tpu.dma_semaphore, #tpu.memory_space<semaphore_mem>>
          %dma_start3A = arith.constant 0 : i32
          %dma_start3A_79 = tpu.memref_slice %arg8[%mul3A_73, %dma_start3A] : memref<100000x16xf32, #tpu.memory_space<vmem_shared>> -> memref<200x16xf32, #tpu.memory_space<vmem_shared>>
          %dma_start3A_80 = arith.constant 0 : i32
          %dma_start3A_81 = tpu.memref_slice %arg8[%mul3A_73, %dma_start3A_80] : memref<100000x16xf32, #tpu.memory_space<vmem_shared>> -> memref<200x16xf32, #tpu.memory_space<vmem_shared>>
          tpu.enqueue_dma source(%dma_start3A_81 : memref<200x16xf32, #tpu.memory_space<vmem_shared>>) target(%arg16 : memref<200x16xf32, #tpu.memory_space<vmem>>) target_semaphore(%run_scoped3A : memref<!tpu.dma_semaphore, #tpu.memory_space<semaphore_mem>>)
          %dma_wait3A = arith.constant 0 : i32
          %dma_wait3A_82 = tpu.memref_slice %arg8[%mul3A_73, %dma_wait3A] : memref<100000x16xf32, #tpu.memory_space<vmem_shared>> -> memref<200x16xf32, #tpu.memory_space<vmem_shared>>
          %dma_wait3A_83 = arith.constant 0 : i32
          %dma_wait3A_84 = tpu.memref_slice %arg8[%mul3A_73, %dma_wait3A_83] : memref<100000x16xf32, #tpu.memory_space<vmem_shared>> -> memref<200x16xf32, #tpu.memory_space<vmem_shared>>
          tpu.wait_dma2 semaphore(%run_scoped3A : memref<!tpu.dma_semaphore, #tpu.memory_space<semaphore_mem>>) src(%dma_wait3A_84 : memref<200x16xf32, #tpu.memory_space<vmem_shared>>) dst(%arg16 : memref<200x16xf32, #tpu.memory_space<vmem>>)
          tpu.yield
        }) : () -> ()
        %mul3A_74 = arith.constant 100000 : i32
        %mul3A_75 = arith.muli %arg0, %mul3A_74 : i32
        %mul3A_76 = arith.constant 200 : i32
        %mul3A_77 = arith.muli %add3A, %mul3A_76 : i32
        %add3A_78 = arith.addi %mul3A_75, %mul3A_77 : i32
        "tpu.region"() ({
          %run_scoped3A = tpu.sem_alloc : memref<!tpu.dma_semaphore, #tpu.memory_space<semaphore_mem>>
          %dma_start3A = arith.constant 0 : i32
          %dma_start3A_79 = tpu.memref_slice %arg6[%add3A_78, %dma_start3A] : memref<200000x16xf32, #tpu.memory_space<hbm>> -> memref<200x16xf32, #tpu.memory_space<hbm>>
          %dma_start3A_80 = arith.constant 0 : i32
          %dma_start3A_81 = tpu.memref_slice %arg6[%add3A_78, %dma_start3A_80] : memref<200000x16xf32, #tpu.memory_space<hbm>> -> memref<200x16xf32, #tpu.memory_space<hbm>>
          tpu.enqueue_dma source(%arg16 : memref<200x16xf32, #tpu.memory_space<vmem>>) target(%dma_start3A_81 : memref<200x16xf32, #tpu.memory_space<hbm>>) target_semaphore(%run_scoped3A : memref<!tpu.dma_semaphore, #tpu.memory_space<semaphore_mem>>)
          %dma_wait3A = arith.constant 0 : i32
          %dma_wait3A_82 = tpu.memref_slice %arg6[%add3A_78, %dma_wait3A] : memref<200000x16xf32, #tpu.memory_space<hbm>> -> memref<200x16xf32, #tpu.memory_space<hbm>>
          %dma_wait3A_83 = arith.constant 0 : i32
          %dma_wait3A_84 = tpu.memref_slice %arg6[%add3A_78, %dma_wait3A_83] : memref<200000x16xf32, #tpu.memory_space<hbm>> -> memref<200x16xf32, #tpu.memory_space<hbm>>
          tpu.wait_dma2 semaphore(%run_scoped3A : memref<!tpu.dma_semaphore, #tpu.memory_space<semaphore_mem>>) src(%arg16 : memref<200x16xf32, #tpu.memory_space<vmem>>) dst(%dma_wait3A_84 : memref<200x16xf32, #tpu.memory_space<hbm>>)
          tpu.yield
        }) : () -> ()
      } else {
      }
    }
    %scan3A_60 = arith.constant 32 : i32
    %scan3A_61 = arith.constant 0 : i32
    %scan3A_62 = arith.constant 0 : i32
    %scan3A_63 = arith.constant 200 : i32
    %scan3A_64 = arith.addi %scan3A_62, %scan3A_63 : i32
    %scan3A_65 = arith.constant 1 : i32
    scf.for %scan3A_67 = %scan3A_62 to %scan3A_64 step %scan3A_65  : i32 {
      %swap3A = arith.index_cast %scan3A_67 : i32 to index
      %swap3A_68 = arith.constant 0 : index
      %swap3A_69 = tpu.vector_load %arg16[%swap3A, %swap3A_68] {strides = array<i32>} : memref<200x16xf32, #tpu.memory_space<vmem>>, vector<16xf32>,
      tpu.vector_store %arg16[%swap3A, %swap3A_68], %broadcast_in_dim3A_0 {strides = array<i32>} : memref<200x16xf32, #tpu.memory_space<vmem>>, vector<16xf32>,
    }
    %scan3A_66 = arith.constant 200 : i32
    return
  }
}

#map = affine_map<(d0, d1) -> (0)>
#map1 = affine_map<(d0, d1) -> (0, 0)>
module attributes {stable_mosaic.version = 14 : i64} {
  func.func @k(%arg0: i32, %arg1: i32, %arg2: memref<1600000xi32, #tpu.memory_space<hbm>>, %arg3: memref<1600000xi32, #tpu.memory_space<hbm>>, %arg4: memref<200000x16xf32, #tpu.memory_space<hbm>>, %arg5: memref<100000x16xf32, #tpu.memory_space<hbm>>, %arg6: memref<200000x16xf32, #tpu.memory_space<hbm>>, %arg7: memref<200000x16xf32, #tpu.memory_space<hbm>>, %arg8: memref<100000x16xf32, #tpu.memory_space<vmem_shared>>, %arg9: memref<128xi32, #tpu.memory_space<vmem>>, %arg10: memref<128xi32, #tpu.memory_space<vmem>>, %arg11: memref<128xi32, #tpu.memory_space<vmem>>, %arg12: memref<128x16xf32, #tpu.memory_space<vmem>>, %arg13: memref<128x16xf32, #tpu.memory_space<vmem>>, %arg14: memref<128x16xf32, #tpu.memory_space<vmem>>, %arg15: memref<128x16xf32, #tpu.memory_space<vmem>>, %arg16: memref<200x16xf32, #tpu.memory_space<vmem>>, %arg17: memref<!tpu.dma_semaphore, #tpu.memory_space<semaphore_mem>>) attributes {dimension_semantics = [#tpu.dimension_semantics<core_parallel>, #tpu.dimension_semantics<subcore_parallel>], iteration_bounds = array<i64: 2, 16>, scalar_prefetch = 0 : i64, scratch_operands = 10 : i64, tpu.core_type = #tpu.core_type<sc_vector_subcore>, window_params = [{transform_indices = #map}, {transform_indices = #map}, {transform_indices = #map1}, {transform_indices = #map1}, {transform_indices = #map1}, {transform_indices = #map1}]} {
    %iota3A = tpu.iota {dimensions = array<i32: 0>} : vector<16xi32>
    %broadcast_in_dim3A = arith.constant 0.000000e+00 : f32
    %broadcast_in_dim3A_0 = vector.broadcast %broadcast_in_dim3A : f32 to vector<16xf32>
    %broadcast_in_dim3A_1 = arith.constant 0 : i32
    %broadcast_in_dim3A_2 = vector.broadcast %broadcast_in_dim3A_1 : i32 to vector<16xi32>
    %scan3A = arith.constant 0 : i32
    %scan3A_3 = arith.constant 0 : i32
    %scan3A_4 = arith.constant 200 : i32
    %scan3A_5 = arith.addi %scan3A_3, %scan3A_4 : i32
    %scan3A_6 = arith.constant 1 : i32
    scf.for %scan3A_67 = %scan3A_3 to %scan3A_5 step %scan3A_6  : i32 {
      %swap3A = arith.index_cast %scan3A_67 : i32 to index
      %swap3A_68 = arith.constant 0 : index
      %swap3A_69 = tpu.vector_load %arg16[%swap3A, %swap3A_68] {strides = array<i32>} : memref<200x16xf32, #tpu.memory_space<vmem>>, vector<16xf32>,
      tpu.vector_store %arg16[%swap3A, %swap3A_68], %broadcast_in_dim3A_0 {strides = array<i32>} : memref<200x16xf32, #tpu.memory_space<vmem>>, vector<16xf32>,
    }
    %scan3A_7 = arith.constant 200 : i32
    %scan3A_8 = arith.constant 0 : i32
    %scan3A_9 = arith.constant 0 : i32
    %scan3A_10 = arith.constant 128 : i32
    %scan3A_11 = arith.addi %scan3A_9, %scan3A_10 : i32
    %scan3A_12 = arith.constant 1 : i32
    scf.for %scan3A_67 = %scan3A_9 to %scan3A_11 step %scan3A_12  : i32 {
      %swap3A = arith.index_cast %scan3A_67 : i32 to index
      %swap3A_68 = arith.constant 0 : index
      %swap3A_69 = tpu.vector_load %arg15[%swap3A, %swap3A_68] {strides = array<i32>} : memref<128x16xf32, #tpu.memory_space<vmem>>, vector<16xf32>,
      tpu.vector_store %arg15[%swap3A, %swap3A_68], %broadcast_in_dim3A_0 {strides = array<i32>} : memref<128x16xf32, #tpu.memory_space<vmem>>, vector<16xf32>,
    }
    %scan3A_13 = arith.constant 128 : i32
    %mul3A = arith.constant 2 : i32
    %mul3A_14 = arith.muli %arg0, %mul3A : i32
    %scan3A_15 = arith.constant 0 : i32
    %scan3A_16 = arith.constant 0 : i32
    %scan3A_17 = arith.constant 32 : i32
    %scan3A_18 = arith.addi %scan3A_16, %scan3A_17 : i32
    %scan3A_19 = arith.constant 1 : i32
    scf.for %scan3A_67 = %scan3A_16 to %scan3A_18 step %scan3A_19  : i32 {
      %mul3A_68 = arith.constant 16 : i32
      %mul3A_69 = arith.muli %scan3A_67, %mul3A_68 : i32
      %add3A = arith.addi %arg1, %mul3A_69 : i32
      %lt3A = arith.constant 500 : i32
      %lt3A_70 = arith.cmpi slt, %add3A, %lt3A : i32
      %convert_element_type3A = arith.extui %lt3A_70 : i1 to i32
      %cond3A = arith.constant 0 : i32
      %cond3A_71 = arith.cmpi ne, %convert_element_type3A, %cond3A : i32
      scf.if %cond3A_71 {
        %mul3A_72 = arith.constant 200 : i32
        %mul3A_73 = arith.muli %add3A, %mul3A_72 : i32
        "tpu.region"() ({
          %run_scoped3A = tpu.sem_alloc : memref<!tpu.dma_semaphore, #tpu.memory_space<semaphore_mem>>
          %dma_start3A = arith.constant 0 : i32
          %dma_start3A_74 = tpu.memref_slice %arg8[%mul3A_73, %dma_start3A] : memref<100000x16xf32, #tpu.memory_space<vmem_shared>> -> memref<200x16xf32, #tpu.memory_space<vmem_shared>>
          %dma_start3A_75 = arith.constant 0 : i32
          %dma_start3A_76 = tpu.memref_slice %arg8[%mul3A_73, %dma_start3A_75] : memref<100000x16xf32, #tpu.memory_space<vmem_shared>> -> memref<200x16xf32, #tpu.memory_space<vmem_shared>>
          tpu.enqueue_dma source(%arg16 : memref<200x16xf32, #tpu.memory_space<vmem>>) target(%dma_start3A_76 : memref<200x16xf32, #tpu.memory_space<vmem_shared>>) target_semaphore(%run_scoped3A : memref<!tpu.dma_semaphore, #tpu.memory_space<semaphore_mem>>)
          %dma_wait3A = arith.constant 0 : i32
          %dma_wait3A_77 = tpu.memref_slice %arg8[%mul3A_73, %dma_wait3A] : memref<100000x16xf32, #tpu.memory_space<vmem_shared>> -> memref<200x16xf32, #tpu.memory_space<vmem_shared>>
          %dma_wait3A_78 = arith.constant 0 : i32
          %dma_wait3A_79 = tpu.memref_slice %arg8[%mul3A_73, %dma_wait3A_78] : memref<100000x16xf32, #tpu.memory_space<vmem_shared>> -> memref<200x16xf32, #tpu.memory_space<vmem_shared>>
          tpu.wait_dma2 semaphore(%run_scoped3A : memref<!tpu.dma_semaphore, #tpu.memory_space<semaphore_mem>>) src(%arg16 : memref<200x16xf32, #tpu.memory_space<vmem>>) dst(%dma_wait3A_79 : memref<200x16xf32, #tpu.memory_space<vmem_shared>>)
          tpu.yield
        }) : () -> ()
      } else {
      }
    }
    %scan3A_20 = arith.constant 32 : i32
    %barrier3A = arith.constant 0 : index
    tpu.barrier barrier_id(%barrier3A)
    %scan3A_21 = arith.constant 0 : i32
    %scan3A_22 = arith.constant 0 : i32
    %scan3A_23 = arith.constant 782 : i32
    %scan3A_24 = arith.addi %scan3A_22, %scan3A_23 : i32
    %scan3A_25 = arith.constant 1 : i32
    scf.for %scan3A_67 = %scan3A_22 to %scan3A_24 step %scan3A_25  : i32 {
      %mul3A_68 = arith.constant 16 : i32
      %mul3A_69 = arith.muli %scan3A_67, %mul3A_68 : i32
      %add3A = arith.addi %arg1, %mul3A_69 : i32
      %lt3A = arith.constant 12500 : i32
      %lt3A_70 = arith.cmpi slt, %add3A, %lt3A : i32
      %convert_element_type3A = arith.extui %lt3A_70 : i1 to i32
      %cond3A = arith.constant 0 : i32
      %cond3A_71 = arith.cmpi ne, %convert_element_type3A, %cond3A : i32
      scf.if %cond3A_71 {
        %mul3A_72 = arith.constant 128 : i32
        %mul3A_73 = arith.muli %add3A, %mul3A_72 : i32
        %dma_start3A = tpu.memref_slice %arg2[%mul3A_73] : memref<1600000xi32, #tpu.memory_space<hbm>> -> memref<128xi32, #tpu.memory_space<hbm>>
        %dma_start3A_74 = tpu.memref_slice %arg2[%mul3A_73] : memref<1600000xi32, #tpu.memory_space<hbm>> -> memref<128xi32, #tpu.memory_space<hbm>>
        tpu.enqueue_dma source(%dma_start3A_74 : memref<128xi32, #tpu.memory_space<hbm>>) target(%arg9 : memref<128xi32, #tpu.memory_space<vmem>>) target_semaphore(%arg17 : memref<!tpu.dma_semaphore, #tpu.memory_space<semaphore_mem>>)
        %dma_start3A_75 = tpu.memref_slice %arg3[%mul3A_73] : memref<1600000xi32, #tpu.memory_space<hbm>> -> memref<128xi32, #tpu.memory_space<hbm>>
        %dma_start3A_76 = tpu.memref_slice %arg3[%mul3A_73] : memref<1600000xi32, #tpu.memory_space<hbm>> -> memref<128xi32, #tpu.memory_space<hbm>>
        tpu.enqueue_dma source(%dma_start3A_76 : memref<128xi32, #tpu.memory_space<hbm>>) target(%arg10 : memref<128xi32, #tpu.memory_space<vmem>>) target_semaphore(%arg17 : memref<!tpu.dma_semaphore, #tpu.memory_space<semaphore_mem>>)
        %dma_wait3A = tpu.memref_slice %arg2[%mul3A_73] : memref<1600000xi32, #tpu.memory_space<hbm>> -> memref<128xi32, #tpu.memory_space<hbm>>
        %dma_wait3A_77 = tpu.memref_slice %arg2[%mul3A_73] : memref<1600000xi32, #tpu.memory_space<hbm>> -> memref<128xi32, #tpu.memory_space<hbm>>
        tpu.wait_dma2 semaphore(%arg17 : memref<!tpu.dma_semaphore, #tpu.memory_space<semaphore_mem>>) src(%dma_wait3A_77 : memref<128xi32, #tpu.memory_space<hbm>>) dst(%arg9 : memref<128xi32, #tpu.memory_space<vmem>>)
        %dma_wait3A_78 = tpu.memref_slice %arg3[%mul3A_73] : memref<1600000xi32, #tpu.memory_space<hbm>> -> memref<128xi32, #tpu.memory_space<hbm>>
        %dma_wait3A_79 = tpu.memref_slice %arg3[%mul3A_73] : memref<1600000xi32, #tpu.memory_space<hbm>> -> memref<128xi32, #tpu.memory_space<hbm>>
        tpu.wait_dma2 semaphore(%arg17 : memref<!tpu.dma_semaphore, #tpu.memory_space<semaphore_mem>>) src(%dma_wait3A_79 : memref<128xi32, #tpu.memory_space<hbm>>) dst(%arg10 : memref<128xi32, #tpu.memory_space<vmem>>)
        %dma_start3A_80 = arith.constant 0 : i32
        %dma_start3A_81 = arith.constant 0 : i32
        %dma_start3A_82 = tpu.memref_slice %arg5[%dma_start3A_80, %dma_start3A_81] : memref<100000x16xf32, #tpu.memory_space<hbm>> -> memref<100000x16xf32, #tpu.memory_space<hbm>>
        tpu.enqueue_indirect_dma source(%dma_start3A_82 : memref<100000x16xf32, #tpu.memory_space<hbm>>) target(%arg12 : memref<128x16xf32, #tpu.memory_space<vmem>>) offsets(%arg9 : memref<128xi32, #tpu.memory_space<vmem>>) semaphore(%arg17 : memref<!tpu.dma_semaphore, #tpu.memory_space<semaphore_mem>>)
        %dma_start3A_83 = arith.constant 0 : i32
        %dma_start3A_84 = arith.constant 0 : i32
        %dma_start3A_85 = tpu.memref_slice %arg5[%dma_start3A_83, %dma_start3A_84] : memref<100000x16xf32, #tpu.memory_space<hbm>> -> memref<100000x16xf32, #tpu.memory_space<hbm>>
        tpu.enqueue_indirect_dma source(%dma_start3A_85 : memref<100000x16xf32, #tpu.memory_space<hbm>>) target(%arg13 : memref<128x16xf32, #tpu.memory_space<vmem>>) offsets(%arg10 : memref<128xi32, #tpu.memory_space<vmem>>) semaphore(%arg17 : memref<!tpu.dma_semaphore, #tpu.memory_space<semaphore_mem>>)
        %dma_wait3A_86 = arith.constant 0 : i32
        %dma_wait3A_87 = arith.constant 0 : i32
        %dma_wait3A_88 = tpu.memref_slice %arg5[%dma_wait3A_86, %dma_wait3A_87] : memref<100000x16xf32, #tpu.memory_space<hbm>> -> memref<100000x16xf32, #tpu.memory_space<hbm>>
        tpu.wait_indirect_dma semaphore(%arg17 : memref<!tpu.dma_semaphore, #tpu.memory_space<semaphore_mem>>) src(%dma_wait3A_88 : memref<100000x16xf32, #tpu.memory_space<hbm>>) dst(%arg12 : memref<128x16xf32, #tpu.memory_space<vmem>>)
        %dma_wait3A_89 = arith.constant 0 : i32
        %dma_wait3A_90 = arith.constant 0 : i32
        %dma_wait3A_91 = tpu.memref_slice %arg5[%dma_wait3A_89, %dma_wait3A_90] : memref<100000x16xf32, #tpu.memory_space<hbm>> -> memref<100000x16xf32, #tpu.memory_space<hbm>>
        tpu.wait_indirect_dma semaphore(%arg17 : memref<!tpu.dma_semaphore, #tpu.memory_space<semaphore_mem>>) src(%dma_wait3A_91 : memref<100000x16xf32, #tpu.memory_space<hbm>>) dst(%arg13 : memref<128x16xf32, #tpu.memory_space<vmem>>)
        %scan3A_92 = arith.constant 0 : i32
        %scan3A_93 = arith.constant 0 : i32
        %scan3A_94 = arith.constant 8 : i32
        %scan3A_95 = arith.addi %scan3A_93, %scan3A_94 : i32
        %scan3A_96 = arith.constant 1 : i32
        scf.for %scan3A_98 = %scan3A_93 to %scan3A_95 step %scan3A_96  : i32 {
          %mul3A_99 = arith.constant 16 : i32
          %mul3A_100 = arith.muli %scan3A_98, %mul3A_99 : i32
          %add3A_101 = vector.broadcast %mul3A_100 : i32 to vector<16xi32>
          %add3A_102 = arith.addi %add3A_101, %iota3A : vector<16xi32>
          %add3A_103 = vector.broadcast %mul3A_14 : i32 to vector<16xi32>
          %add3A_104 = arith.addi %broadcast_in_dim3A_2, %add3A_103 : vector<16xi32>
          %gather3A = tpu.vector_load_idx %arg12[%add3A_102, %add3A_104] : memref<128x16xf32, #tpu.memory_space<vmem>>[vector<16xi32>, vector<16xi32>], vector<16xf32>,
          %add3A_105 = arith.constant 1 : i32
          %add3A_106 = vector.broadcast %add3A_105 : i32 to vector<16xi32>
          %add3A_107 = arith.addi %add3A_104, %add3A_106 : vector<16xi32>
          %gather3A_108 = tpu.vector_load_idx %arg12[%add3A_102, %add3A_107] : memref<128x16xf32, #tpu.memory_space<vmem>>[vector<16xi32>, vector<16xi32>], vector<16xf32>,
          %add3A_109 = arith.constant 4 : i32
          %add3A_110 = vector.broadcast %add3A_109 : i32 to vector<16xi32>
          %add3A_111 = arith.addi %add3A_104, %add3A_110 : vector<16xi32>
          %gather3A_112 = tpu.vector_load_idx %arg13[%add3A_102, %add3A_111] : memref<128x16xf32, #tpu.memory_space<vmem>>[vector<16xi32>, vector<16xi32>], vector<16xf32>,
          %add3A_113 = arith.constant 5 : i32
          %add3A_114 = vector.broadcast %add3A_113 : i32 to vector<16xi32>
          %add3A_115 = arith.addi %add3A_104, %add3A_114 : vector<16xi32>
          %gather3A_116 = tpu.vector_load_idx %arg13[%add3A_102, %add3A_115] : memref<128x16xf32, #tpu.memory_space<vmem>>[vector<16xi32>, vector<16xi32>], vector<16xf32>,
          %add3A_117 = arith.addf %gather3A, %gather3A_112 : vector<16xf32>
          %add3A_118 = arith.addf %gather3A_108, %gather3A_116 : vector<16xf32>
          %mul3A_119 = arith.constant 2.000000e-01 : f32
          %mul3A_120 = vector.broadcast %mul3A_119 : f32 to vector<16xf32>
          %mul3A_121 = arith.mulf %add3A_117, %mul3A_120 : vector<16xf32>
          %max3A = arith.maximumf %add3A_117, %mul3A_121 : vector<16xf32>
          %exp3A = math.exp %max3A : vector<16xf32>
          %mul3A_122 = arith.constant 2.000000e-01 : f32
          %mul3A_123 = vector.broadcast %mul3A_122 : f32 to vector<16xf32>
          %mul3A_124 = arith.mulf %add3A_118, %mul3A_123 : vector<16xf32>
          %max3A_125 = arith.maximumf %add3A_118, %mul3A_124 : vector<16xf32>
          %exp3A_126 = math.exp %max3A_125 : vector<16xf32>
          tpu.vector_store_idx %arg15[%add3A_102, %broadcast_in_dim3A_2], %exp3A : memref<128x16xf32, #tpu.memory_space<vmem>>[vector<16xi32>, vector<16xi32>], vector<16xf32>,
          %add3A_127 = arith.constant 1 : i32
          %add3A_128 = vector.broadcast %add3A_127 : i32 to vector<16xi32>
          %add3A_129 = arith.addi %broadcast_in_dim3A_2, %add3A_128 : vector<16xi32>
          tpu.vector_store_idx %arg15[%add3A_102, %add3A_129], %exp3A_126 : memref<128x16xf32, #tpu.memory_space<vmem>>[vector<16xi32>, vector<16xi32>], vector<16xf32>,
        }
        %scan3A_97 = arith.constant 8 : i32
        "tpu.region"() ({
          %run_scoped3A = tpu.sem_alloc : memref<!tpu.dma_semaphore, #tpu.memory_space<semaphore_mem>>
          %dma_start3A_98 = arith.constant 0 : i32
          %dma_start3A_99 = arith.constant 0 : i32
          %dma_start3A_100 = tpu.memref_slice %arg8[%dma_start3A_98, %dma_start3A_99] : memref<100000x16xf32, #tpu.memory_space<vmem_shared>> -> memref<100000x16xf32, #tpu.memory_space<vmem_shared>>
          tpu.enqueue_indirect_dma source(%arg15 : memref<128x16xf32, #tpu.memory_space<vmem>>) target(%dma_start3A_100 : memref<100000x16xf32, #tpu.memory_space<vmem_shared>>) offsets(%arg10 : memref<128xi32, #tpu.memory_space<vmem>>) semaphore(%run_scoped3A : memref<!tpu.dma_semaphore, #tpu.memory_space<semaphore_mem>>) {add = true}
          %dma_wait3A_101 = arith.constant 0 : i32
          %dma_wait3A_102 = arith.constant 0 : i32
          %dma_wait3A_103 = tpu.memref_slice %arg8[%dma_wait3A_101, %dma_wait3A_102] : memref<100000x16xf32, #tpu.memory_space<vmem_shared>> -> memref<100000x16xf32, #tpu.memory_space<vmem_shared>>
          tpu.wait_indirect_dma semaphore(%run_scoped3A : memref<!tpu.dma_semaphore, #tpu.memory_space<semaphore_mem>>) src(%arg15 : memref<128x16xf32, #tpu.memory_space<vmem>>) dst(%dma_wait3A_103 : memref<100000x16xf32, #tpu.memory_space<vmem_shared>>)
          tpu.yield
        }) : () -> ()
      } else {
      }
    }
    %scan3A_26 = arith.constant 782 : i32
    %barrier3A_27 = arith.constant 0 : index
    tpu.barrier barrier_id(%barrier3A_27)
    %scan3A_28 = arith.constant 0 : i32
    %scan3A_29 = arith.constant 0 : i32
    %scan3A_30 = arith.constant 32 : i32
    %scan3A_31 = arith.addi %scan3A_29, %scan3A_30 : i32
    %scan3A_32 = arith.constant 1 : i32
    scf.for %scan3A_67 = %scan3A_29 to %scan3A_31 step %scan3A_32  : i32 {
      %mul3A_68 = arith.constant 16 : i32
      %mul3A_69 = arith.muli %scan3A_67, %mul3A_68 : i32
      %add3A = arith.addi %arg1, %mul3A_69 : i32
      %lt3A = arith.constant 500 : i32
      %lt3A_70 = arith.cmpi slt, %add3A, %lt3A : i32
      %convert_element_type3A = arith.extui %lt3A_70 : i1 to i32
      %cond3A = arith.constant 0 : i32
      %cond3A_71 = arith.cmpi ne, %convert_element_type3A, %cond3A : i32
      scf.if %cond3A_71 {
        %mul3A_72 = arith.constant 200 : i32
        %mul3A_73 = arith.muli %add3A, %mul3A_72 : i32
        "tpu.region"() ({
          %run_scoped3A = tpu.sem_alloc : memref<!tpu.dma_semaphore, #tpu.memory_space<semaphore_mem>>
          %dma_start3A = arith.constant 0 : i32
          %dma_start3A_79 = tpu.memref_slice %arg8[%mul3A_73, %dma_start3A] : memref<100000x16xf32, #tpu.memory_space<vmem_shared>> -> memref<200x16xf32, #tpu.memory_space<vmem_shared>>
          %dma_start3A_80 = arith.constant 0 : i32
          %dma_start3A_81 = tpu.memref_slice %arg8[%mul3A_73, %dma_start3A_80] : memref<100000x16xf32, #tpu.memory_space<vmem_shared>> -> memref<200x16xf32, #tpu.memory_space<vmem_shared>>
          tpu.enqueue_dma source(%dma_start3A_81 : memref<200x16xf32, #tpu.memory_space<vmem_shared>>) target(%arg16 : memref<200x16xf32, #tpu.memory_space<vmem>>) target_semaphore(%run_scoped3A : memref<!tpu.dma_semaphore, #tpu.memory_space<semaphore_mem>>)
          %dma_wait3A = arith.constant 0 : i32
          %dma_wait3A_82 = tpu.memref_slice %arg8[%mul3A_73, %dma_wait3A] : memref<100000x16xf32, #tpu.memory_space<vmem_shared>> -> memref<200x16xf32, #tpu.memory_space<vmem_shared>>
          %dma_wait3A_83 = arith.constant 0 : i32
          %dma_wait3A_84 = tpu.memref_slice %arg8[%mul3A_73, %dma_wait3A_83] : memref<100000x16xf32, #tpu.memory_space<vmem_shared>> -> memref<200x16xf32, #tpu.memory_space<vmem_shared>>
          tpu.wait_dma2 semaphore(%run_scoped3A : memref<!tpu.dma_semaphore, #tpu.memory_space<semaphore_mem>>) src(%dma_wait3A_84 : memref<200x16xf32, #tpu.memory_space<vmem_shared>>) dst(%arg16 : memref<200x16xf32, #tpu.memory_space<vmem>>)
          tpu.yield
        }) : () -> ()
        %mul3A_74 = arith.constant 100000 : i32
        %mul3A_75 = arith.muli %arg0, %mul3A_74 : i32
        %mul3A_76 = arith.constant 200 : i32
        %mul3A_77 = arith.muli %add3A, %mul3A_76 : i32
        %add3A_78 = arith.addi %mul3A_75, %mul3A_77 : i32
        "tpu.region"() ({
          %run_scoped3A = tpu.sem_alloc : memref<!tpu.dma_semaphore, #tpu.memory_space<semaphore_mem>>
          %dma_start3A = arith.constant 0 : i32
          %dma_start3A_79 = tpu.memref_slice %arg7[%add3A_78, %dma_start3A] : memref<200000x16xf32, #tpu.memory_space<hbm>> -> memref<200x16xf32, #tpu.memory_space<hbm>>
          %dma_start3A_80 = arith.constant 0 : i32
          %dma_start3A_81 = tpu.memref_slice %arg7[%add3A_78, %dma_start3A_80] : memref<200000x16xf32, #tpu.memory_space<hbm>> -> memref<200x16xf32, #tpu.memory_space<hbm>>
          tpu.enqueue_dma source(%arg16 : memref<200x16xf32, #tpu.memory_space<vmem>>) target(%dma_start3A_81 : memref<200x16xf32, #tpu.memory_space<hbm>>) target_semaphore(%run_scoped3A : memref<!tpu.dma_semaphore, #tpu.memory_space<semaphore_mem>>)
          %dma_wait3A = arith.constant 0 : i32
          %dma_wait3A_82 = tpu.memref_slice %arg7[%add3A_78, %dma_wait3A] : memref<200000x16xf32, #tpu.memory_space<hbm>> -> memref<200x16xf32, #tpu.memory_space<hbm>>
          %dma_wait3A_83 = arith.constant 0 : i32
          %dma_wait3A_84 = tpu.memref_slice %arg7[%add3A_78, %dma_wait3A_83] : memref<200000x16xf32, #tpu.memory_space<hbm>> -> memref<200x16xf32, #tpu.memory_space<hbm>>
          tpu.wait_dma2 semaphore(%run_scoped3A : memref<!tpu.dma_semaphore, #tpu.memory_space<semaphore_mem>>) src(%arg16 : memref<200x16xf32, #tpu.memory_space<vmem>>) dst(%dma_wait3A_84 : memref<200x16xf32, #tpu.memory_space<hbm>>)
          tpu.yield
        }) : () -> ()
      } else {
      }
    }
    %scan3A_33 = arith.constant 32 : i32
    %scan3A_34 = arith.constant 0 : i32
    %scan3A_35 = arith.constant 0 : i32
    %scan3A_36 = arith.constant 200 : i32
    %scan3A_37 = arith.addi %scan3A_35, %scan3A_36 : i32
    %scan3A_38 = arith.constant 1 : i32
    scf.for %scan3A_67 = %scan3A_35 to %scan3A_37 step %scan3A_38  : i32 {
      %swap3A = arith.index_cast %scan3A_67 : i32 to index
      %swap3A_68 = arith.constant 0 : index
      %swap3A_69 = tpu.vector_load %arg16[%swap3A, %swap3A_68] {strides = array<i32>} : memref<200x16xf32, #tpu.memory_space<vmem>>, vector<16xf32>,
      tpu.vector_store %arg16[%swap3A, %swap3A_68], %broadcast_in_dim3A_0 {strides = array<i32>} : memref<200x16xf32, #tpu.memory_space<vmem>>, vector<16xf32>,
    }
    %scan3A_39 = arith.constant 200 : i32
    %barrier3A_40 = arith.constant 0 : index
    tpu.barrier barrier_id(%barrier3A_40)
    %scan3A_41 = arith.constant 0 : i32
    %scan3A_42 = arith.constant 0 : i32
    %scan3A_43 = arith.constant 32 : i32
    %scan3A_44 = arith.addi %scan3A_42, %scan3A_43 : i32
    %scan3A_45 = arith.constant 1 : i32
    scf.for %scan3A_67 = %scan3A_42 to %scan3A_44 step %scan3A_45  : i32 {
      %mul3A_68 = arith.constant 16 : i32
      %mul3A_69 = arith.muli %scan3A_67, %mul3A_68 : i32
      %add3A = arith.addi %arg1, %mul3A_69 : i32
      %lt3A = arith.constant 500 : i32
      %lt3A_70 = arith.cmpi slt, %add3A, %lt3A : i32
      %convert_element_type3A = arith.extui %lt3A_70 : i1 to i32
      %cond3A = arith.constant 0 : i32
      %cond3A_71 = arith.cmpi ne, %convert_element_type3A, %cond3A : i32
      scf.if %cond3A_71 {
        %mul3A_72 = arith.constant 200 : i32
        %mul3A_73 = arith.muli %add3A, %mul3A_72 : i32
        "tpu.region"() ({
          %run_scoped3A = tpu.sem_alloc : memref<!tpu.dma_semaphore, #tpu.memory_space<semaphore_mem>>
          %dma_start3A = arith.constant 0 : i32
          %dma_start3A_74 = tpu.memref_slice %arg8[%mul3A_73, %dma_start3A] : memref<100000x16xf32, #tpu.memory_space<vmem_shared>> -> memref<200x16xf32, #tpu.memory_space<vmem_shared>>
          %dma_start3A_75 = arith.constant 0 : i32
          %dma_start3A_76 = tpu.memref_slice %arg8[%mul3A_73, %dma_start3A_75] : memref<100000x16xf32, #tpu.memory_space<vmem_shared>> -> memref<200x16xf32, #tpu.memory_space<vmem_shared>>
          tpu.enqueue_dma source(%arg16 : memref<200x16xf32, #tpu.memory_space<vmem>>) target(%dma_start3A_76 : memref<200x16xf32, #tpu.memory_space<vmem_shared>>) target_semaphore(%run_scoped3A : memref<!tpu.dma_semaphore, #tpu.memory_space<semaphore_mem>>)
          %dma_wait3A = arith.constant 0 : i32
          %dma_wait3A_77 = tpu.memref_slice %arg8[%mul3A_73, %dma_wait3A] : memref<100000x16xf32, #tpu.memory_space<vmem_shared>> -> memref<200x16xf32, #tpu.memory_space<vmem_shared>>
          %dma_wait3A_78 = arith.constant 0 : i32
          %dma_wait3A_79 = tpu.memref_slice %arg8[%mul3A_73, %dma_wait3A_78] : memref<100000x16xf32, #tpu.memory_space<vmem_shared>> -> memref<200x16xf32, #tpu.memory_space<vmem_shared>>
          tpu.wait_dma2 semaphore(%run_scoped3A : memref<!tpu.dma_semaphore, #tpu.memory_space<semaphore_mem>>) src(%arg16 : memref<200x16xf32, #tpu.memory_space<vmem>>) dst(%dma_wait3A_79 : memref<200x16xf32, #tpu.memory_space<vmem_shared>>)
          tpu.yield
        }) : () -> ()
      } else {
      }
    }
    %scan3A_46 = arith.constant 32 : i32
    %barrier3A_47 = arith.constant 0 : index
    tpu.barrier barrier_id(%barrier3A_47)
    %scan3A_48 = arith.constant 0 : i32
    %scan3A_49 = arith.constant 0 : i32
    %scan3A_50 = arith.constant 782 : i32
    %scan3A_51 = arith.addi %scan3A_49, %scan3A_50 : i32
    %scan3A_52 = arith.constant 1 : i32
    scf.for %scan3A_67 = %scan3A_49 to %scan3A_51 step %scan3A_52  : i32 {
      %mul3A_68 = arith.constant 16 : i32
      %mul3A_69 = arith.muli %scan3A_67, %mul3A_68 : i32
      %add3A = arith.addi %arg1, %mul3A_69 : i32
      %lt3A = arith.constant 12500 : i32
      %lt3A_70 = arith.cmpi slt, %add3A, %lt3A : i32
      %convert_element_type3A = arith.extui %lt3A_70 : i1 to i32
      %cond3A = arith.constant 0 : i32
      %cond3A_71 = arith.cmpi ne, %convert_element_type3A, %cond3A : i32
      scf.if %cond3A_71 {
        %mul3A_72 = arith.constant 128 : i32
        %mul3A_73 = arith.muli %add3A, %mul3A_72 : i32
        %dma_start3A = tpu.memref_slice %arg2[%mul3A_73] : memref<1600000xi32, #tpu.memory_space<hbm>> -> memref<128xi32, #tpu.memory_space<hbm>>
        %dma_start3A_74 = tpu.memref_slice %arg2[%mul3A_73] : memref<1600000xi32, #tpu.memory_space<hbm>> -> memref<128xi32, #tpu.memory_space<hbm>>
        tpu.enqueue_dma source(%dma_start3A_74 : memref<128xi32, #tpu.memory_space<hbm>>) target(%arg9 : memref<128xi32, #tpu.memory_space<vmem>>) target_semaphore(%arg17 : memref<!tpu.dma_semaphore, #tpu.memory_space<semaphore_mem>>)
        %dma_start3A_75 = tpu.memref_slice %arg3[%mul3A_73] : memref<1600000xi32, #tpu.memory_space<hbm>> -> memref<128xi32, #tpu.memory_space<hbm>>
        %dma_start3A_76 = tpu.memref_slice %arg3[%mul3A_73] : memref<1600000xi32, #tpu.memory_space<hbm>> -> memref<128xi32, #tpu.memory_space<hbm>>
        tpu.enqueue_dma source(%dma_start3A_76 : memref<128xi32, #tpu.memory_space<hbm>>) target(%arg10 : memref<128xi32, #tpu.memory_space<vmem>>) target_semaphore(%arg17 : memref<!tpu.dma_semaphore, #tpu.memory_space<semaphore_mem>>)
        %dma_wait3A = tpu.memref_slice %arg2[%mul3A_73] : memref<1600000xi32, #tpu.memory_space<hbm>> -> memref<128xi32, #tpu.memory_space<hbm>>
        %dma_wait3A_77 = tpu.memref_slice %arg2[%mul3A_73] : memref<1600000xi32, #tpu.memory_space<hbm>> -> memref<128xi32, #tpu.memory_space<hbm>>
        tpu.wait_dma2 semaphore(%arg17 : memref<!tpu.dma_semaphore, #tpu.memory_space<semaphore_mem>>) src(%dma_wait3A_77 : memref<128xi32, #tpu.memory_space<hbm>>) dst(%arg9 : memref<128xi32, #tpu.memory_space<vmem>>)
        %dma_wait3A_78 = tpu.memref_slice %arg3[%mul3A_73] : memref<1600000xi32, #tpu.memory_space<hbm>> -> memref<128xi32, #tpu.memory_space<hbm>>
        %dma_wait3A_79 = tpu.memref_slice %arg3[%mul3A_73] : memref<1600000xi32, #tpu.memory_space<hbm>> -> memref<128xi32, #tpu.memory_space<hbm>>
        tpu.wait_dma2 semaphore(%arg17 : memref<!tpu.dma_semaphore, #tpu.memory_space<semaphore_mem>>) src(%dma_wait3A_79 : memref<128xi32, #tpu.memory_space<hbm>>) dst(%arg10 : memref<128xi32, #tpu.memory_space<vmem>>)
        %scan3A_80 = arith.constant 0 : i32
        %scan3A_81 = arith.constant 0 : i32
        %scan3A_82 = arith.constant 8 : i32
        %scan3A_83 = arith.addi %scan3A_81, %scan3A_82 : i32
        %scan3A_84 = arith.constant 1 : i32
        scf.for %scan3A_110 = %scan3A_81 to %scan3A_83 step %scan3A_84  : i32 {
          %mul3A_111 = arith.constant 16 : i32
          %mul3A_112 = arith.muli %scan3A_110, %mul3A_111 : i32
          %add3A_113 = vector.broadcast %mul3A_112 : i32 to vector<16xi32>
          %add3A_114 = arith.addi %add3A_113, %iota3A : vector<16xi32>
          %gather3A = tpu.vector_load_idx %arg9[%add3A_114] : memref<128xi32, #tpu.memory_space<vmem>>[vector<16xi32>], vector<16xi32>,
          %mul3A_115 = arith.constant 2 : i32
          %mul3A_116 = vector.broadcast %mul3A_115 : i32 to vector<16xi32>
          %mul3A_117 = arith.muli %gather3A, %mul3A_116 : vector<16xi32>
          %add3A_118 = vector.broadcast %arg0 : i32 to vector<16xi32>
          %add3A_119 = arith.addi %mul3A_117, %add3A_118 : vector<16xi32>
          tpu.vector_store_idx %arg11[%add3A_114], %add3A_119 : memref<128xi32, #tpu.memory_space<vmem>>[vector<16xi32>], vector<16xi32>,
        }
        %scan3A_85 = arith.constant 8 : i32
        %dma_start3A_86 = arith.constant 0 : i32
        %dma_start3A_87 = arith.constant 0 : i32
        %dma_start3A_88 = tpu.memref_slice %arg5[%dma_start3A_86, %dma_start3A_87] : memref<100000x16xf32, #tpu.memory_space<hbm>> -> memref<100000x16xf32, #tpu.memory_space<hbm>>
        tpu.enqueue_indirect_dma source(%dma_start3A_88 : memref<100000x16xf32, #tpu.memory_space<hbm>>) target(%arg12 : memref<128x16xf32, #tpu.memory_space<vmem>>) offsets(%arg9 : memref<128xi32, #tpu.memory_space<vmem>>) semaphore(%arg17 : memref<!tpu.dma_semaphore, #tpu.memory_space<semaphore_mem>>)
        %dma_start3A_89 = arith.constant 0 : i32
        %dma_start3A_90 = arith.constant 0 : i32
        %dma_start3A_91 = tpu.memref_slice %arg5[%dma_start3A_89, %dma_start3A_90] : memref<100000x16xf32, #tpu.memory_space<hbm>> -> memref<100000x16xf32, #tpu.memory_space<hbm>>
        tpu.enqueue_indirect_dma source(%dma_start3A_91 : memref<100000x16xf32, #tpu.memory_space<hbm>>) target(%arg13 : memref<128x16xf32, #tpu.memory_space<vmem>>) offsets(%arg10 : memref<128xi32, #tpu.memory_space<vmem>>) semaphore(%arg17 : memref<!tpu.dma_semaphore, #tpu.memory_space<semaphore_mem>>)
        %dma_start3A_92 = arith.constant 0 : i32
        %dma_start3A_93 = arith.constant 0 : i32
        %dma_start3A_94 = tpu.memref_slice %arg4[%dma_start3A_92, %dma_start3A_93] : memref<200000x16xf32, #tpu.memory_space<hbm>> -> memref<200000x16xf32, #tpu.memory_space<hbm>>
        tpu.enqueue_indirect_dma source(%dma_start3A_94 : memref<200000x16xf32, #tpu.memory_space<hbm>>) target(%arg14 : memref<128x16xf32, #tpu.memory_space<vmem>>) offsets(%arg11 : memref<128xi32, #tpu.memory_space<vmem>>) semaphore(%arg17 : memref<!tpu.dma_semaphore, #tpu.memory_space<semaphore_mem>>)
        %dma_wait3A_95 = arith.constant 0 : i32
        %dma_wait3A_96 = arith.constant 0 : i32
        %dma_wait3A_97 = tpu.memref_slice %arg5[%dma_wait3A_95, %dma_wait3A_96] : memref<100000x16xf32, #tpu.memory_space<hbm>> -> memref<100000x16xf32, #tpu.memory_space<hbm>>
        tpu.wait_indirect_dma semaphore(%arg17 : memref<!tpu.dma_semaphore, #tpu.memory_space<semaphore_mem>>) src(%dma_wait3A_97 : memref<100000x16xf32, #tpu.memory_space<hbm>>) dst(%arg12 : memref<128x16xf32, #tpu.memory_space<vmem>>)
        %dma_wait3A_98 = arith.constant 0 : i32
        %dma_wait3A_99 = arith.constant 0 : i32
        %dma_wait3A_100 = tpu.memref_slice %arg5[%dma_wait3A_98, %dma_wait3A_99] : memref<100000x16xf32, #tpu.memory_space<hbm>> -> memref<100000x16xf32, #tpu.memory_space<hbm>>
        tpu.wait_indirect_dma semaphore(%arg17 : memref<!tpu.dma_semaphore, #tpu.memory_space<semaphore_mem>>) src(%dma_wait3A_100 : memref<100000x16xf32, #tpu.memory_space<hbm>>) dst(%arg13 : memref<128x16xf32, #tpu.memory_space<vmem>>)
        %dma_wait3A_101 = arith.constant 0 : i32
        %dma_wait3A_102 = arith.constant 0 : i32
        %dma_wait3A_103 = tpu.memref_slice %arg4[%dma_wait3A_101, %dma_wait3A_102] : memref<200000x16xf32, #tpu.memory_space<hbm>> -> memref<200000x16xf32, #tpu.memory_space<hbm>>
        tpu.wait_indirect_dma semaphore(%arg17 : memref<!tpu.dma_semaphore, #tpu.memory_space<semaphore_mem>>) src(%dma_wait3A_103 : memref<200000x16xf32, #tpu.memory_space<hbm>>) dst(%arg14 : memref<128x16xf32, #tpu.memory_space<vmem>>)
        %scan3A_104 = arith.constant 0 : i32
        %scan3A_105 = arith.constant 0 : i32
        %scan3A_106 = arith.constant 8 : i32
        %scan3A_107 = arith.addi %scan3A_105, %scan3A_106 : i32
        %scan3A_108 = arith.constant 1 : i32
        scf.for %scan3A_110 = %scan3A_105 to %scan3A_107 step %scan3A_108  : i32 {
          %mul3A_111 = arith.constant 16 : i32
          %mul3A_112 = arith.muli %scan3A_110, %mul3A_111 : i32
          %add3A_113 = vector.broadcast %mul3A_112 : i32 to vector<16xi32>
          %add3A_114 = arith.addi %add3A_113, %iota3A : vector<16xi32>
          %add3A_115 = vector.broadcast %mul3A_14 : i32 to vector<16xi32>
          %add3A_116 = arith.addi %broadcast_in_dim3A_2, %add3A_115 : vector<16xi32>
          %gather3A = tpu.vector_load_idx %arg12[%add3A_114, %add3A_116] : memref<128x16xf32, #tpu.memory_space<vmem>>[vector<16xi32>, vector<16xi32>], vector<16xf32>,
          %add3A_117 = arith.constant 1 : i32
          %add3A_118 = vector.broadcast %add3A_117 : i32 to vector<16xi32>
          %add3A_119 = arith.addi %add3A_116, %add3A_118 : vector<16xi32>
          %gather3A_120 = tpu.vector_load_idx %arg12[%add3A_114, %add3A_119] : memref<128x16xf32, #tpu.memory_space<vmem>>[vector<16xi32>, vector<16xi32>], vector<16xf32>,
          %add3A_121 = arith.constant 4 : i32
          %add3A_122 = vector.broadcast %add3A_121 : i32 to vector<16xi32>
          %add3A_123 = arith.addi %add3A_116, %add3A_122 : vector<16xi32>
          %gather3A_124 = tpu.vector_load_idx %arg13[%add3A_114, %add3A_123] : memref<128x16xf32, #tpu.memory_space<vmem>>[vector<16xi32>, vector<16xi32>], vector<16xf32>,
          %add3A_125 = arith.constant 5 : i32
          %add3A_126 = vector.broadcast %add3A_125 : i32 to vector<16xi32>
          %add3A_127 = arith.addi %add3A_116, %add3A_126 : vector<16xi32>
          %gather3A_128 = tpu.vector_load_idx %arg13[%add3A_114, %add3A_127] : memref<128x16xf32, #tpu.memory_space<vmem>>[vector<16xi32>, vector<16xi32>], vector<16xf32>,
          %add3A_129 = arith.addf %gather3A, %gather3A_124 : vector<16xf32>
          %add3A_130 = arith.addf %gather3A_120, %gather3A_128 : vector<16xf32>
          %mul3A_131 = arith.constant 2.000000e-01 : f32
          %mul3A_132 = vector.broadcast %mul3A_131 : f32 to vector<16xf32>
          %mul3A_133 = arith.mulf %add3A_129, %mul3A_132 : vector<16xf32>
          %max3A = arith.maximumf %add3A_129, %mul3A_133 : vector<16xf32>
          %exp3A = math.exp %max3A : vector<16xf32>
          %mul3A_134 = arith.constant 2.000000e-01 : f32
          %mul3A_135 = vector.broadcast %mul3A_134 : f32 to vector<16xf32>
          %mul3A_136 = arith.mulf %add3A_130, %mul3A_135 : vector<16xf32>
          %max3A_137 = arith.maximumf %add3A_130, %mul3A_136 : vector<16xf32>
          %exp3A_138 = math.exp %max3A_137 : vector<16xf32>
          %add3A_139 = arith.constant 0 : i32
          %add3A_140 = vector.broadcast %add3A_139 : i32 to vector<16xi32>
          %add3A_141 = arith.addi %broadcast_in_dim3A_2, %add3A_140 : vector<16xi32>
          %gather3A_142 = tpu.vector_load_idx %arg14[%add3A_114, %add3A_141] : memref<128x16xf32, #tpu.memory_space<vmem>>[vector<16xi32>, vector<16xi32>], vector<16xf32>,
          %add3A_143 = arith.constant 0 : i32
          %add3A_144 = vector.broadcast %add3A_143 : i32 to vector<16xi32>
          %add3A_145 = arith.addi %broadcast_in_dim3A_2, %add3A_144 : vector<16xi32>
          %mul3A_146 = arith.mulf %gather3A_142, %exp3A : vector<16xf32>
          tpu.vector_store_idx %arg15[%add3A_114, %add3A_145], %mul3A_146 : memref<128x16xf32, #tpu.memory_space<vmem>>[vector<16xi32>, vector<16xi32>], vector<16xf32>,
          %add3A_147 = arith.constant 1 : i32
          %add3A_148 = vector.broadcast %add3A_147 : i32 to vector<16xi32>
          %add3A_149 = arith.addi %broadcast_in_dim3A_2, %add3A_148 : vector<16xi32>
          %gather3A_150 = tpu.vector_load_idx %arg14[%add3A_114, %add3A_149] : memref<128x16xf32, #tpu.memory_space<vmem>>[vector<16xi32>, vector<16xi32>], vector<16xf32>,
          %add3A_151 = arith.constant 1 : i32
          %add3A_152 = vector.broadcast %add3A_151 : i32 to vector<16xi32>
          %add3A_153 = arith.addi %broadcast_in_dim3A_2, %add3A_152 : vector<16xi32>
          %mul3A_154 = arith.mulf %gather3A_150, %exp3A : vector<16xf32>
          tpu.vector_store_idx %arg15[%add3A_114, %add3A_153], %mul3A_154 : memref<128x16xf32, #tpu.memory_space<vmem>>[vector<16xi32>, vector<16xi32>], vector<16xf32>,
          %add3A_155 = arith.constant 2 : i32
          %add3A_156 = vector.broadcast %add3A_155 : i32 to vector<16xi32>
          %add3A_157 = arith.addi %broadcast_in_dim3A_2, %add3A_156 : vector<16xi32>
          %gather3A_158 = tpu.vector_load_idx %arg14[%add3A_114, %add3A_157] : memref<128x16xf32, #tpu.memory_space<vmem>>[vector<16xi32>, vector<16xi32>], vector<16xf32>,
          %add3A_159 = arith.constant 2 : i32
          %add3A_160 = vector.broadcast %add3A_159 : i32 to vector<16xi32>
          %add3A_161 = arith.addi %broadcast_in_dim3A_2, %add3A_160 : vector<16xi32>
          %mul3A_162 = arith.mulf %gather3A_158, %exp3A : vector<16xf32>
          tpu.vector_store_idx %arg15[%add3A_114, %add3A_161], %mul3A_162 : memref<128x16xf32, #tpu.memory_space<vmem>>[vector<16xi32>, vector<16xi32>], vector<16xf32>,
          %add3A_163 = arith.constant 3 : i32
          %add3A_164 = vector.broadcast %add3A_163 : i32 to vector<16xi32>
          %add3A_165 = arith.addi %broadcast_in_dim3A_2, %add3A_164 : vector<16xi32>
          %gather3A_166 = tpu.vector_load_idx %arg14[%add3A_114, %add3A_165] : memref<128x16xf32, #tpu.memory_space<vmem>>[vector<16xi32>, vector<16xi32>], vector<16xf32>,
          %add3A_167 = arith.constant 3 : i32
          %add3A_168 = vector.broadcast %add3A_167 : i32 to vector<16xi32>
          %add3A_169 = arith.addi %broadcast_in_dim3A_2, %add3A_168 : vector<16xi32>
          %mul3A_170 = arith.mulf %gather3A_166, %exp3A : vector<16xf32>
          tpu.vector_store_idx %arg15[%add3A_114, %add3A_169], %mul3A_170 : memref<128x16xf32, #tpu.memory_space<vmem>>[vector<16xi32>, vector<16xi32>], vector<16xf32>,
          %add3A_171 = arith.constant 4 : i32
          %add3A_172 = vector.broadcast %add3A_171 : i32 to vector<16xi32>
          %add3A_173 = arith.addi %broadcast_in_dim3A_2, %add3A_172 : vector<16xi32>
          %gather3A_174 = tpu.vector_load_idx %arg14[%add3A_114, %add3A_173] : memref<128x16xf32, #tpu.memory_space<vmem>>[vector<16xi32>, vector<16xi32>], vector<16xf32>,
          %add3A_175 = arith.constant 4 : i32
          %add3A_176 = vector.broadcast %add3A_175 : i32 to vector<16xi32>
          %add3A_177 = arith.addi %broadcast_in_dim3A_2, %add3A_176 : vector<16xi32>
          %mul3A_178 = arith.mulf %gather3A_174, %exp3A : vector<16xf32>
          tpu.vector_store_idx %arg15[%add3A_114, %add3A_177], %mul3A_178 : memref<128x16xf32, #tpu.memory_space<vmem>>[vector<16xi32>, vector<16xi32>], vector<16xf32>,
          %add3A_179 = arith.constant 5 : i32
          %add3A_180 = vector.broadcast %add3A_179 : i32 to vector<16xi32>
          %add3A_181 = arith.addi %broadcast_in_dim3A_2, %add3A_180 : vector<16xi32>
          %gather3A_182 = tpu.vector_load_idx %arg14[%add3A_114, %add3A_181] : memref<128x16xf32, #tpu.memory_space<vmem>>[vector<16xi32>, vector<16xi32>], vector<16xf32>,
          %add3A_183 = arith.constant 5 : i32
          %add3A_184 = vector.broadcast %add3A_183 : i32 to vector<16xi32>
          %add3A_185 = arith.addi %broadcast_in_dim3A_2, %add3A_184 : vector<16xi32>
          %mul3A_186 = arith.mulf %gather3A_182, %exp3A : vector<16xf32>
          tpu.vector_store_idx %arg15[%add3A_114, %add3A_185], %mul3A_186 : memref<128x16xf32, #tpu.memory_space<vmem>>[vector<16xi32>, vector<16xi32>], vector<16xf32>,
          %add3A_187 = arith.constant 6 : i32
          %add3A_188 = vector.broadcast %add3A_187 : i32 to vector<16xi32>
          %add3A_189 = arith.addi %broadcast_in_dim3A_2, %add3A_188 : vector<16xi32>
          %gather3A_190 = tpu.vector_load_idx %arg14[%add3A_114, %add3A_189] : memref<128x16xf32, #tpu.memory_space<vmem>>[vector<16xi32>, vector<16xi32>], vector<16xf32>,
          %add3A_191 = arith.constant 6 : i32
          %add3A_192 = vector.broadcast %add3A_191 : i32 to vector<16xi32>
          %add3A_193 = arith.addi %broadcast_in_dim3A_2, %add3A_192 : vector<16xi32>
          %mul3A_194 = arith.mulf %gather3A_190, %exp3A : vector<16xf32>
          tpu.vector_store_idx %arg15[%add3A_114, %add3A_193], %mul3A_194 : memref<128x16xf32, #tpu.memory_space<vmem>>[vector<16xi32>, vector<16xi32>], vector<16xf32>,
          %add3A_195 = arith.constant 7 : i32
          %add3A_196 = vector.broadcast %add3A_195 : i32 to vector<16xi32>
          %add3A_197 = arith.addi %broadcast_in_dim3A_2, %add3A_196 : vector<16xi32>
          %gather3A_198 = tpu.vector_load_idx %arg14[%add3A_114, %add3A_197] : memref<128x16xf32, #tpu.memory_space<vmem>>[vector<16xi32>, vector<16xi32>], vector<16xf32>,
          %add3A_199 = arith.constant 7 : i32
          %add3A_200 = vector.broadcast %add3A_199 : i32 to vector<16xi32>
          %add3A_201 = arith.addi %broadcast_in_dim3A_2, %add3A_200 : vector<16xi32>
          %mul3A_202 = arith.mulf %gather3A_198, %exp3A : vector<16xf32>
          tpu.vector_store_idx %arg15[%add3A_114, %add3A_201], %mul3A_202 : memref<128x16xf32, #tpu.memory_space<vmem>>[vector<16xi32>, vector<16xi32>], vector<16xf32>,
          %add3A_203 = arith.constant 8 : i32
          %add3A_204 = vector.broadcast %add3A_203 : i32 to vector<16xi32>
          %add3A_205 = arith.addi %broadcast_in_dim3A_2, %add3A_204 : vector<16xi32>
          %gather3A_206 = tpu.vector_load_idx %arg14[%add3A_114, %add3A_205] : memref<128x16xf32, #tpu.memory_space<vmem>>[vector<16xi32>, vector<16xi32>], vector<16xf32>,
          %add3A_207 = arith.constant 8 : i32
          %add3A_208 = vector.broadcast %add3A_207 : i32 to vector<16xi32>
          %add3A_209 = arith.addi %broadcast_in_dim3A_2, %add3A_208 : vector<16xi32>
          %mul3A_210 = arith.mulf %gather3A_206, %exp3A_138 : vector<16xf32>
          tpu.vector_store_idx %arg15[%add3A_114, %add3A_209], %mul3A_210 : memref<128x16xf32, #tpu.memory_space<vmem>>[vector<16xi32>, vector<16xi32>], vector<16xf32>,
          %add3A_211 = arith.constant 9 : i32
          %add3A_212 = vector.broadcast %add3A_211 : i32 to vector<16xi32>
          %add3A_213 = arith.addi %broadcast_in_dim3A_2, %add3A_212 : vector<16xi32>
          %gather3A_214 = tpu.vector_load_idx %arg14[%add3A_114, %add3A_213] : memref<128x16xf32, #tpu.memory_space<vmem>>[vector<16xi32>, vector<16xi32>], vector<16xf32>,
          %add3A_215 = arith.constant 9 : i32
          %add3A_216 = vector.broadcast %add3A_215 : i32 to vector<16xi32>
          %add3A_217 = arith.addi %broadcast_in_dim3A_2, %add3A_216 : vector<16xi32>
          %mul3A_218 = arith.mulf %gather3A_214, %exp3A_138 : vector<16xf32>
          tpu.vector_store_idx %arg15[%add3A_114, %add3A_217], %mul3A_218 : memref<128x16xf32, #tpu.memory_space<vmem>>[vector<16xi32>, vector<16xi32>], vector<16xf32>,
          %add3A_219 = arith.constant 10 : i32
          %add3A_220 = vector.broadcast %add3A_219 : i32 to vector<16xi32>
          %add3A_221 = arith.addi %broadcast_in_dim3A_2, %add3A_220 : vector<16xi32>
          %gather3A_222 = tpu.vector_load_idx %arg14[%add3A_114, %add3A_221] : memref<128x16xf32, #tpu.memory_space<vmem>>[vector<16xi32>, vector<16xi32>], vector<16xf32>,
          %add3A_223 = arith.constant 10 : i32
          %add3A_224 = vector.broadcast %add3A_223 : i32 to vector<16xi32>
          %add3A_225 = arith.addi %broadcast_in_dim3A_2, %add3A_224 : vector<16xi32>
          %mul3A_226 = arith.mulf %gather3A_222, %exp3A_138 : vector<16xf32>
          tpu.vector_store_idx %arg15[%add3A_114, %add3A_225], %mul3A_226 : memref<128x16xf32, #tpu.memory_space<vmem>>[vector<16xi32>, vector<16xi32>], vector<16xf32>,
          %add3A_227 = arith.constant 11 : i32
          %add3A_228 = vector.broadcast %add3A_227 : i32 to vector<16xi32>
          %add3A_229 = arith.addi %broadcast_in_dim3A_2, %add3A_228 : vector<16xi32>
          %gather3A_230 = tpu.vector_load_idx %arg14[%add3A_114, %add3A_229] : memref<128x16xf32, #tpu.memory_space<vmem>>[vector<16xi32>, vector<16xi32>], vector<16xf32>,
          %add3A_231 = arith.constant 11 : i32
          %add3A_232 = vector.broadcast %add3A_231 : i32 to vector<16xi32>
          %add3A_233 = arith.addi %broadcast_in_dim3A_2, %add3A_232 : vector<16xi32>
          %mul3A_234 = arith.mulf %gather3A_230, %exp3A_138 : vector<16xf32>
          tpu.vector_store_idx %arg15[%add3A_114, %add3A_233], %mul3A_234 : memref<128x16xf32, #tpu.memory_space<vmem>>[vector<16xi32>, vector<16xi32>], vector<16xf32>,
          %add3A_235 = arith.constant 12 : i32
          %add3A_236 = vector.broadcast %add3A_235 : i32 to vector<16xi32>
          %add3A_237 = arith.addi %broadcast_in_dim3A_2, %add3A_236 : vector<16xi32>
          %gather3A_238 = tpu.vector_load_idx %arg14[%add3A_114, %add3A_237] : memref<128x16xf32, #tpu.memory_space<vmem>>[vector<16xi32>, vector<16xi32>], vector<16xf32>,
          %add3A_239 = arith.constant 12 : i32
          %add3A_240 = vector.broadcast %add3A_239 : i32 to vector<16xi32>
          %add3A_241 = arith.addi %broadcast_in_dim3A_2, %add3A_240 : vector<16xi32>
          %mul3A_242 = arith.mulf %gather3A_238, %exp3A_138 : vector<16xf32>
          tpu.vector_store_idx %arg15[%add3A_114, %add3A_241], %mul3A_242 : memref<128x16xf32, #tpu.memory_space<vmem>>[vector<16xi32>, vector<16xi32>], vector<16xf32>,
          %add3A_243 = arith.constant 13 : i32
          %add3A_244 = vector.broadcast %add3A_243 : i32 to vector<16xi32>
          %add3A_245 = arith.addi %broadcast_in_dim3A_2, %add3A_244 : vector<16xi32>
          %gather3A_246 = tpu.vector_load_idx %arg14[%add3A_114, %add3A_245] : memref<128x16xf32, #tpu.memory_space<vmem>>[vector<16xi32>, vector<16xi32>], vector<16xf32>,
          %add3A_247 = arith.constant 13 : i32
          %add3A_248 = vector.broadcast %add3A_247 : i32 to vector<16xi32>
          %add3A_249 = arith.addi %broadcast_in_dim3A_2, %add3A_248 : vector<16xi32>
          %mul3A_250 = arith.mulf %gather3A_246, %exp3A_138 : vector<16xf32>
          tpu.vector_store_idx %arg15[%add3A_114, %add3A_249], %mul3A_250 : memref<128x16xf32, #tpu.memory_space<vmem>>[vector<16xi32>, vector<16xi32>], vector<16xf32>,
          %add3A_251 = arith.constant 14 : i32
          %add3A_252 = vector.broadcast %add3A_251 : i32 to vector<16xi32>
          %add3A_253 = arith.addi %broadcast_in_dim3A_2, %add3A_252 : vector<16xi32>
          %gather3A_254 = tpu.vector_load_idx %arg14[%add3A_114, %add3A_253] : memref<128x16xf32, #tpu.memory_space<vmem>>[vector<16xi32>, vector<16xi32>], vector<16xf32>,
          %add3A_255 = arith.constant 14 : i32
          %add3A_256 = vector.broadcast %add3A_255 : i32 to vector<16xi32>
          %add3A_257 = arith.addi %broadcast_in_dim3A_2, %add3A_256 : vector<16xi32>
          %mul3A_258 = arith.mulf %gather3A_254, %exp3A_138 : vector<16xf32>
          tpu.vector_store_idx %arg15[%add3A_114, %add3A_257], %mul3A_258 : memref<128x16xf32, #tpu.memory_space<vmem>>[vector<16xi32>, vector<16xi32>], vector<16xf32>,
          %add3A_259 = arith.constant 15 : i32
          %add3A_260 = vector.broadcast %add3A_259 : i32 to vector<16xi32>
          %add3A_261 = arith.addi %broadcast_in_dim3A_2, %add3A_260 : vector<16xi32>
          %gather3A_262 = tpu.vector_load_idx %arg14[%add3A_114, %add3A_261] : memref<128x16xf32, #tpu.memory_space<vmem>>[vector<16xi32>, vector<16xi32>], vector<16xf32>,
          %add3A_263 = arith.constant 15 : i32
          %add3A_264 = vector.broadcast %add3A_263 : i32 to vector<16xi32>
          %add3A_265 = arith.addi %broadcast_in_dim3A_2, %add3A_264 : vector<16xi32>
          %mul3A_266 = arith.mulf %gather3A_262, %exp3A_138 : vector<16xf32>
          tpu.vector_store_idx %arg15[%add3A_114, %add3A_265], %mul3A_266 : memref<128x16xf32, #tpu.memory_space<vmem>>[vector<16xi32>, vector<16xi32>], vector<16xf32>,
        }
        %scan3A_109 = arith.constant 8 : i32
        "tpu.region"() ({
          %run_scoped3A = tpu.sem_alloc : memref<!tpu.dma_semaphore, #tpu.memory_space<semaphore_mem>>
          %dma_start3A_110 = arith.constant 0 : i32
          %dma_start3A_111 = arith.constant 0 : i32
          %dma_start3A_112 = tpu.memref_slice %arg8[%dma_start3A_110, %dma_start3A_111] : memref<100000x16xf32, #tpu.memory_space<vmem_shared>> -> memref<100000x16xf32, #tpu.memory_space<vmem_shared>>
          tpu.enqueue_indirect_dma source(%arg15 : memref<128x16xf32, #tpu.memory_space<vmem>>) target(%dma_start3A_112 : memref<100000x16xf32, #tpu.memory_space<vmem_shared>>) offsets(%arg10 : memref<128xi32, #tpu.memory_space<vmem>>) semaphore(%run_scoped3A : memref<!tpu.dma_semaphore, #tpu.memory_space<semaphore_mem>>) {add = true}
          %dma_wait3A_113 = arith.constant 0 : i32
          %dma_wait3A_114 = arith.constant 0 : i32
          %dma_wait3A_115 = tpu.memref_slice %arg8[%dma_wait3A_113, %dma_wait3A_114] : memref<100000x16xf32, #tpu.memory_space<vmem_shared>> -> memref<100000x16xf32, #tpu.memory_space<vmem_shared>>
          tpu.wait_indirect_dma semaphore(%run_scoped3A : memref<!tpu.dma_semaphore, #tpu.memory_space<semaphore_mem>>) src(%arg15 : memref<128x16xf32, #tpu.memory_space<vmem>>) dst(%dma_wait3A_115 : memref<100000x16xf32, #tpu.memory_space<vmem_shared>>)
          tpu.yield
        }) : () -> ()
      } else {
      }
    }
    %scan3A_53 = arith.constant 782 : i32
    %barrier3A_54 = arith.constant 0 : index
    tpu.barrier barrier_id(%barrier3A_54)
    %scan3A_55 = arith.constant 0 : i32
    %scan3A_56 = arith.constant 0 : i32
    %scan3A_57 = arith.constant 32 : i32
    %scan3A_58 = arith.addi %scan3A_56, %scan3A_57 : i32
    %scan3A_59 = arith.constant 1 : i32
    scf.for %scan3A_67 = %scan3A_56 to %scan3A_58 step %scan3A_59  : i32 {
      %mul3A_68 = arith.constant 16 : i32
      %mul3A_69 = arith.muli %scan3A_67, %mul3A_68 : i32
      %add3A = arith.addi %arg1, %mul3A_69 : i32
      %lt3A = arith.constant 500 : i32
      %lt3A_70 = arith.cmpi slt, %add3A, %lt3A : i32
      %convert_element_type3A = arith.extui %lt3A_70 : i1 to i32
      %cond3A = arith.constant 0 : i32
      %cond3A_71 = arith.cmpi ne, %convert_element_type3A, %cond3A : i32
      scf.if %cond3A_71 {
        %mul3A_72 = arith.constant 200 : i32
        %mul3A_73 = arith.muli %add3A, %mul3A_72 : i32
        "tpu.region"() ({
          %run_scoped3A = tpu.sem_alloc : memref<!tpu.dma_semaphore, #tpu.memory_space<semaphore_mem>>
          %dma_start3A = arith.constant 0 : i32
          %dma_start3A_79 = tpu.memref_slice %arg8[%mul3A_73, %dma_start3A] : memref<100000x16xf32, #tpu.memory_space<vmem_shared>> -> memref<200x16xf32, #tpu.memory_space<vmem_shared>>
          %dma_start3A_80 = arith.constant 0 : i32
          %dma_start3A_81 = tpu.memref_slice %arg8[%mul3A_73, %dma_start3A_80] : memref<100000x16xf32, #tpu.memory_space<vmem_shared>> -> memref<200x16xf32, #tpu.memory_space<vmem_shared>>
          tpu.enqueue_dma source(%dma_start3A_81 : memref<200x16xf32, #tpu.memory_space<vmem_shared>>) target(%arg16 : memref<200x16xf32, #tpu.memory_space<vmem>>) target_semaphore(%run_scoped3A : memref<!tpu.dma_semaphore, #tpu.memory_space<semaphore_mem>>)
          %dma_wait3A = arith.constant 0 : i32
          %dma_wait3A_82 = tpu.memref_slice %arg8[%mul3A_73, %dma_wait3A] : memref<100000x16xf32, #tpu.memory_space<vmem_shared>> -> memref<200x16xf32, #tpu.memory_space<vmem_shared>>
          %dma_wait3A_83 = arith.constant 0 : i32
          %dma_wait3A_84 = tpu.memref_slice %arg8[%mul3A_73, %dma_wait3A_83] : memref<100000x16xf32, #tpu.memory_space<vmem_shared>> -> memref<200x16xf32, #tpu.memory_space<vmem_shared>>
          tpu.wait_dma2 semaphore(%run_scoped3A : memref<!tpu.dma_semaphore, #tpu.memory_space<semaphore_mem>>) src(%dma_wait3A_84 : memref<200x16xf32, #tpu.memory_space<vmem_shared>>) dst(%arg16 : memref<200x16xf32, #tpu.memory_space<vmem>>)
          tpu.yield
        }) : () -> ()
        %mul3A_74 = arith.constant 100000 : i32
        %mul3A_75 = arith.muli %arg0, %mul3A_74 : i32
        %mul3A_76 = arith.constant 200 : i32
        %mul3A_77 = arith.muli %add3A, %mul3A_76 : i32
        %add3A_78 = arith.addi %mul3A_75, %mul3A_77 : i32
        "tpu.region"() ({
          %run_scoped3A = tpu.sem_alloc : memref<!tpu.dma_semaphore, #tpu.memory_space<semaphore_mem>>
          %dma_start3A = arith.constant 0 : i32
          %dma_start3A_79 = tpu.memref_slice %arg6[%add3A_78, %dma_start3A] : memref<200000x16xf32, #tpu.memory_space<hbm>> -> memref<200x16xf32, #tpu.memory_space<hbm>>
          %dma_start3A_80 = arith.constant 0 : i32
          %dma_start3A_81 = tpu.memref_slice %arg6[%add3A_78, %dma_start3A_80] : memref<200000x16xf32, #tpu.memory_space<hbm>> -> memref<200x16xf32, #tpu.memory_space<hbm>>
          tpu.enqueue_dma source(%arg16 : memref<200x16xf32, #tpu.memory_space<vmem>>) target(%dma_start3A_81 : memref<200x16xf32, #tpu.memory_space<hbm>>) target_semaphore(%run_scoped3A : memref<!tpu.dma_semaphore, #tpu.memory_space<semaphore_mem>>)
          %dma_wait3A = arith.constant 0 : i32
          %dma_wait3A_82 = tpu.memref_slice %arg6[%add3A_78, %dma_wait3A] : memref<200000x16xf32, #tpu.memory_space<hbm>> -> memref<200x16xf32, #tpu.memory_space<hbm>>
          %dma_wait3A_83 = arith.constant 0 : i32
          %dma_wait3A_84 = tpu.memref_slice %arg6[%add3A_78, %dma_wait3A_83] : memref<200000x16xf32, #tpu.memory_space<hbm>> -> memref<200x16xf32, #tpu.memory_space<hbm>>
          tpu.wait_dma2 semaphore(%run_scoped3A : memref<!tpu.dma_semaphore, #tpu.memory_space<semaphore_mem>>) src(%arg16 : memref<200x16xf32, #tpu.memory_space<vmem>>) dst(%dma_wait3A_84 : memref<200x16xf32, #tpu.memory_space<hbm>>)
          tpu.yield
        }) : () -> ()
      } else {
      }
    }
    %scan3A_60 = arith.constant 32 : i32
    %scan3A_61 = arith.constant 0 : i32
    %scan3A_62 = arith.constant 0 : i32
    %scan3A_63 = arith.constant 200 : i32
    %scan3A_64 = arith.addi %scan3A_62, %scan3A_63 : i32
    %scan3A_65 = arith.constant 1 : i32
    scf.for %scan3A_67 = %scan3A_62 to %scan3A_64 step %scan3A_65  : i32 {
      %swap3A = arith.index_cast %scan3A_67 : i32 to index
      %swap3A_68 = arith.constant 0 : index
      %swap3A_69 = tpu.vector_load %arg16[%swap3A, %swap3A_68] {strides = array<i32>} : memref<200x16xf32, #tpu.memory_space<vmem>>, vector<16xf32>,
      tpu.vector_store %arg16[%swap3A, %swap3A_68], %broadcast_in_dim3A_0 {strides = array<i32>} : memref<200x16xf32, #tpu.memory_space<vmem>>, vector<16xf32>,
    }
    %scan3A_66 = arith.constant 200 : i32
    return
  }
}

module attributes {stable_mosaic.version = 14 : i64} {
  func.func @_featprep1_body(%arg0: i32, %arg1: memref<1000x128xf32, #tpu.memory_space<vmem>>, %arg2: memref<32x128xf32, #tpu.memory_space<vmem>>, %arg3: memref<32x16xf32, #tpu.memory_space<vmem>>, %arg4: memref<1000x32xf32, #tpu.memory_space<vmem>>, %arg5: memref<1000x16xf32, #tpu.memory_space<vmem>>) attributes {dimension_semantics = [#tpu.dimension_semantics<arbitrary>], iteration_bounds = array<i64: 100>, scalar_prefetch = 0 : i64, scratch_operands = 0 : i64, tpu.core_type = #tpu.core_type<tc>, window_params = [{transform_indices = @transform_0, window_bounds = array<i64: 1000, 128>}, {pipeline_mode = #tpu.pipeline_mode<synchronous>, transform_indices = @transform_1, window_bounds = array<i64: 32, 128>}, {pipeline_mode = #tpu.pipeline_mode<synchronous>, transform_indices = @transform_2, window_bounds = array<i64: 32, 16>}, {transform_indices = @transform_3, window_bounds = array<i64: 1000, 32>}, {transform_indices = @transform_4, window_bounds = array<i64: 1000, 16>}]} {
    %get3A = arith.constant 0 : index
    %get3A_0 = arith.constant 0 : index
    %get3A_1 = vector.load %arg1[%get3A, %get3A_0] : memref<1000x128xf32, #tpu.memory_space<vmem>>, vector<1000x128xf32>
    %get3A_2 = arith.constant 0 : index
    %get3A_3 = arith.constant 0 : index
    %get3A_4 = vector.load %arg2[%get3A_2, %get3A_3] : memref<32x128xf32, #tpu.memory_space<vmem>>, vector<32x128xf32>
    %dot_general3A = arith.constant dense<0.000000e+00> : vector<1000x32xf32>
    %dot_general3A_5 = tpu.matmul %get3A_1, %get3A_4, %dot_general3A {dimension_numbers = #tpu.dot_dimension_numbers<[1], [1], [0], [0], [0, 0, 1, 0], [], []>, precision = #tpu.contract_precision<fp32>, transpose_lhs_hint = false} : vector<1000x128xf32>, vector<32x128xf32>, vector<1000x32xf32> -> vector<1000x32xf32>
    %swap3A = arith.constant 0 : index
    %swap3A_6 = arith.constant 0 : index
    %swap3A_7 = vector.load %arg4[%swap3A, %swap3A_6] : memref<1000x32xf32, #tpu.memory_space<vmem>>, vector<1000x32xf32>
    tpu.vector_store %arg4[%swap3A, %swap3A_6], %dot_general3A_5 {strides = array<i32>} : memref<1000x32xf32, #tpu.memory_space<vmem>>, vector<1000x32xf32>,
    %get3A_8 = arith.constant 0 : index
    %get3A_9 = arith.constant 0 : index
    %get3A_10 = vector.load %arg3[%get3A_8, %get3A_9] : memref<32x16xf32, #tpu.memory_space<vmem>>, vector<32x16xf32>
    %dot_general3A_11 = arith.constant dense<0.000000e+00> : vector<1000x16xf32>
    %dot_general3A_12 = tpu.matmul %dot_general3A_5, %get3A_10, %dot_general3A_11 {dimension_numbers = #tpu.dot_dimension_numbers<[1], [0], [0], [1], [0, 0, 1, 1], [], []>, precision = #tpu.contract_precision<fp32>, transpose_lhs_hint = false} : vector<1000x32xf32>, vector<32x16xf32>, vector<1000x16xf32> -> vector<1000x16xf32>
    %swap3A_13 = arith.constant 0 : index
    %swap3A_14 = arith.constant 0 : index
    %swap3A_15 = vector.load %arg5[%swap3A_13, %swap3A_14] : memref<1000x16xf32, #tpu.memory_space<vmem>>, vector<1000x16xf32>
    tpu.vector_store %arg5[%swap3A_13, %swap3A_14], %dot_general3A_12 {strides = array<i32>} : memref<1000x16xf32, #tpu.memory_space<vmem>>, vector<1000x16xf32>,
    return
  }
  func.func @transform_0(%arg0: i32) -> (i32, i32) {
    %c0_i32 = arith.constant 0 : i32
    %c0_i32_0 = arith.constant 0 : i32
    return %arg0, %c0_i32 : i32, i32
  }
  func.func @transform_1(%arg0: i32) -> (i32, i32) {
    %c0_i32 = arith.constant 0 : i32
    %c0_i32_0 = arith.constant 0 : i32
    %c0_i32_1 = arith.constant 0 : i32
    return %c0_i32, %c0_i32_0 : i32, i32
  }
  func.func @transform_2(%arg0: i32) -> (i32, i32) {
    %c0_i32 = arith.constant 0 : i32
    %c0_i32_0 = arith.constant 0 : i32
    %c0_i32_1 = arith.constant 0 : i32
    return %c0_i32, %c0_i32_0 : i32, i32
  }
  func.func @transform_3(%arg0: i32) -> (i32, i32) {
    %c0_i32 = arith.constant 0 : i32
    %c0_i32_0 = arith.constant 0 : i32
    return %arg0, %c0_i32 : i32, i32
  }
  func.func @transform_4(%arg0: i32) -> (i32, i32) {
    %c0_i32 = arith.constant 0 : i32
    %c0_i32_0 = arith.constant 0 : i32
    return %arg0, %c0_i32 : i32, i32
  }
}

module attributes {stable_mosaic.version = 14 : i64} {
  func.func @_mid_body(%arg0: i32, %arg1: memref<1000x16xf32, #tpu.memory_space<vmem>>, %arg2: memref<1000x16xf32, #tpu.memory_space<vmem>>, %arg3: memref<1000x16xf32, #tpu.memory_space<vmem>>, %arg4: memref<1000x16xf32, #tpu.memory_space<vmem>>, %arg5: memref<1x32xf32, #tpu.memory_space<vmem>>, %arg6: memref<16x16xf32, #tpu.memory_space<vmem>>, %arg7: memref<16x16xf32, #tpu.memory_space<vmem>>, %arg8: memref<2x16xf32, #tpu.memory_space<vmem>>, %arg9: memref<16x16xf32, #tpu.memory_space<vmem>>, %arg10: memref<1000x16xf32, #tpu.memory_space<vmem>>, %arg11: memref<1000x16xf32, #tpu.memory_space<vmem>>) attributes {dimension_semantics = [#tpu.dimension_semantics<arbitrary>], iteration_bounds = array<i64: 100>, scalar_prefetch = 0 : i64, scratch_operands = 0 : i64, tpu.core_type = #tpu.core_type<tc>, window_params = [{transform_indices = @transform_0, window_bounds = array<i64: 1000, 16>}, {transform_indices = @transform_1, window_bounds = array<i64: 1000, 16>}, {transform_indices = @transform_2, window_bounds = array<i64: 1000, 16>}, {transform_indices = @transform_3, window_bounds = array<i64: 1000, 16>}, {pipeline_mode = #tpu.pipeline_mode<synchronous>, transform_indices = @transform_4, window_bounds = array<i64: 1, 32>}, {pipeline_mode = #tpu.pipeline_mode<synchronous>, transform_indices = @transform_5, window_bounds = array<i64: 16, 16>}, {pipeline_mode = #tpu.pipeline_mode<synchronous>, transform_indices = @transform_6, window_bounds = array<i64: 16, 16>}, {pipeline_mode = #tpu.pipeline_mode<synchronous>, transform_indices = @transform_7, window_bounds = array<i64: 2, 16>}, {pipeline_mode = #tpu.pipeline_mode<synchronous>, transform_indices = @transform_8, window_bounds = array<i64: 16, 16>}, {transform_indices = @transform_9, window_bounds = array<i64: 1000, 16>}, {transform_indices = @transform_10, window_bounds = array<i64: 1000, 16>}]} {
    %get3A = arith.constant 0 : index
    %get3A_0 = arith.constant 0 : index
    %get3A_1 = vector.load %arg8[%get3A, %get3A_0] : memref<2x16xf32, #tpu.memory_space<vmem>>, vector<2x16xf32>
    %get3A_2 = arith.constant 0 : index
    %get3A_3 = arith.constant 0 : index
    %get3A_4 = vector.load %arg3[%get3A_2, %get3A_3] : memref<1000x16xf32, #tpu.memory_space<vmem>>, vector<1000x16xf32>
    %slice3A = vector.extract_strided_slice %get3A_4 {offsets = [0, 0], sizes = [1000, 2], strides = [1, 1]} : vector<1000x16xf32> to vector<1000x2xf32>
    %get3A_5 = arith.constant 0 : index
    %get3A_6 = arith.constant 0 : index
    %get3A_7 = vector.load %arg4[%get3A_5, %get3A_6] : memref<1000x16xf32, #tpu.memory_space<vmem>>, vector<1000x16xf32>
    %slice3A_8 = vector.extract_strided_slice %get3A_7 {offsets = [0, 0], sizes = [1000, 2], strides = [1, 1]} : vector<1000x16xf32> to vector<1000x2xf32>
    %gt3A = arith.constant 0.000000e+00 : f32
    %gt3A_9 = vector.broadcast %gt3A : f32 to vector<1000x2xf32>
    %gt3A_10 = arith.cmpf ogt, %slice3A, %gt3A_9 : vector<1000x2xf32>
    %div3A = arith.constant 1.000000e+00 : f32
    %div3A_11 = vector.broadcast %div3A : f32 to vector<1000x2xf32>
    %div3A_12 = arith.divf %div3A_11, %slice3A : vector<1000x2xf32>
    %jit3A = arith.constant 0.000000e+00 : f32
    %broadcast_in_dim3A = vector.broadcast %jit3A : f32 to vector<1000x2xf32>
    %select_n3A = arith.select %gt3A_10, %div3A_12, %broadcast_in_dim3A : vector<1000x2xi1>, vector<1000x2xf32>
    %gt3A_13 = arith.constant 0.000000e+00 : f32
    %gt3A_14 = vector.broadcast %gt3A_13 : f32 to vector<1000x2xf32>
    %gt3A_15 = arith.cmpf ogt, %slice3A_8, %gt3A_14 : vector<1000x2xf32>
    %div3A_16 = arith.constant 1.000000e+00 : f32
    %div3A_17 = vector.broadcast %div3A_16 : f32 to vector<1000x2xf32>
    %div3A_18 = arith.divf %div3A_17, %slice3A_8 : vector<1000x2xf32>
    %jit3A_19 = arith.constant 0.000000e+00 : f32
    %broadcast_in_dim3A_20 = vector.broadcast %jit3A_19 : f32 to vector<1000x2xf32>
    %select_n3A_21 = arith.select %gt3A_15, %div3A_18, %broadcast_in_dim3A_20 : vector<1000x2xi1>, vector<1000x2xf32>
    %dot_general3A = arith.constant dense<0.000000e+00> : vector<1000x16xf32>
    %dot_general3A_22 = tpu.matmul %select_n3A, %get3A_1, %dot_general3A {dimension_numbers = #tpu.dot_dimension_numbers<[1], [0], [0], [1], [0, 0, 1, 1], [], []>, precision = #tpu.contract_precision<fp32>, transpose_lhs_hint = false} : vector<1000x2xf32>, vector<2x16xf32>, vector<1000x16xf32> -> vector<1000x16xf32>
    %dot_general3A_23 = arith.constant dense<0.000000e+00> : vector<1000x16xf32>
    %dot_general3A_24 = tpu.matmul %select_n3A_21, %get3A_1, %dot_general3A_23 {dimension_numbers = #tpu.dot_dimension_numbers<[1], [0], [0], [1], [0, 0, 1, 1], [], []>, precision = #tpu.contract_precision<fp32>, transpose_lhs_hint = false} : vector<1000x2xf32>, vector<2x16xf32>, vector<1000x16xf32> -> vector<1000x16xf32>
    %get3A_25 = arith.constant 0 : index
    %get3A_26 = arith.constant 0 : index
    %get3A_27 = vector.load %arg5[%get3A_25, %get3A_26] : memref<1x32xf32, #tpu.memory_space<vmem>>, vector<1x32xf32>
    %get3A_28 = arith.constant 0 : index
    %get3A_29 = arith.constant 0 : index
    %get3A_30 = vector.load %arg1[%get3A_28, %get3A_29] : memref<1000x16xf32, #tpu.memory_space<vmem>>, vector<1000x16xf32>
    %mul3A = arith.mulf %get3A_30, %dot_general3A_22 : vector<1000x16xf32>
    %slice3A_31 = vector.extract_strided_slice %get3A_27 {offsets = [0, 0], sizes = [1, 16], strides = [1, 1]} : vector<1x32xf32> to vector<1x16xf32>
    %add3A = vector.broadcast %slice3A_31 : vector<1x16xf32> to vector<1000x16xf32>
    %add3A_32 = arith.addf %mul3A, %add3A : vector<1000x16xf32>
    %get3A_33 = arith.constant 0 : index
    %get3A_34 = arith.constant 0 : index
    %get3A_35 = vector.load %arg2[%get3A_33, %get3A_34] : memref<1000x16xf32, #tpu.memory_space<vmem>>, vector<1000x16xf32>
    %mul3A_36 = arith.mulf %get3A_35, %dot_general3A_24 : vector<1000x16xf32>
    %slice3A_37 = vector.extract_strided_slice %get3A_27 {offsets = [0, 16], sizes = [1, 16], strides = [1, 1]} : vector<1x32xf32> to vector<1x16xf32>
    %add3A_38 = vector.broadcast %slice3A_37 : vector<1x16xf32> to vector<1000x16xf32>
    %add3A_39 = arith.addf %mul3A_36, %add3A_38 : vector<1000x16xf32>
    %gt3A_40 = arith.constant 0.000000e+00 : f32
    %gt3A_41 = vector.broadcast %gt3A_40 : f32 to vector<1000x16xf32>
    %gt3A_42 = arith.cmpf ogt, %add3A_32, %gt3A_41 : vector<1000x16xf32>
    %exp3A = math.exp %add3A_32 : vector<1000x16xf32>
    %sub3A = arith.constant 1.000000e+00 : f32
    %sub3A_43 = vector.broadcast %sub3A : f32 to vector<1000x16xf32>
    %sub3A_44 = arith.subf %exp3A, %sub3A_43 : vector<1000x16xf32>
    %select_n3A_45 = arith.select %gt3A_42, %add3A_32, %sub3A_44 : vector<1000x16xi1>, vector<1000x16xf32>
    %gt3A_46 = arith.constant 0.000000e+00 : f32
    %gt3A_47 = vector.broadcast %gt3A_46 : f32 to vector<1000x16xf32>
    %gt3A_48 = arith.cmpf ogt, %add3A_39, %gt3A_47 : vector<1000x16xf32>
    %exp3A_49 = math.exp %add3A_39 : vector<1000x16xf32>
    %sub3A_50 = arith.constant 1.000000e+00 : f32
    %sub3A_51 = vector.broadcast %sub3A_50 : f32 to vector<1000x16xf32>
    %sub3A_52 = arith.subf %exp3A_49, %sub3A_51 : vector<1000x16xf32>
    %select_n3A_53 = arith.select %gt3A_48, %add3A_39, %sub3A_52 : vector<1000x16xi1>, vector<1000x16xf32>
    %get3A_54 = arith.constant 0 : index
    %get3A_55 = arith.constant 0 : index
    %get3A_56 = vector.load %arg6[%get3A_54, %get3A_55] : memref<16x16xf32, #tpu.memory_space<vmem>>, vector<16x16xf32>
    %dot_general3A_57 = arith.constant dense<0.000000e+00> : vector<1000x16xf32>
    %dot_general3A_58 = tpu.matmul %select_n3A_45, %get3A_56, %dot_general3A_57 {dimension_numbers = #tpu.dot_dimension_numbers<[1], [1], [0], [0], [0, 0, 1, 0], [], []>, precision = #tpu.contract_precision<fp32>, transpose_lhs_hint = false} : vector<1000x16xf32>, vector<16x16xf32>, vector<1000x16xf32> -> vector<1000x16xf32>
    %get3A_59 = arith.constant 0 : index
    %get3A_60 = arith.constant 0 : index
    %get3A_61 = vector.load %arg7[%get3A_59, %get3A_60] : memref<16x16xf32, #tpu.memory_space<vmem>>, vector<16x16xf32>
    %dot_general3A_62 = arith.constant dense<0.000000e+00> : vector<1000x16xf32>
    %dot_general3A_63 = tpu.matmul %select_n3A_53, %get3A_61, %dot_general3A_62 {dimension_numbers = #tpu.dot_dimension_numbers<[1], [1], [0], [0], [0, 0, 1, 0], [], []>, precision = #tpu.contract_precision<fp32>, transpose_lhs_hint = false} : vector<1000x16xf32>, vector<16x16xf32>, vector<1000x16xf32> -> vector<1000x16xf32>
    %add3A_64 = arith.addf %dot_general3A_58, %dot_general3A_63 : vector<1000x16xf32>
    %swap3A = arith.constant 0 : index
    %swap3A_65 = arith.constant 0 : index
    %swap3A_66 = vector.load %arg10[%swap3A, %swap3A_65] : memref<1000x16xf32, #tpu.memory_space<vmem>>, vector<1000x16xf32>
    tpu.vector_store %arg10[%swap3A, %swap3A_65], %add3A_64 {strides = array<i32>} : memref<1000x16xf32, #tpu.memory_space<vmem>>, vector<1000x16xf32>,
    %get3A_67 = arith.constant 0 : index
    %get3A_68 = arith.constant 0 : index
    %get3A_69 = vector.load %arg9[%get3A_67, %get3A_68] : memref<16x16xf32, #tpu.memory_space<vmem>>, vector<16x16xf32>
    %dot_general3A_70 = arith.constant dense<0.000000e+00> : vector<1000x16xf32>
    %dot_general3A_71 = tpu.matmul %add3A_64, %get3A_69, %dot_general3A_70 {dimension_numbers = #tpu.dot_dimension_numbers<[1], [0], [0], [1], [0, 0, 1, 1], [], []>, precision = #tpu.contract_precision<fp32>, transpose_lhs_hint = false} : vector<1000x16xf32>, vector<16x16xf32>, vector<1000x16xf32> -> vector<1000x16xf32>
    %swap3A_72 = arith.constant 0 : index
    %swap3A_73 = arith.constant 0 : index
    %swap3A_74 = vector.load %arg11[%swap3A_72, %swap3A_73] : memref<1000x16xf32, #tpu.memory_space<vmem>>, vector<1000x16xf32>
    tpu.vector_store %arg11[%swap3A_72, %swap3A_73], %dot_general3A_71 {strides = array<i32>} : memref<1000x16xf32, #tpu.memory_space<vmem>>, vector<1000x16xf32>,
    return
  }
  func.func @transform_0(%arg0: i32) -> (i32, i32) {
    %c0_i32 = arith.constant 0 : i32
    %c0_i32_0 = arith.constant 0 : i32
    return %arg0, %c0_i32 : i32, i32
  }
  func.func @transform_1(%arg0: i32) -> (i32, i32) {
    %add3A = arith.constant 100 : i32
    %add3A_0 = arith.addi %arg0, %add3A : i32
    %c0_i32 = arith.constant 0 : i32
    %c0_i32_1 = arith.constant 0 : i32
    return %add3A_0, %c0_i32 : i32, i32
  }
  func.func @transform_2(%arg0: i32) -> (i32, i32) {
    %c0_i32 = arith.constant 0 : i32
    %c0_i32_0 = arith.constant 0 : i32
    return %arg0, %c0_i32 : i32, i32
  }
  func.func @transform_3(%arg0: i32) -> (i32, i32) {
    %add3A = arith.constant 100 : i32
    %add3A_0 = arith.addi %arg0, %add3A : i32
    %c0_i32 = arith.constant 0 : i32
    %c0_i32_1 = arith.constant 0 : i32
    return %add3A_0, %c0_i32 : i32, i32
  }
  func.func @transform_4(%arg0: i32) -> (i32, i32) {
    %c0_i32 = arith.constant 0 : i32
    %c0_i32_0 = arith.constant 0 : i32
    %c0_i32_1 = arith.constant 0 : i32
    return %c0_i32, %c0_i32_0 : i32, i32
  }
  func.func @transform_5(%arg0: i32) -> (i32, i32) {
    %c0_i32 = arith.constant 0 : i32
    %c0_i32_0 = arith.constant 0 : i32
    %c0_i32_1 = arith.constant 0 : i32
    return %c0_i32, %c0_i32_0 : i32, i32
  }
  func.func @transform_6(%arg0: i32) -> (i32, i32) {
    %c0_i32 = arith.constant 0 : i32
    %c0_i32_0 = arith.constant 0 : i32
    %c0_i32_1 = arith.constant 0 : i32
    return %c0_i32, %c0_i32_0 : i32, i32
  }
  func.func @transform_7(%arg0: i32) -> (i32, i32) {
    %c0_i32 = arith.constant 0 : i32
    %c0_i32_0 = arith.constant 0 : i32
    %c0_i32_1 = arith.constant 0 : i32
    return %c0_i32, %c0_i32_0 : i32, i32
  }
  func.func @transform_8(%arg0: i32) -> (i32, i32) {
    %c0_i32 = arith.constant 0 : i32
    %c0_i32_0 = arith.constant 0 : i32
    %c0_i32_1 = arith.constant 0 : i32
    return %c0_i32, %c0_i32_0 : i32, i32
  }
  func.func @transform_9(%arg0: i32) -> (i32, i32) {
    %c0_i32 = arith.constant 0 : i32
    %c0_i32_0 = arith.constant 0 : i32
    return %arg0, %c0_i32 : i32, i32
  }
  func.func @transform_10(%arg0: i32) -> (i32, i32) {
    %c0_i32 = arith.constant 0 : i32
    %c0_i32_0 = arith.constant 0 : i32
    return %arg0, %c0_i32 : i32, i32
  }
}

module attributes {stable_mosaic.version = 14 : i64} {
  func.func @_final_body(%arg0: i32, %arg1: memref<1000x16xf32, #tpu.memory_space<vmem>>, %arg2: memref<1000x16xf32, #tpu.memory_space<vmem>>, %arg3: memref<1000x16xf32, #tpu.memory_space<vmem>>, %arg4: memref<1000x16xf32, #tpu.memory_space<vmem>>, %arg5: memref<1x16xf32, #tpu.memory_space<vmem>>, %arg6: memref<1000x16xf32, #tpu.memory_space<vmem>>) attributes {dimension_semantics = [#tpu.dimension_semantics<arbitrary>], iteration_bounds = array<i64: 100>, scalar_prefetch = 0 : i64, scratch_operands = 0 : i64, tpu.core_type = #tpu.core_type<tc>, window_params = [{transform_indices = @transform_0, window_bounds = array<i64: 1000, 16>}, {transform_indices = @transform_1, window_bounds = array<i64: 1000, 16>}, {transform_indices = @transform_2, window_bounds = array<i64: 1000, 16>}, {transform_indices = @transform_3, window_bounds = array<i64: 1000, 16>}, {pipeline_mode = #tpu.pipeline_mode<synchronous>, transform_indices = @transform_4, window_bounds = array<i64: 1, 16>}, {transform_indices = @transform_5, window_bounds = array<i64: 1000, 16>}]} {
    %get3A = arith.constant 0 : index
    %get3A_0 = arith.constant 0 : index
    %get3A_1 = vector.load %arg1[%get3A, %get3A_0] : memref<1000x16xf32, #tpu.memory_space<vmem>>, vector<1000x16xf32>
    %get3A_2 = arith.constant 0 : index
    %get3A_3 = arith.constant 0 : index
    %get3A_4 = vector.load %arg2[%get3A_2, %get3A_3] : memref<1000x16xf32, #tpu.memory_space<vmem>>, vector<1000x16xf32>
    %add3A = arith.addf %get3A_1, %get3A_4 : vector<1000x16xf32>
    %get3A_5 = arith.constant 0 : index
    %get3A_6 = arith.constant 0 : index
    %get3A_7 = vector.load %arg3[%get3A_5, %get3A_6] : memref<1000x16xf32, #tpu.memory_space<vmem>>, vector<1000x16xf32>
    %slice3A = vector.extract_strided_slice %get3A_7 {offsets = [0, 0], sizes = [1000, 1], strides = [1, 1]} : vector<1000x16xf32> to vector<1000x1xf32>
    %get3A_8 = arith.constant 0 : index
    %get3A_9 = arith.constant 0 : index
    %get3A_10 = vector.load %arg4[%get3A_8, %get3A_9] : memref<1000x16xf32, #tpu.memory_space<vmem>>, vector<1000x16xf32>
    %slice3A_11 = vector.extract_strided_slice %get3A_10 {offsets = [0, 0], sizes = [1000, 1], strides = [1, 1]} : vector<1000x16xf32> to vector<1000x1xf32>
    %add3A_12 = arith.addf %slice3A, %slice3A_11 : vector<1000x1xf32>
    %gt3A = arith.constant 0.000000e+00 : f32
    %gt3A_13 = vector.broadcast %gt3A : f32 to vector<1000x1xf32>
    %gt3A_14 = arith.cmpf ogt, %add3A_12, %gt3A_13 : vector<1000x1xf32>
    %div3A = arith.constant 1.000000e+00 : f32
    %div3A_15 = vector.broadcast %div3A : f32 to vector<1000x1xf32>
    %div3A_16 = arith.divf %div3A_15, %add3A_12 : vector<1000x1xf32>
    %jit3A = arith.constant 0.000000e+00 : f32
    %broadcast_in_dim3A = vector.broadcast %jit3A : f32 to vector<1000x1xf32>
    %select_n3A = arith.select %gt3A_14, %div3A_16, %broadcast_in_dim3A : vector<1000x1xi1>, vector<1000x1xf32>
    %mul3A = vector.broadcast %select_n3A : vector<1000x1xf32> to vector<1000x16xf32>
    %mul3A_17 = arith.mulf %add3A, %mul3A : vector<1000x16xf32>
    %get3A_18 = arith.constant 0 : index
    %get3A_19 = arith.constant 0 : index
    %get3A_20 = vector.load %arg5[%get3A_18, %get3A_19] : memref<1x16xf32, #tpu.memory_space<vmem>>, vector<1x16xf32>
    %add3A_21 = vector.broadcast %get3A_20 : vector<1x16xf32> to vector<1000x16xf32>
    %add3A_22 = arith.addf %mul3A_17, %add3A_21 : vector<1000x16xf32>
    %swap3A = arith.constant 0 : index
    %swap3A_23 = arith.constant 0 : index
    %swap3A_24 = vector.load %arg6[%swap3A, %swap3A_23] : memref<1000x16xf32, #tpu.memory_space<vmem>>, vector<1000x16xf32>
    tpu.vector_store %arg6[%swap3A, %swap3A_23], %add3A_22 {strides = array<i32>} : memref<1000x16xf32, #tpu.memory_space<vmem>>, vector<1000x16xf32>,
    return
  }
  func.func @transform_0(%arg0: i32) -> (i32, i32) {
    %c0_i32 = arith.constant 0 : i32
    %c0_i32_0 = arith.constant 0 : i32
    return %arg0, %c0_i32 : i32, i32
  }
  func.func @transform_1(%arg0: i32) -> (i32, i32) {
    %add3A = arith.constant 100 : i32
    %add3A_0 = arith.addi %arg0, %add3A : i32
    %c0_i32 = arith.constant 0 : i32
    %c0_i32_1 = arith.constant 0 : i32
    return %add3A_0, %c0_i32 : i32, i32
  }
  func.func @transform_2(%arg0: i32) -> (i32, i32) {
    %c0_i32 = arith.constant 0 : i32
    %c0_i32_0 = arith.constant 0 : i32
    return %arg0, %c0_i32 : i32, i32
  }
  func.func @transform_3(%arg0: i32) -> (i32, i32) {
    %add3A = arith.constant 100 : i32
    %add3A_0 = arith.addi %arg0, %add3A : i32
    %c0_i32 = arith.constant 0 : i32
    %c0_i32_1 = arith.constant 0 : i32
    return %add3A_0, %c0_i32 : i32, i32
  }
  func.func @transform_4(%arg0: i32) -> (i32, i32) {
    %c0_i32 = arith.constant 0 : i32
    %c0_i32_0 = arith.constant 0 : i32
    %c0_i32_1 = arith.constant 0 : i32
    return %c0_i32, %c0_i32_0 : i32, i32
  }
  func.func @transform_5(%arg0: i32) -> (i32, i32) {
    %c0_i32 = arith.constant 0 : i32
    %c0_i32_0 = arith.constant 0 : i32
    return %arg0, %c0_i32 : i32, i32
  }
}

</mosaic_0001>

<sc_bundles>
// kernel: kernel.10.cloned.1.call-start
scs
__scs_entry_jumppad:
0x0: {  	(pc) =	sbr.rel $0x88, $3  }
0x1: {  	(tag) =	ssettag $0x0;
	lr =	simm.s32 $0x1  }
0x2: {  	[smem:$0x3F97] =	sst lr;
	_ =	strace $0xD0000000  }
0x3: {  	_ = 	snop  }
0x4: {  	_ = 	snop  }
0x5: {  	_ = 	snop  }
0x6: {  	_ = 	snop  }
0x7: {  	_ = 	snop  }
__scs_overlays_trampoline_lowered:
0x8: {  	[smem:$0x3FA6] =	sst s0  }
0x9: {  	[smem:$0x3FA7] =	sst s1  }
0xa: {  	[smem:$0x3FA8] =	sst s2  }
0xb: {  	[smem:$0x3FA9] =	sst s3  }
0xc: {  	[smem:$0x3FAA] =	sst s4  }
0xd: {  	[smem:$0x3FAB] =	sst s5  }
0xe: {  	[smem:$0x3FAC] =	sst s6  }
0xf: {  	[smem:$0x3FAD] =	sst s7  }
0x10: {  	[smem:$0x3FAE] =	sst s8  }
0x11: {  	[smem:$0x3FAF] =	sst s9;
	s0 =	simm.s32 @!p0 $0x0  }
0x12: {  	s1 =	sld [smem:$0x3F95];
	s0 =	simm.s32 @p0 $0x1  }
0x13: {  	[smem:$0x3FB0] =	sst s0;
	s0 =	simm.s32 @!p1 $0x0  }
0x14: {  	s2 =	sld [smem:$0x3F94];
	s0 =	simm.s32 @p1 $0x1  }
0x15: {  	[smem:$0x3FB1] =	sst s0;
	s0 =	simm.s32 @!p2 $0x0  }
0x16: {  	s3 =	sld [smem:$0x3FDB];
	s0 =	simm.s32 @p2 $0x1  }
0x17: {  	s4 =	simm.s32 $0x1BF5;
	[smem:$0x3FB3] =	sst s0  }
0x18: {  	s0 =	sld [smem:$0x3F96];
	_ =	swait.ge [sflag:s4], $0x0  }
0x19: {  	s7 =	sld [smem:$0x3F97]  }
0x1a: {  	s8 =	sadd.s32 $0xFFFFE003, lr  }
0x1b: {  	s9 =	sadd.s32 $0xFFFFFEF7, lr;
	s5 =	simm.s32 $0xFFFFFFFF;
	p2 =	slt.u32 s8, $0xFFFFF086  }
0x1c: {  	p1 =	slt.u32 s9, $0xF7A;
	s5 =	simm.s32 @!p2 $0x0  }
0x1d: {  	s5 =	simm.s32 @p1 $0x1;
	p0 =	seq.s32 s7, s2  }
0x1e: {  	s7 =	smul.u32 @!p0 $0xF7A, s2;
	p2 =	seq.s32 @!p0 s5, $0x0  }
0x1f: {  	s9 =	smul.u32 $0xF7A, s1;
	s8 =	simm.s32 @!p0 $0x1BF5;
	p2 =	por !p2, p0  }
0x20: {  	[sflag:s8] =	ssyncset.s32 @!p0 $0xFFFFF086;
	s6 =	sadd.s32 @!p0 s3, s7;
	s7 =	simm.s32 @!p0 $0x108  }
0x21: {  	s3 =	sadd.s32 s3, s9;
	s6 =	sadd.s32 @!p0 $0x88, s6;
	s7 =	simm.s32 @p2 $0x1082  }
0x22: {  	[simem:s7], [sflag:s8] =	dma.local @!p0 [hbm:s6], $0xF7A  }
0x23: {  	s9 =	sor.u32 $0xD0000000, s2;
	s6 =	simm.s32 $0x108;
	_ =	swait.ge @!p0 [sflag:s8], $0x0  }
0x24: {  	s3 =	sadd.s32 $0x88, s3;
	s6 =	simm.s32 @!p1 $0x1082;
	[sflag:s4] =	ssyncset.s32 $0xFFFFF086  }
0x25: {  	[simem:s6], [sflag:s4] =	dma.local [hbm:s3], $0xF7A  }
0x26: {  	[smem:$0x3F97] =	sst s1;
	(tag) =	ssettag s2;
	_ =	strace s9  }
0x27: {  	s1 =	sld [smem:$0x3FA7]  }
0x28: {  	s2 =	sld [smem:$0x3FA8]  }
0x29: {  	s4 =	sld [smem:$0x3FAA]  }
0x2a: {  	p0 =	seq.s32 s5, $0x0;
	s5 =	sld [smem:$0x3FAB]  }
0x2b: {  	s6 =	sld [smem:$0x3FAC]  }
0x2c: {  	s7 =	sld [smem:$0x3FAD]  }
0x2d: {  	s3 =	simm.s32 $0x108;
	s8 =	sld [smem:$0x3FAE]  }
0x2e: {  	s3 =	simm.s32 @!p0 $0x1082;
	s9 =	sld [smem:$0x3FAF]  }
0x2f: {  	lr =	sadd.s32 s0, s3;
	s0 =	sld [smem:$0x3FA6]  }
0x30: {  	s3 =	sld [smem:$0x3FA9]  }
0x31: {  	[smem:$0x3FB2] =	sst s10  }
0x32: {  	s10 =	sld [smem:$0x3FB0];
	_ =	sdelay $0x3  }
0x33: {  	p0 =	seq.s32 s10, $0x1;
	s10 =	sld [smem:$0x3FB2];
	_ =	sdelay $0x3  }
0x34: {  	[smem:$0x3FB2] =	sst s10  }
0x35: {  	s10 =	sld [smem:$0x3FB1];
	_ =	sdelay $0x3  }
0x36: {  	p1 =	seq.s32 s10, $0x1;
	s10 =	sld [smem:$0x3FB2];
	_ =	sdelay $0x3  }
0x37: {  	[smem:$0x3FB2] =	sst s10  }
0x38: {  	s10 =	sld [smem:$0x3FB3]  }
0x39: {  	_ = 	snop;
	(pc) =	sbr.ind lr, $3  }
0x3a: {  	_ = 	snop  }
0x3b: {  	_ = 	snop  }
0x3c: {  	p2 =	seq.s32 s10, $0x1;
	s10 =	sld [smem:$0x3FB2]  }
0x3d: {  	_ =	shalt  }
0x3e: {  	_ =	shalt  }
0x3f: {  	_ =	shalt  }
0x40: {  	_ =	shalt  }
0x41: {  	_ =	shalt  }
0x42: {  	_ =	shalt  }
0x43: {  	_ =	shalt  }
0x44: {  	_ =	shalt  }
0x45: {  	_ =	shalt  }
0x46: {  	_ =	shalt  }
0x47: {  	_ =	shalt  }
0x48: {  	_ =	shalt  }
0x49: {  	_ =	shalt  }
0x4a: {  	_ =	shalt  }
0x4b: {  	_ =	shalt  }
0x4c: {  	_ =	shalt  }
0x4d: {  	_ =	shalt  }
0x4e: {  	_ =	shalt  }
0x4f: {  	_ =	shalt  }
0x50: {  	_ =	shalt  }
0x51: {  	_ =	shalt  }
0x52: {  	_ =	shalt  }
0x53: {  	_ =	shalt  }
0x54: {  	_ =	shalt  }
0x55: {  	_ =	shalt  }
0x56: {  	_ =	shalt  }
0x57: {  	_ =	shalt  }
0x58: {  	_ =	shalt  }
0x59: {  	_ =	shalt  }
0x5a: {  	_ =	shalt  }
0x5b: {  	_ =	shalt  }
0x5c: {  	_ =	shalt  }
0x5d: {  	_ =	shalt  }
0x5e: {  	_ =	shalt  }
0x5f: {  	_ =	shalt  }
0x60: {  	_ =	shalt  }
0x61: {  	_ =	shalt  }
0x62: {  	_ =	shalt  }
0x63: {  	_ =	shalt  }
0x64: {  	_ =	shalt  }
0x65: {  	_ =	shalt  }
0x66: {  	_ =	shalt  }
0x67: {  	_ =	shalt  }
0x68: {  	_ =	shalt  }
0x69: {  	_ =	shalt  }
0x6a: {  	_ =	shalt  }
0x6b: {  	_ =	shalt  }
0x6c: {  	_ =	shalt  }
0x6d: {  	_ =	shalt  }
0x6e: {  	_ =	shalt  }
0x6f: {  	_ =	shalt  }
0x70: {  	_ =	shalt  }
0x71: {  	_ =	shalt  }
0x72: {  	_ =	shalt  }
0x73: {  	_ =	shalt  }
0x74: {  	_ =	shalt  }
0x75: {  	_ =	shalt  }
0x76: {  	_ =	shalt  }
0x77: {  	_ =	shalt  }
0x78: {  	_ =	shalt  }
0x79: {  	_ =	shalt  }
0x7a: {  	_ =	shalt  }
0x7b: {  	_ =	shalt  }
0x7c: {  	_ =	shalt  }
0x7d: {  	_ =	shalt  }
0x7e: {  	_ =	shalt  }
0x7f: {  	_ =	shalt  }
0x80: {  	_ =	shalt  }
0x81: {  	_ =	shalt  }
0x82: {  	_ =	shalt  }
0x83: {  	_ =	shalt  }
0x84: {  	_ =	shalt  }
0x85: {  	_ =	shalt  }
0x86: {  	_ =	shalt  }
0x87: {  	_ =	shalt  }
.Lfunc_end0:
.L_simem_size_0:
called_computation.1_lowered:
.L_overlay_start_0:
0x88: {  	s2 =	sld [smem:$0x3FD9]  }
0x89: {  	s3 =	sld [smem:$0x3FFE];
	_ =	sdelay $0x1  }
0x8a: {  	s1 =	srdreg.scid  }
0x8b: {  	s0 =	sand.u32 $0x1, s1  }
0x8c: {  	s17 =	sshll.u32 s0, $0xA;
	s2 =	sadd.s32 s3, s2  }
0x8d: {  	s2 =	sadd.s32 s2, s17  }
0x8e: {  	[smem:$0x3FBE] =	sst s2  }
0x8f: {  	_ = 	snop  }
0x90: {  	s2 =	sld [smem:$0x3FD0];
	(tm) =	ssettm $0x1  }
0x91: {  	s18 =	sld [smem:$0x3FFB];
	_ =	sdelay $0x3  }
0x92: {  	_ =	strace s18  }
0x93: {  	s3 =	sld [smem:$0x3FFC];
	_ =	sdelay $0x3  }
0x94: {  	_ =	strace s3  }
0x95: {  	s3 =	sld [smem:$0x3FFD];
	_ =	sdelay $0x3  }
0x96: {  	_ =	strace s3  }
0x97: {  	_ =	strace $0x8FFFFFFF  }
0x98: {  	s19 =	sld [smem:$0x3FDB];
	_ =	sdelay $0x1  }
0x99: {  	s4 =	simm.s32 $_scs_section_size  }
0x9a: {  	s5 =	simm.s32 $_size__tile_overlayer_lowered;
	s6 =	simm.s32 $_tile_overlayer_lowered  }
0x9b: {  	s22 =	simm.s32 $0x1BFF;
	s21 =	sshll.u32 s6, $0x1;
	s3 =	sadd.s32 s4, s19  }
0x9c: {  	s7 =	simm.s32 $0x0;
	s20 =	sshll.u32 s5, $0x1;
	s5 =	sadd.s32 s21, s3  }
0x9d: {  	[timem:s7], [sflag:s22] =	dma.local [hbm:s5], s20  }
0x9e: {  	_ =	swait.ge [sflag:s22], s20  }
0x9f: {  	s4 =	ssub.s32 $0x0, s20;
	[sflag:s22] =	ssyncset.done $0x0  }
0xa0: {  	[sflag:s22] =	ssyncadd.s32 s4;
	_ =	sdelay $0x1  }
0xa1: {  	s23 =	simm.s32 $0x1B8B  }
0xa2: {  	_ =	swait.ge [sflag:s23], $0x1  }
0xa3: {  	[sflag:s23] =	ssyncset.done $0x0  }
0xa4: {  	s25 =	simm.s32 $0x1B8E;
	s24 =	sld [smem:$0x3FFE];
	[sflag:s23] =	ssyncadd.s32 $0xFFFFFFFF  }
0xa5: {  	s26 =	simm.s32 $execute0_lowered;
	[smem:$0x3FD2] =	sst s25  }
0xa6: {  	s5 =	sshll.u32 s26, $0x1;
	_ =	strace $0x80000049;
	[dreg:$0x1] =	wrdreg $0xFFFFFFFF  }
0xa7: {  	s28 =	simm.s32 $_size_execute0_lowered;
	s3 =	sadd.s32 s3, s5;
	[dreg:$0x0] =	wrdreg $0x0  }
0xa8: {  	s5 =	sshll.u32 s28, $0x1;
	[dreg:$0x2] =	wrdreg s3  }
0xa9: {  	[dreg:$0x3] =	wrdreg s5  }
0xaa: {  	[dreg:$0x4] =	wrdreg $0xC0  }
0xab: {  	_ =	task [dreg:s7], $0x5FFFF  }
0xac: {  	[dreg:$0x1] =	wrdreg $0xFFFFFFFF  }
0xad: {  	[dreg:$0x0] =	wrdreg $0x60  }
0xae: {  	[dreg:$0x2] =	wrdreg s24  }
0xaf: {  	[dreg:$0x3] =	wrdreg s2  }
0xb0: {  	[dreg:$0x4] =	wrdreg $0x0  }
0xb1: {  	[dreg:$0x5] =	wrdreg $0x9  }
0xb2: {  	_ =	task.clear_ibuf [dreg:s7], $0x6FFFF;
	_ =	strace $0x90000049  }
0xb3: {  	s29 =	simm.s32 $0x9;
	_ =	strace $0x8000004B  }
0xb4: {  	_ =	swait.ge [sflag:s29], $0x1  }
0xb5: {  	[sflag:s29] =	ssyncadd.s32 $0xFFFFFFFF  }
0xb6: {  	_ =	strace $0x9000004B  }
0xb7: {  	_ =	sfence  }
0xb8: {  	s30 =	sld [smem:$0x0];
	_ =	sdelay $0x2  }
0xb9: {  	s31 =	sshll.u32 s1, $0xD;
	s1 =	sshrl.u32 s1, $0x2  }
0xba: {  	s3 =	sand.u32 $0x4000, s31;
	s1 =	sadd.s32 s1, s30  }
0xbb: {  	s0 =	sor.u32 s3, s0;
	s1 =	sshll.u32 s1, $0x11  }
0xbc: {  	s0 =	sor.u32 s1, s0  }
0xbd: {  	s0 =	sadd.s32 $0x8F2B, s0  }
0xbe: {  	[sflag:s0] =	ssyncadd.remote.s32 $0x1  }
0xbf: {  	_ =	sfence.sel $0xFFFF  }
0xc0: {  	[dreg:$0x0] =	wrdreg $0xFFFFFFFF;
	(pc) =	sbr.abs _section_cstart, $3  }
0xc1: {  	[dreg:$0x1] =	wrdreg $0xFFFFFFFF  }
0xc2: {  	_ =	task.clear_ibuf [dreg:s7], $0x2FFFF;
	_ =	strace $0x9FFFFFFF  }
0xc3: {  	(tm) =	ssettm $0x7FFFFFFF  }
tec
execute0_lowered:
.L_overlay_start_1:
0x0: {  	(tag) =	ssettag $0x1  }
0x1: {  	s8 =	rddreg [dreg:$0x0]  }
0x2: {  	s1 =	rddreg [dreg:$0x1]  }
0x3: {  	s2 =	rddreg [dreg:$0x2]  }
0x4: {  	s0 =	rddreg [dreg:$0x3];
	s3 =	simm.s32 $0x0;
	s4 =	srdreg.scid  }
0x5: {  	s15 =	simm.s32 $0x1;
	s16 =	simm.s32 $0x80;
	s17 =	simm.s32 $0x187A0  }
0x6: {  	s18 =	simm.s32 $0x18FA0;
	s19 =	simm.s32 $0x19FA0;
	s20 =	simm.s32 $0x2  }
0x7: {  	s21 =	simm.s32 $0x197A0;
	[smem:$0x7FF] =	sst s3;
	s9 =	sand.u32 $0x1, s4  }
0x8: {  	s5 =	sadd.s32 $0x2200, s8;
	s4 =	stileid.u32;
	s6 =	sadd.s32 $0x33000, s8  }
0x9: {  	s7 =	sadd.s32 $0x63E00, s8;
	s10 =	smul.u32 $0x30D40, s9;
	s11 =	ssub.s32 $0x2, s9  }
0xa: {  	_ =	strace $0x8000004A;
	s12 =	smul.u32 $0x3200, s4;
	s13 =	sshrl.u32 s11, $0x1  }
0xb: {  	s14 =	smul.u32 $0x190, s4;
	s10 =	sadd.s32 s10, s8;
	s11 =	ssub.s32 s11, s13  }
0xc: {  	v1 =	vlaneseq.u32;
	s8 =	smul.u32 $0x186A, s9;
	s30 =	sshrl.u32 s12, $0x2;
	s13 =	simm.s32 $0x186A0  }
0xd: {  	v1 =	vmul.u32 $0x10, v1;
	s9 =	smax.u32 s11, $0x1;
	s31 =	sadd.s32 s14, s10;
	s10 =	sadd.s32 s30, s2  }
0xe: {  	v0 =	vimm.f32 $0.0e+00;
	s14 =	simm.s32 $0x18720;
	s11 =	sadd.s32 $0x94C00, s31;
	s12 =	sadd.s32 $0xF6800, s31  }
.LBB2_1:
0xf: {  	s22 =	simm.s32 $0x40;
	s23 =	simm.s32 $0x0  }
.LBB2_2:
0x10: {  	p0 =	sne.s32 s22, $0x31C0;
	[tilespmem:s23+$0x1A7A0] =	vst v0;
	s23 =	smov.u32 s22;
	s22 =	sadd.s32 $0x40, s22  }
.Ltmp0:
0x11: {  	(pc) =	sbr.rel @p0 .LBB2_2-.Ltmp0, $2  }
0x12: {  	_ =	sdelay $0x2  }
0x13: {  	s23 =	sshra.s32 s23, $0x2  }
0x14: {  	[tilespmem:s23+$0x1A7A0] =	vst v0;
	s22 =	simm.s32 $0x40;
	s23 =	simm.s32 $0x0  }
.LBB2_4:
0x15: {  	p0 =	sne.s32 s22, $0x1FC0;
	[tilespmem:s23+$0x19FA0] =	vst v0;
	s23 =	smov.u32 s22;
	s22 =	sadd.s32 $0x40, s22  }
.Ltmp1:
0x16: {  	(pc) =	sbr.rel @p0 .LBB2_4-.Ltmp1, $2  }
0x17: {  	_ =	sdelay $0x2  }
0x18: {  	s23 =	sshra.s32 s23, $0x2  }
0x19: {  	s22 =	sadd.s32 $0x0, s4  }
0x1a: {  	p0 =	sgt.u32 s22, $0x1F3  }
0x1b: {  	[tilespmem:s23+$0x19FA0] =	vst v0;
	s22 =	simm.s32 @!p0 $0x1A7A0;
	s25 =	simm.s32 @!p0 $0x2  }
0x1c: {  	[spmem:s10] =	stream.linear.scatter @!p0 [tilespmem:s22], [sflag:$0x2], $0xC80, $0x38;
	[tilespmem:$0x1B420] =	vst v63  }
0x1d: {  	s23 =	simm.s32 $0x10;
	_ =	swait.ge @!p0 [sflag:s25], $0xC80  }
0x1e: {  	s24 =	simm.s32 $0x20;
	s22 =	sadd.s32 $0xC800, s10;
	[sflag:s25] =	ssyncset.done @!p0 $0x0  }
.LBB2_6:
0x1f: {  	s26 =	sadd.s32 s23, s4;
	s23 =	smov.u32 s24;
	s24 =	sadd.s32 $0x10, s24  }
0x20: {  	[sflag:s25] =	ssyncadd.s32 @!p0 $0xFFFFF380;
	p1 =	sne.s32 s24, $0x200  }
.Ltmp2:
0x21: {  	p0 =	sgt.u32 s26, $0x1F3;
	(pc) =	sbr.rel @p1 .LBB2_6-.Ltmp2, $4  }
0x22: {  	s26 =	simm.s32 @!p0 $0x1A7A0;
	s25 =	simm.s32 @!p0 $0x2  }
0x23: {  	[spmem:s22] =	stream.linear.scatter @!p0 [tilespmem:s26], [sflag:$0x2], $0xC80, $0x38;
	[tilespmem:$0x1B420] =	vst v63  }
0x24: {  	_ =	swait.ge @!p0 [sflag:s25], $0xC80  }
0x25: {  	s22 =	sadd.s32 $0xC800, s22;
	[sflag:s25] =	ssyncset.done @!p0 $0x0  }
0x26: {  	s23 =	sadd.s32 s23, s4  }
0x27: {  	p1 =	sgt.u32 s23, $0x1F3  }
0x28: {  	[sflag:s25] =	ssyncadd.s32 @!p0 $0xFFFFF380;
	s23 =	simm.s32 @!p1 $0x1A7A0;
	s24 =	simm.s32 @!p1 $0x2  }
0x29: {  	[spmem:s22] =	stream.linear.scatter @!p1 [tilespmem:s23], [sflag:$0x2], $0xC80, $0x38;
	[tilespmem:$0x1B420] =	vst v63  }
.Ltmp3:
0x2a: {  	_ =	swait.ge @!p1 [sflag:s24], $0xC80;
	(pc) =	sbr.rel .LBB2_8-.Ltmp3, $4  }
0x2b: {  	[sflag:s24] =	ssyncset.done @!p1 $0x0  }
0x2c: {  	[sflag:s24] =	ssyncadd.s32 @!p1 $0xFFFFF380  }
0x2d: {  	[bflag:$0x0] =	sbarrier.arrive $0xFFFF  }
0x2e: {  	s22 =	simm.s32 $0x0  }
.LBB2_12:
0x2f: {  	s22 =	sadd.s32 $0x1, s22  }
0x30: {  	p0 =	sne.s32 s22, $0x187  }
.Ltmp4:
0x31: {  	_ = 	snop;
	(pc) =	sbr.rel @!p0 .LBB2_13-.Ltmp4, $1  }
0x32: {  	_ =	sdelay $0x3  }
.LBB2_8:
0x33: {  	s23 =	sshll.u32 s22, $0x4  }
0x34: {  	s23 =	sor.u32 s4, s23  }
0x35: {  	p0 =	sgt.u32 s23, $0x1869  }
.Ltmp5:
0x36: {  	_ = 	snop;
	(pc) =	sbr.rel @p0 .LBB2_12-.Ltmp5, $1  }
0x37: {  	_ =	sdelay $0x3  }
0x38: {  	s23 =	sadd.s32 s8, s23  }
0x39: {  	s23 =	sshll.u32 s23, $0x4  }
0x3a: {  	s25 =	simm.s32 $0x0;
	s24 =	sadd.s32 s5, s23  }
0x3b: {  	[tilespmem:s13], [sflag:$0x1] =	stream.linear.gather [hbm4b:s24+s25], $0x80, $0x38;
	[tilespmem:$0x1B420] =	vst v63  }
0x3c: {  	s23 =	sadd.s32 s1, s23  }
0x3d: {  	[tilespmem:s14], [sflag:$0x1] =	stream.linear.gather [hbm4b:s23+s25], $0x80, $0x38;
	[tilespmem:$0x1B420] =	vst v63  }
0x3e: {  	_ =	swait.ge [sflag:s15], $0x80  }
0x3f: {  	[sflag:s15] =	ssyncset.done $0x0  }
0x40: {  	[sflag:s15] =	ssyncadd.s32 $0xFFFFFF80  }
0x41: {  	_ =	swait.ge [sflag:s15], $0x80  }
0x42: {  	[sflag:s15] =	ssyncset.done $0x0  }
0x43: {  	[sflag:s15] =	ssyncadd.s32 $0xFFFFFF80  }
0x44: {  	[tilespmem:s17], [sflag:$0x1] =	stream.indirect.gather [hbm4b:s7+s16], $0x10, s13, s16, $0xb8;
	[tilespmem:$0x1B420] =	vst v63  }
0x45: {  	v2 =	vmov s25  }
0x46: {  	v2 =	vshll.u32 v2, $0x4;
	[tilespmem:s18], [sflag:$0x1] =	stream.indirect.gather [hbm4b:s7+s16], $0x10, s14, s16, $0xb8;
	[tilespmem:$0x1B420] =	vst v63  }
0x47: {  	v2 =	vor.u32 v1, v2;
	_ =	swait.ge [sflag:s15], $0x800  }
0x48: {  	v3 =	vor.u32 $0x1, v2;
	[sflag:s15] =	ssyncset.done $0x0  }
0x49: {  	[sflag:s15] =	ssyncadd.s32 $0xFFFFF800  }
0x4a: {  	_ =	swait.ge [sflag:s15], $0x800  }
0x4b: {  	[sflag:s15] =	ssyncset.done $0x0  }
0x4c: {  	[sflag:s15] =	ssyncadd.s32 $0xFFFFF800  }
0x4d: {  	v3 =	vld.idx.msk [tilespmem:v3+s18+$0x0], $0xffff  }
0x4e: {  	v4 =	vld.idx.msk [tilespmem:v2+s17+$0x0], $0xffff;
	_ =	sdelay $0x4  }
0x4f: {  	v3 =	vadd.f32 v3, v4;
	_ =	sdelay $0x1  }
0x50: {  	v4 =	vmul.f32 $2.000000030e-01, v3;
	_ =	sdelay $0x1  }
0x51: {  	v3 =	vmax.f32 v3, v4  }
0x52: {  	v3 =	vmul.f32 $1.442695020e+00, v3;
	_ =	sdelay $0x1  }
0x53: {  	(erf) = vpow2.f32 v3;
	_ =	sdelay $0x1  }
0x54: {  	s31 =	simm.s32 $0x10  }
0x55: {  	v4 =	vmov s31  }
0x56: {  	s23 =	simm.s32 $0x20;
	v3 =	vshll.u32 v4, $0x4  }
.LBB2_10:
0x57: {  	p0 =	sne.s32 s23, $0x70;
	v3 =	vor.u32 v1, v3  }
0x58: {  	v4 =	vor.u32 $0x1, v3;
	_ =	sdelay $0x2  }
0x59: {  	v5 =	vpop (erf)  }
0x5a: {  	[tilespmem:v2+s19+$0x0] =	vst.idx.msk $0xffff, v5;
	v2 =	vmov v3  }
0x5b: {  	v4 =	vld.idx.msk [tilespmem:v4+s18+$0x0], $0xffff  }
0x5c: {  	v3 =	vld.idx.msk [tilespmem:v3+s17+$0x0], $0xffff;
	_ =	sdelay $0x5  }
0x5d: {  	v3 =	vadd.f32 v4, v3;
	_ =	sdelay $0x1  }
0x5e: {  	v4 =	vmul.f32 $2.000000030e-01, v3;
	_ =	sdelay $0x1  }
0x5f: {  	v3 =	vmax.f32 v3, v4  }
0x60: {  	v3 =	vmul.f32 $1.442695020e+00, v3;
	_ =	sdelay $0x1  }
.Ltmp6:
0x61: {  	(erf) = vpow2.f32 v3;
	(pc) =	sbr.rel @p0 .LBB2_10-.Ltmp6, $3  }
0x62: {  	_ =	sdelay $0x1  }
0x63: {  	v3 =	vmov s23  }
0x64: {  	s23 =	sadd.s32 $0x10, s23;
	v3 =	vshll.u32 v3, $0x4  }
0x65: {  	v3 =	vor.u32 v1, v3  }
0x66: {  	v4 =	vor.u32 $0x1, v3;
	_ =	sdelay $0x2  }
0x67: {  	v5 =	vpop (erf)  }
0x68: {  	[tilespmem:v2+s19+$0x0] =	vst.idx.msk $0xffff, v5  }
0x69: {  	v2 =	vld.idx.msk [tilespmem:v4+s18+$0x0], $0xffff  }
0x6a: {  	v63 =	vld.idx.msk [tilespmem:v3+s17+$0x0], $0xffff;
	_ =	sdelay $0x4  }
0x6b: {  	v2 =	vadd.f32 v2, v63;
	_ =	sdelay $0x1  }
0x6c: {  	v4 =	vmul.f32 $2.000000030e-01, v2;
	_ =	sdelay $0x1  }
0x6d: {  	v2 =	vmax.f32 v2, v4  }
0x6e: {  	v2 =	vmul.f32 $1.442695020e+00, v2;
	_ =	sdelay $0x1  }
0x6f: {  	(erf) = vpow2.f32 v2;
	_ =	sdelay $0x8  }
0x70: {  	v2 =	vpop (erf)  }
.Ltmp7:
0x71: {  	[tilespmem:v3+s19+$0x0] =	vst.idx.msk $0xffff, v2;
	(pc) =	sbr.rel .LBB2_12-.Ltmp7, $4  }
0x72: {  	[spmem:s2] =	stream.indirect.scatter.add.f32 [tilespmem:s19], [sflag:$0x2], $0x10, s14, s16, $0xb8;
	[tilespmem:$0x1B420] =	vst v63  }
0x73: {  	_ =	swait.ge [sflag:s20], $0x800  }
0x74: {  	[sflag:s20] =	ssyncset.done $0x0  }
0x75: {  	[sflag:s20] =	ssyncadd.s32 $0xFFFFF800  }
.LBB2_13:
0x76: {  	s22 =	sadd.s32 $0x0, s4  }
0x77: {  	[bflag:$0x0] =	sbarrier.arrive $0xFFFF;
	p0 =	sgt.u32 s22, $0x1F3  }
0x78: {  	s22 =	simm.s32 @!p0 $0x1A7A0;
	s24 =	simm.s32 @!p0 $0x3;
	p0 =	por p0, p0  }
0x79: {  	[tilespmem:s22], [sflag:$0x3] =	stream.linear.gather @!p0 [spmem:s10], $0xC80, $0x38;
	[tilespmem:$0x1B420] =	vst v63  }
0x7a: {  	_ =	swait.ge @!p0 [sflag:s24], $0xC80  }
0x7b: {  	s31 =	sadd.s32 $0x10, s4;
	[sflag:s24] =	ssyncset.done @!p0 $0x0  }
0x7c: {  	s25 =	simm.s32 @!p0 $0x2;
	[sflag:s24] =	ssyncadd.s32 @!p0 $0xFFFFF380;
	s24 =	simm.s32 @!p0 $0x0  }
0x7d: {  	[hbm4b:s11+s24] =	stream.linear.scatter @!p0 [tilespmem:s22], [sflag:$0x2], $0xC80, $0x38;
	[tilespmem:$0x1B420] =	vst v63  }
0x7e: {  	s23 =	simm.s32 $0x20;
	p1 =	sgt.u32 s31, $0x1F3;
	_ =	swait.ge @!p0 [sflag:s25], $0xC80  }
0x7f: {  	s22 =	sadd.s32 $0x1900, s11;
	s24 =	sadd.s32 $0xC800, s10;
	[sflag:s25] =	ssyncset.done @!p0 $0x0  }
.LBB2_14:
0x80: {  	s26 =	simm.s32 @!p1 $0x1A7A0;
	s28 =	simm.s32 @!p1 $0x3;
	[sflag:s25] =	ssyncadd.s32 @!p0 $0xFFFFF380  }
0x81: {  	s29 =	smov.u32 s23;
	p0 =	por p1, p1;
	s23 =	sadd.s32 $0x10, s23  }
0x82: {  	[tilespmem:s26], [sflag:$0x3] =	stream.linear.gather @!p0 [spmem:s24], $0xC80, $0x38;
	[tilespmem:$0x1B420] =	vst v63  }
0x83: {  	p2 =	sne.s32 s23, $0x200;
	_ =	swait.ge @!p0 [sflag:s28], $0xC80  }
.Ltmp8:
0x84: {  	[sflag:s28] =	ssyncset.done @!p0 $0x0;
	(pc) =	sbr.rel @p2 .LBB2_14-.Ltmp8, $4  }
0x85: {  	s25 =	simm.s32 @!p0 $0x2;
	[sflag:s28] =	ssyncadd.s32 @!p0 $0xFFFFF380;
	s28 =	simm.s32 @!p0 $0x0  }
0x86: {  	[hbm4b:s22+s28] =	stream.linear.scatter @!p0 [tilespmem:s26], [sflag:$0x2], $0xC80, $0x38;
	[tilespmem:$0x1B420] =	vst v63  }
0x87: {  	s26 =	sadd.s32 s29, s4;
	s22 =	sadd.s32 $0x1900, s22;
	_ =	swait.ge @!p0 [sflag:s25], $0xC80  }
0x88: {  	s24 =	sadd.s32 $0xC800, s24;
	p1 =	sgt.u32 s26, $0x1F3;
	[sflag:s25] =	ssyncset.done @!p0 $0x0  }
0x89: {  	s23 =	simm.s32 @!p1 $0x1A7A0  }
0x8a: {  	s26 =	simm.s32 @!p1 $0x3;
	[sflag:s25] =	ssyncadd.s32 @!p0 $0xFFFFF380;
	p0 =	por p1, p1  }
0x8b: {  	[tilespmem:s23], [sflag:$0x3] =	stream.linear.gather @!p0 [spmem:s24], $0xC80, $0x38;
	[tilespmem:$0x1B420] =	vst v63  }
0x8c: {  	_ =	swait.ge @!p0 [sflag:s26], $0xC80  }
0x8d: {  	[sflag:s26] =	ssyncset.done @!p0 $0x0  }
0x8e: {  	s24 =	simm.s32 @!p0 $0x0;
	s25 =	simm.s32 @!p0 $0x2;
	[sflag:s26] =	ssyncadd.s32 @!p0 $0xFFFFF380  }
0x8f: {  	[hbm4b:s22+s24] =	stream.linear.scatter @!p0 [tilespmem:s23], [sflag:$0x2], $0xC80, $0x38;
	[tilespmem:$0x1B420] =	vst v63  }
0x90: {  	_ =	swait.ge @!p0 [sflag:s25], $0xC80  }
0x91: {  	[sflag:s25] =	ssyncset.done @!p0 $0x0  }
0x92: {  	s22 =	simm.s32 $0x40;
	s23 =	simm.s32 $0x0;
	[sflag:s25] =	ssyncadd.s32 @!p0 $0xFFFFF380  }
.LBB2_16:
0x93: {  	p0 =	sne.s32 s22, $0x31C0;
	[tilespmem:s23+$0x1A7A0] =	vst v0;
	s23 =	smov.u32 s22;
	s22 =	sadd.s32 $0x40, s22  }
.Ltmp9:
0x94: {  	(pc) =	sbr.rel @p0 .LBB2_16-.Ltmp9, $2  }
0x95: {  	_ =	sdelay $0x2  }
0x96: {  	s23 =	sshra.s32 s23, $0x2  }
0x97: {  	s22 =	sadd.s32 $0x0, s4  }
0x98: {  	[tilespmem:s23+$0x1A7A0] =	vst v0;
	p0 =	sgt.u32 s22, $0x1F3  }
0x99: {  	[bflag:$0x0] =	sbarrier.arrive $0xFFFF;
	s22 =	simm.s32 @!p0 $0x1A7A0;
	s25 =	simm.s32 @!p0 $0x2  }
0x9a: {  	[spmem:s10] =	stream.linear.scatter @!p0 [tilespmem:s22], [sflag:$0x2], $0xC80, $0x38;
	[tilespmem:$0x1B420] =	vst v63  }
0x9b: {  	s23 =	simm.s32 $0x10;
	_ =	swait.ge @!p0 [sflag:s25], $0xC80  }
0x9c: {  	s24 =	simm.s32 $0x20;
	s22 =	sadd.s32 $0xC800, s10;
	[sflag:s25] =	ssyncset.done @!p0 $0x0  }
.LBB2_18:
0x9d: {  	s26 =	sadd.s32 s23, s4;
	s23 =	smov.u32 s24;
	s24 =	sadd.s32 $0x10, s24  }
0x9e: {  	[sflag:s25] =	ssyncadd.s32 @!p0 $0xFFFFF380;
	p1 =	sne.s32 s24, $0x200  }
.Ltmp10:
0x9f: {  	p0 =	sgt.u32 s26, $0x1F3;
	(pc) =	sbr.rel @p1 .LBB2_18-.Ltmp10, $4  }
0xa0: {  	s26 =	simm.s32 @!p0 $0x1A7A0;
	s25 =	simm.s32 @!p0 $0x2  }
0xa1: {  	[spmem:s22] =	stream.linear.scatter @!p0 [tilespmem:s26], [sflag:$0x2], $0xC80, $0x38;
	[tilespmem:$0x1B420] =	vst v63  }
0xa2: {  	_ =	swait.ge @!p0 [sflag:s25], $0xC80  }
0xa3: {  	s22 =	sadd.s32 $0xC800, s22;
	[sflag:s25] =	ssyncset.done @!p0 $0x0  }
0xa4: {  	s23 =	sadd.s32 s23, s4  }
0xa5: {  	p1 =	sgt.u32 s23, $0x1F3  }
0xa6: {  	[sflag:s25] =	ssyncadd.s32 @!p0 $0xFFFFF380;
	s23 =	simm.s32 @!p1 $0x1A7A0;
	s24 =	simm.s32 @!p1 $0x2  }
0xa7: {  	[spmem:s22] =	stream.linear.scatter @!p1 [tilespmem:s23], [sflag:$0x2], $0xC80, $0x38;
	[tilespmem:$0x1B420] =	vst v63  }
.Ltmp11:
0xa8: {  	_ =	swait.ge @!p1 [sflag:s24], $0xC80;
	(pc) =	sbr.rel .LBB2_20-.Ltmp11, $4  }
0xa9: {  	[sflag:s24] =	ssyncset.done @!p1 $0x0  }
0xaa: {  	[sflag:s24] =	ssyncadd.s32 @!p1 $0xFFFFF380  }
0xab: {  	[bflag:$0x0] =	sbarrier.arrive $0xFFFF  }
0xac: {  	s22 =	simm.s32 $0x0  }
.LBB2_24:
0xad: {  	s22 =	sadd.s32 $0x1, s22  }
0xae: {  	p0 =	sne.s32 s22, $0x187  }
.Ltmp12:
0xaf: {  	_ = 	snop;
	(pc) =	sbr.rel @!p0 .LBB2_25-.Ltmp12, $1  }
0xb0: {  	_ =	sdelay $0x3  }
.LBB2_20:
0xb1: {  	s23 =	sshll.u32 s22, $0x4  }
0xb2: {  	s23 =	sor.u32 s4, s23  }
0xb3: {  	p0 =	sgt.u32 s23, $0x1869  }
.Ltmp13:
0xb4: {  	_ = 	snop;
	(pc) =	sbr.rel @p0 .LBB2_24-.Ltmp13, $1  }
0xb5: {  	_ =	sdelay $0x3  }
0xb6: {  	s23 =	sadd.s32 s8, s23  }
0xb7: {  	s23 =	sshll.u32 s23, $0x4  }
0xb8: {  	s25 =	simm.s32 $0x0;
	s24 =	sadd.s32 s5, s23  }
0xb9: {  	[tilespmem:s13], [sflag:$0x1] =	stream.linear.gather [hbm4b:s24+s25], $0x80, $0x38;
	[tilespmem:$0x1B420] =	vst v63  }
0xba: {  	s23 =	sadd.s32 s1, s23  }
0xbb: {  	[tilespmem:s14], [sflag:$0x1] =	stream.linear.gather [hbm4b:s23+s25], $0x80, $0x38;
	[tilespmem:$0x1B420] =	vst v63  }
0xbc: {  	_ =	swait.ge [sflag:s15], $0x80  }
0xbd: {  	[sflag:s15] =	ssyncset.done $0x0  }
0xbe: {  	[sflag:s15] =	ssyncadd.s32 $0xFFFFFF80  }
0xbf: {  	_ =	swait.ge [sflag:s15], $0x80  }
0xc0: {  	[sflag:s15] =	ssyncset.done $0x0  }
0xc1: {  	[sflag:s15] =	ssyncadd.s32 $0xFFFFFF80  }
0xc2: {  	[tilespmem:s17], [sflag:$0x1] =	stream.indirect.gather [hbm4b:s7+s16], $0x10, s13, s16, $0xb8;
	[tilespmem:$0x1B420] =	vst v63  }
0xc3: {  	_ = 	snop  }
0xc4: {  	[tilespmem:s18], [sflag:$0x1] =	stream.indirect.gather [hbm4b:s7+s16], $0x10, s14, s16, $0xb8;
	[tilespmem:$0x1B420] =	vst v63  }
0xc5: {  	_ = 	snop  }
0xc6: {  	[tilespmem:s21], [sflag:$0x1] =	stream.indirect.gather [hbm4b:s6+s16], $0x10, s13, s16, $0xb8;
	[tilespmem:$0x1B420] =	vst v63  }
0xc7: {  	_ =	swait.ge [sflag:s15], $0x800  }
0xc8: {  	[sflag:s15] =	ssyncset.done $0x0  }
0xc9: {  	v2 =	vmov s25;
	[sflag:s15] =	ssyncadd.s32 $0xFFFFF800  }
0xca: {  	v2 =	vshll.u32 v2, $0x4;
	_ =	swait.ge [sflag:s15], $0x800  }
0xcb: {  	v2 =	vor.u32 v1, v2;
	[sflag:s15] =	ssyncset.done $0x0  }
0xcc: {  	v3 =	vor.u32 $0x1, v2;
	[sflag:s15] =	ssyncadd.s32 $0xFFFFF800  }
0xcd: {  	_ =	swait.ge [sflag:s15], $0x800  }
0xce: {  	[sflag:s15] =	ssyncset.done $0x0  }
0xcf: {  	[sflag:s15] =	ssyncadd.s32 $0xFFFFF800  }
0xd0: {  	v4 =	vld.idx.msk [tilespmem:v2+s17+$0x0], $0xffff  }
0xd1: {  	v5 =	vld.idx.msk [tilespmem:v3+s18+$0x0], $0xffff;
	_ =	sdelay $0x4  }
0xd2: {  	v4 =	vadd.f32 v5, v4;
	_ =	sdelay $0x1  }
0xd3: {  	v5 =	vmul.f32 $2.000000030e-01, v4;
	_ =	sdelay $0x1  }
0xd4: {  	v4 =	vmax.f32 v4, v5  }
0xd5: {  	v4 =	vmul.f32 $1.442695020e+00, v4;
	_ =	sdelay $0x1  }
0xd6: {  	(erf) = vpow2.f32 v4;
	_ =	sdelay $0x4  }
0xd7: {  	v4 =	vld.idx.msk [tilespmem:v2+s21+$0x0], $0xffff;
	_ =	sdelay $0x3  }
0xd8: {  	v6 =	vpop (erf)  }
0xd9: {  	v4 =	vmul.f32 v6, v4;
	_ =	sdelay $0x1  }
0xda: {  	[tilespmem:v2+s19+$0x0] =	vst.idx.msk $0xffff, v4  }
0xdb: {  	v4 =	vld.idx.msk [tilespmem:v3+s21+$0x0], $0xffff;
	_ =	sdelay $0x2  }
0xdc: {  	v5 =	vor.u32 $0x2, v2;
	_ =	sdelay $0x1  }
0xdd: {  	v4 =	vmul.f32 v6, v4;
	_ =	sdelay $0x1  }
0xde: {  	[tilespmem:v3+s19+$0x0] =	vst.idx.msk $0xffff, v4  }
0xdf: {  	v3 =	vld.idx.msk [tilespmem:v5+s21+$0x0], $0xffff;
	_ =	sdelay $0x2  }
0xe0: {  	v4 =	vor.u32 $0x3, v2;
	_ =	sdelay $0x1  }
0xe1: {  	v3 =	vmul.f32 v6, v3;
	_ =	sdelay $0x1  }
0xe2: {  	[tilespmem:v5+s19+$0x0] =	vst.idx.msk $0xffff, v3  }
0xe3: {  	v3 =	vld.idx.msk [tilespmem:v4+s21+$0x0], $0xffff;
	_ =	sdelay $0x2  }
0xe4: {  	v5 =	vor.u32 $0x4, v2;
	_ =	sdelay $0x1  }
0xe5: {  	v3 =	vmul.f32 v3, v6;
	_ =	sdelay $0x1  }
0xe6: {  	[tilespmem:v4+s19+$0x0] =	vst.idx.msk $0xffff, v3  }
0xe7: {  	v3 =	vld.idx.msk [tilespmem:v5+s21+$0x0], $0xffff;
	_ =	sdelay $0x2  }
0xe8: {  	v4 =	vor.u32 $0x5, v2;
	_ =	sdelay $0x1  }
0xe9: {  	v3 =	vmul.f32 v3, v6;
	_ =	sdelay $0x1  }
0xea: {  	[tilespmem:v5+s19+$0x0] =	vst.idx.msk $0xffff, v3  }
0xeb: {  	v3 =	vld.idx.msk [tilespmem:v4+s21+$0x0], $0xffff;
	_ =	sdelay $0x2  }
0xec: {  	v5 =	vor.u32 $0x6, v2;
	_ =	sdelay $0x1  }
0xed: {  	v3 =	vmul.f32 v3, v6;
	_ =	sdelay $0x1  }
0xee: {  	[tilespmem:v4+s19+$0x0] =	vst.idx.msk $0xffff, v3  }
0xef: {  	v3 =	vld.idx.msk [tilespmem:v5+s21+$0x0], $0xffff;
	_ =	sdelay $0x2  }
0xf0: {  	v4 =	vor.u32 $0x7, v2;
	_ =	sdelay $0x1  }
0xf1: {  	v3 =	vmul.f32 v3, v6;
	_ =	sdelay $0x1  }
0xf2: {  	[tilespmem:v5+s19+$0x0] =	vst.idx.msk $0xffff, v3  }
0xf3: {  	v3 =	vld.idx.msk [tilespmem:v4+s21+$0x0], $0xffff;
	_ =	sdelay $0x2  }
0xf4: {  	v5 =	vor.u32 $0x8, v2;
	_ =	sdelay $0x1  }
0xf5: {  	v3 =	vmul.f32 v3, v6;
	_ =	sdelay $0x1  }
0xf6: {  	[tilespmem:v4+s19+$0x0] =	vst.idx.msk $0xffff, v3  }
0xf7: {  	v3 =	vld.idx.msk [tilespmem:v5+s21+$0x0], $0xffff;
	_ =	sdelay $0x2  }
0xf8: {  	v4 =	vor.u32 $0x9, v2;
	_ =	sdelay $0x1  }
0xf9: {  	v3 =	vmul.f32 v3, v6;
	_ =	sdelay $0x1  }
0xfa: {  	[tilespmem:v5+s19+$0x0] =	vst.idx.msk $0xffff, v3  }
0xfb: {  	v3 =	vld.idx.msk [tilespmem:v4+s21+$0x0], $0xffff;
	_ =	sdelay $0x2  }
0xfc: {  	v5 =	vor.u32 $0xA, v2;
	_ =	sdelay $0x1  }
0xfd: {  	v3 =	vmul.f32 v3, v6;
	_ =	sdelay $0x1  }
0xfe: {  	[tilespmem:v4+s19+$0x0] =	vst.idx.msk $0xffff, v3  }
0xff: {  	v3 =	vld.idx.msk [tilespmem:v5+s21+$0x0], $0xffff;
	_ =	sdelay $0x2  }
0x100: {  	v4 =	vor.u32 $0xB, v2;
	_ =	sdelay $0x1  }
0x101: {  	v3 =	vmul.f32 v3, v6;
	_ =	sdelay $0x1  }
0x102: {  	[tilespmem:v5+s19+$0x0] =	vst.idx.msk $0xffff, v3  }
0x103: {  	v3 =	vld.idx.msk [tilespmem:v4+s21+$0x0], $0xffff;
	_ =	sdelay $0x2  }
0x104: {  	v5 =	vor.u32 $0xC, v2;
	_ =	sdelay $0x1  }
0x105: {  	v3 =	vmul.f32 v3, v6;
	_ =	sdelay $0x1  }
0x106: {  	[tilespmem:v4+s19+$0x0] =	vst.idx.msk $0xffff, v3  }
0x107: {  	v3 =	vld.idx.msk [tilespmem:v5+s21+$0x0], $0xffff;
	_ =	sdelay $0x2  }
0x108: {  	v4 =	vor.u32 $0xD, v2;
	_ =	sdelay $0x1  }
0x109: {  	v3 =	vmul.f32 v3, v6;
	_ =	sdelay $0x1  }
0x10a: {  	[tilespmem:v5+s19+$0x0] =	vst.idx.msk $0xffff, v3  }
0x10b: {  	v3 =	vld.idx.msk [tilespmem:v4+s21+$0x0], $0xffff;
	_ =	sdelay $0x2  }
0x10c: {  	v7 =	vor.u32 $0xE, v2;
	_ =	sdelay $0x1  }
0x10d: {  	v3 =	vmul.f32 v3, v6;
	_ =	sdelay $0x1  }
0x10e: {  	[tilespmem:v4+s19+$0x0] =	vst.idx.msk $0xffff, v3  }
0x10f: {  	v3 =	vld.idx.msk [tilespmem:v7+s21+$0x0], $0xffff;
	_ =	sdelay $0x2  }
0x110: {  	v5 =	vor.u32 $0xF, v2;
	_ =	sdelay $0x1  }
0x111: {  	v2 =	vmul.f32 v3, v6;
	_ =	sdelay $0x1  }
0x112: {  	[tilespmem:v7+s19+$0x0] =	vst.idx.msk $0xffff, v2  }
0x113: {  	s31 =	simm.s32 $0x10;
	v3 =	vld.idx.msk [tilespmem:v5+s21+$0x0], $0xffff  }
0x114: {  	v2 =	vmov s31  }
0x115: {  	v2 =	vshll.u32 v2, $0x4  }
0x116: {  	v2 =	vor.u32 v1, v2  }
0x117: {  	v4 =	vor.u32 $0x1, v2  }
0x118: {  	s23 =	simm.s32 $0x20;
	v3 =	vmul.f32 v3, v6  }
.LBB2_22:
0x119: {  	_ = 	snop  }
0x11a: {  	p0 =	sne.s32 s23, $0x70;
	s24 =	smov.u32 s23;
	s23 =	sadd.s32 $0x10, s23;
	[tilespmem:v5+s19+$0x0] =	vst.idx.msk $0xffff, v3  }
0x11b: {  	v3 =	vld.idx.msk [tilespmem:v2+s17+$0x0], $0xffff  }
0x11c: {  	v5 =	vld.idx.msk [tilespmem:v4+s18+$0x0], $0xffff;
	_ =	sdelay $0x5  }
0x11d: {  	v3 =	vadd.f32 v5, v3;
	_ =	sdelay $0x1  }
0x11e: {  	v5 =	vmul.f32 $2.000000030e-01, v3;
	_ =	sdelay $0x1  }
0x11f: {  	v3 =	vmax.f32 v3, v5  }
0x120: {  	v3 =	vmul.f32 $1.442695020e+00, v3;
	_ =	sdelay $0x1  }
0x121: {  	(erf) = vpow2.f32 v3;
	_ =	sdelay $0x3  }
0x122: {  	v5 =	vld.idx.msk [tilespmem:v2+s21+$0x0], $0xffff;
	_ =	sdelay $0x4  }
0x123: {  	v3 =	vpop (erf)  }
0x124: {  	v5 =	vmul.f32 v3, v5;
	_ =	sdelay $0x1  }
0x125: {  	[tilespmem:v2+s19+$0x0] =	vst.idx.msk $0xffff, v5  }
0x126: {  	v5 =	vld.idx.msk [tilespmem:v4+s21+$0x0], $0xffff;
	_ =	sdelay $0x3  }
0x127: {  	v6 =	vor.u32 $0x2, v2;
	_ =	sdelay $0x1  }
0x128: {  	v5 =	vmul.f32 v3, v5;
	_ =	sdelay $0x1  }
0x129: {  	[tilespmem:v4+s19+$0x0] =	vst.idx.msk $0xffff, v5  }
0x12a: {  	v4 =	vld.idx.msk [tilespmem:v6+s21+$0x0], $0xffff;
	_ =	sdelay $0x3  }
0x12b: {  	v5 =	vor.u32 $0x3, v2;
	_ =	sdelay $0x1  }
0x12c: {  	v4 =	vmul.f32 v3, v4;
	_ =	sdelay $0x1  }
0x12d: {  	[tilespmem:v6+s19+$0x0] =	vst.idx.msk $0xffff, v4  }
0x12e: {  	v4 =	vld.idx.msk [tilespmem:v5+s21+$0x0], $0xffff;
	_ =	sdelay $0x3  }
0x12f: {  	v6 =	vor.u32 $0x4, v2;
	_ =	sdelay $0x1  }
0x130: {  	v4 =	vmul.f32 v4, v3;
	_ =	sdelay $0x1  }
0x131: {  	[tilespmem:v5+s19+$0x0] =	vst.idx.msk $0xffff, v4  }
0x132: {  	v4 =	vld.idx.msk [tilespmem:v6+s21+$0x0], $0xffff;
	_ =	sdelay $0x3  }
0x133: {  	v5 =	vor.u32 $0x5, v2;
	_ =	sdelay $0x1  }
0x134: {  	v4 =	vmul.f32 v4, v3;
	_ =	sdelay $0x1  }
0x135: {  	[tilespmem:v6+s19+$0x0] =	vst.idx.msk $0xffff, v4  }
0x136: {  	v4 =	vld.idx.msk [tilespmem:v5+s21+$0x0], $0xffff;
	_ =	sdelay $0x3  }
0x137: {  	v6 =	vor.u32 $0x6, v2;
	_ =	sdelay $0x1  }
0x138: {  	v4 =	vmul.f32 v4, v3;
	_ =	sdelay $0x1  }
0x139: {  	[tilespmem:v5+s19+$0x0] =	vst.idx.msk $0xffff, v4  }
0x13a: {  	v4 =	vld.idx.msk [tilespmem:v6+s21+$0x0], $0xffff;
	_ =	sdelay $0x3  }
0x13b: {  	v5 =	vor.u32 $0x7, v2;
	_ =	sdelay $0x1  }
0x13c: {  	v4 =	vmul.f32 v4, v3;
	_ =	sdelay $0x1  }
0x13d: {  	[tilespmem:v6+s19+$0x0] =	vst.idx.msk $0xffff, v4  }
0x13e: {  	v4 =	vld.idx.msk [tilespmem:v5+s21+$0x0], $0xffff;
	_ =	sdelay $0x3  }
0x13f: {  	v6 =	vor.u32 $0x8, v2;
	_ =	sdelay $0x1  }
0x140: {  	v4 =	vmul.f32 v4, v3;
	_ =	sdelay $0x1  }
0x141: {  	[tilespmem:v5+s19+$0x0] =	vst.idx.msk $0xffff, v4  }
0x142: {  	v4 =	vld.idx.msk [tilespmem:v6+s21+$0x0], $0xffff;
	_ =	sdelay $0x3  }
0x143: {  	v5 =	vor.u32 $0x9, v2;
	_ =	sdelay $0x1  }
0x144: {  	v4 =	vmul.f32 v4, v3;
	_ =	sdelay $0x1  }
0x145: {  	[tilespmem:v6+s19+$0x0] =	vst.idx.msk $0xffff, v4  }
0x146: {  	v4 =	vld.idx.msk [tilespmem:v5+s21+$0x0], $0xffff;
	_ =	sdelay $0x3  }
0x147: {  	v6 =	vor.u32 $0xA, v2;
	_ =	sdelay $0x1  }
0x148: {  	v4 =	vmul.f32 v4, v3;
	_ =	sdelay $0x1  }
0x149: {  	[tilespmem:v5+s19+$0x0] =	vst.idx.msk $0xffff, v4  }
0x14a: {  	v4 =	vld.idx.msk [tilespmem:v6+s21+$0x0], $0xffff;
	_ =	sdelay $0x3  }
0x14b: {  	v5 =	vor.u32 $0xB, v2;
	_ =	sdelay $0x1  }
0x14c: {  	v4 =	vmul.f32 v4, v3;
	_ =	sdelay $0x1  }
0x14d: {  	[tilespmem:v6+s19+$0x0] =	vst.idx.msk $0xffff, v4  }
0x14e: {  	v4 =	vld.idx.msk [tilespmem:v5+s21+$0x0], $0xffff;
	_ =	sdelay $0x3  }
0x14f: {  	v6 =	vor.u32 $0xC, v2;
	_ =	sdelay $0x1  }
0x150: {  	v4 =	vmul.f32 v4, v3;
	_ =	sdelay $0x1  }
0x151: {  	[tilespmem:v5+s19+$0x0] =	vst.idx.msk $0xffff, v4  }
0x152: {  	v4 =	vld.idx.msk [tilespmem:v6+s21+$0x0], $0xffff;
	_ =	sdelay $0x3  }
0x153: {  	v5 =	vor.u32 $0xD, v2;
	_ =	sdelay $0x1  }
0x154: {  	v4 =	vmul.f32 v4, v3;
	_ =	sdelay $0x1  }
0x155: {  	[tilespmem:v6+s19+$0x0] =	vst.idx.msk $0xffff, v4  }
0x156: {  	v4 =	vld.idx.msk [tilespmem:v5+s21+$0x0], $0xffff;
	_ =	sdelay $0x3  }
0x157: {  	v6 =	vor.u32 $0xE, v2;
	_ =	sdelay $0x1  }
0x158: {  	v4 =	vmul.f32 v4, v3;
	_ =	sdelay $0x1  }
0x159: {  	[tilespmem:v5+s19+$0x0] =	vst.idx.msk $0xffff, v4  }
0x15a: {  	v4 =	vld.idx.msk [tilespmem:v6+s21+$0x0], $0xffff;
	_ =	sdelay $0x3  }
0x15b: {  	v5 =	vor.u32 $0xF, v2;
	_ =	sdelay $0x1  }
0x15c: {  	v2 =	vmul.f32 v4, v3;
	_ =	sdelay $0x1  }
0x15d: {  	[tilespmem:v6+s19+$0x0] =	vst.idx.msk $0xffff, v2  }
0x15e: {  	v6 =	vld.idx.msk [tilespmem:v5+s21+$0x0], $0xffff;
	_ =	sdelay $0x1  }
.Ltmp14:
0x15f: {  	v2 =	vmov s24;
	(pc) =	sbr.rel @p0 .LBB2_22-.Ltmp14, $4  }
0x160: {  	v2 =	vshll.u32 v2, $0x4  }
0x161: {  	v2 =	vor.u32 v1, v2  }
0x162: {  	v4 =	vor.u32 $0x1, v2  }
0x163: {  	v3 =	vmul.f32 v6, v3  }
0x164: {  	_ =	sdelay $0x3  }
0x165: {  	[tilespmem:v5+s19+$0x0] =	vst.idx.msk $0xffff, v3  }
0x166: {  	v3 =	vld.idx.msk [tilespmem:v2+s17+$0x0], $0xffff  }
0x167: {  	v5 =	vld.idx.msk [tilespmem:v4+s18+$0x0], $0xffff;
	_ =	sdelay $0x4  }
0x168: {  	v3 =	vadd.f32 v5, v3;
	_ =	sdelay $0x1  }
0x169: {  	v5 =	vmul.f32 $2.000000030e-01, v3;
	_ =	sdelay $0x1  }
0x16a: {  	v3 =	vmax.f32 v3, v5  }
0x16b: {  	v3 =	vmul.f32 $1.442695020e+00, v3;
	_ =	sdelay $0x1  }
0x16c: {  	(erf) = vpow2.f32 v3;
	_ =	sdelay $0x4  }
0x16d: {  	v3 =	vld.idx.msk [tilespmem:v2+s21+$0x0], $0xffff;
	_ =	sdelay $0x3  }
0x16e: {  	v51 =	vpop (erf)  }
0x16f: {  	v3 =	vmul.f32 v51, v3;
	_ =	sdelay $0x1  }
0x170: {  	[tilespmem:v2+s19+$0x0] =	vst.idx.msk $0xffff, v3  }
0x171: {  	v3 =	vld.idx.msk [tilespmem:v4+s21+$0x0], $0xffff;
	_ =	sdelay $0x2  }
0x172: {  	v6 =	vor.u32 $0x2, v2;
	_ =	sdelay $0x1  }
0x173: {  	v3 =	vmul.f32 v51, v3;
	_ =	sdelay $0x1  }
0x174: {  	[tilespmem:v4+s19+$0x0] =	vst.idx.msk $0xffff, v3  }
0x175: {  	v3 =	vld.idx.msk [tilespmem:v6+s21+$0x0], $0xffff;
	_ =	sdelay $0x2  }
0x176: {  	v52 =	vor.u32 $0x3, v2;
	_ =	sdelay $0x1  }
0x177: {  	v3 =	vmul.f32 v51, v3;
	_ =	sdelay $0x1  }
0x178: {  	[tilespmem:v6+s19+$0x0] =	vst.idx.msk $0xffff, v3  }
0x179: {  	v3 =	vld.idx.msk [tilespmem:v52+s21+$0x0], $0xffff;
	_ =	sdelay $0x2  }
0x17a: {  	v53 =	vor.u32 $0x4, v2;
	_ =	sdelay $0x1  }
0x17b: {  	v3 =	vmul.f32 v3, v51;
	_ =	sdelay $0x1  }
0x17c: {  	[tilespmem:v52+s19+$0x0] =	vst.idx.msk $0xffff, v3  }
0x17d: {  	v3 =	vld.idx.msk [tilespmem:v53+s21+$0x0], $0xffff;
	_ =	sdelay $0x2  }
0x17e: {  	v54 =	vor.u32 $0x5, v2;
	_ =	sdelay $0x1  }
0x17f: {  	v3 =	vmul.f32 v3, v51;
	_ =	sdelay $0x1  }
0x180: {  	[tilespmem:v53+s19+$0x0] =	vst.idx.msk $0xffff, v3  }
0x181: {  	v3 =	vld.idx.msk [tilespmem:v54+s21+$0x0], $0xffff;
	_ =	sdelay $0x2  }
0x182: {  	v55 =	vor.u32 $0x6, v2;
	_ =	sdelay $0x1  }
0x183: {  	v3 =	vmul.f32 v3, v51;
	_ =	sdelay $0x1  }
0x184: {  	[tilespmem:v54+s19+$0x0] =	vst.idx.msk $0xffff, v3  }
0x185: {  	v3 =	vld.idx.msk [tilespmem:v55+s21+$0x0], $0xffff;
	_ =	sdelay $0x2  }
0x186: {  	v56 =	vor.u32 $0x7, v2;
	_ =	sdelay $0x1  }
0x187: {  	v3 =	vmul.f32 v3, v51;
	_ =	sdelay $0x1  }
0x188: {  	[tilespmem:v55+s19+$0x0] =	vst.idx.msk $0xffff, v3  }
0x189: {  	v3 =	vld.idx.msk [tilespmem:v56+s21+$0x0], $0xffff;
	_ =	sdelay $0x2  }
0x18a: {  	v57 =	vor.u32 $0x8, v2;
	_ =	sdelay $0x1  }
0x18b: {  	v3 =	vmul.f32 v3, v51;
	_ =	sdelay $0x1  }
0x18c: {  	[tilespmem:v56+s19+$0x0] =	vst.idx.msk $0xffff, v3  }
0x18d: {  	v3 =	vld.idx.msk [tilespmem:v57+s21+$0x0], $0xffff;
	_ =	sdelay $0x2  }
0x18e: {  	v58 =	vor.u32 $0x9, v2;
	_ =	sdelay $0x1  }
0x18f: {  	v3 =	vmul.f32 v3, v51;
	_ =	sdelay $0x1  }
0x190: {  	[tilespmem:v57+s19+$0x0] =	vst.idx.msk $0xffff, v3  }
0x191: {  	v3 =	vld.idx.msk [tilespmem:v58+s21+$0x0], $0xffff;
	_ =	sdelay $0x2  }
0x192: {  	v59 =	vor.u32 $0xA, v2;
	_ =	sdelay $0x1  }
0x193: {  	v3 =	vmul.f32 v3, v51;
	_ =	sdelay $0x1  }
0x194: {  	[tilespmem:v58+s19+$0x0] =	vst.idx.msk $0xffff, v3  }
0x195: {  	v3 =	vld.idx.msk [tilespmem:v59+s21+$0x0], $0xffff;
	_ =	sdelay $0x2  }
0x196: {  	v60 =	vor.u32 $0xB, v2;
	_ =	sdelay $0x1  }
0x197: {  	v3 =	vmul.f32 v3, v51;
	_ =	sdelay $0x1  }
0x198: {  	[tilespmem:v59+s19+$0x0] =	vst.idx.msk $0xffff, v3  }
0x199: {  	v3 =	vld.idx.msk [tilespmem:v60+s21+$0x0], $0xffff;
	_ =	sdelay $0x2  }
0x19a: {  	v61 =	vor.u32 $0xC, v2;
	_ =	sdelay $0x1  }
0x19b: {  	v3 =	vmul.f32 v3, v51;
	_ =	sdelay $0x1  }
0x19c: {  	[tilespmem:v60+s19+$0x0] =	vst.idx.msk $0xffff, v3  }
0x19d: {  	v3 =	vld.idx.msk [tilespmem:v61+s21+$0x0], $0xffff;
	_ =	sdelay $0x2  }
0x19e: {  	v62 =	vor.u32 $0xD, v2;
	_ =	sdelay $0x1  }
0x19f: {  	v3 =	vmul.f32 v3, v51;
	_ =	sdelay $0x1  }
0x1a0: {  	[tilespmem:v61+s19+$0x0] =	vst.idx.msk $0xffff, v3  }
0x1a1: {  	v3 =	vld.idx.msk [tilespmem:v62+s21+$0x0], $0xffff;
	_ =	sdelay $0x2  }
0x1a2: {  	v63 =	vor.u32 $0xE, v2;
	_ =	sdelay $0x1  }
0x1a3: {  	v3 =	vmul.f32 v3, v51;
	_ =	sdelay $0x1  }
0x1a4: {  	[tilespmem:v62+s19+$0x0] =	vst.idx.msk $0xffff, v3  }
0x1a5: {  	v3 =	vld.idx.msk [tilespmem:v63+s21+$0x0], $0xffff;
	_ =	sdelay $0x2  }
0x1a6: {  	v2 =	vor.u32 $0xF, v2;
	_ =	sdelay $0x1  }
0x1a7: {  	v3 =	vmul.f32 v3, v51;
	_ =	sdelay $0x1  }
0x1a8: {  	[tilespmem:v63+s19+$0x0] =	vst.idx.msk $0xffff, v3  }
0x1a9: {  	v3 =	vld.idx.msk [tilespmem:v2+s21+$0x0], $0xffff;
	_ =	sdelay $0x4  }
0x1aa: {  	v3 =	vmul.f32 v3, v51;
	_ =	sdelay $0x1  }
.Ltmp15:
0x1ab: {  	[tilespmem:v2+s19+$0x0] =	vst.idx.msk $0xffff, v3;
	(pc) =	sbr.rel .LBB2_24-.Ltmp15, $4  }
0x1ac: {  	[spmem:s2] =	stream.indirect.scatter.add.f32 [tilespmem:s19], [sflag:$0x2], $0x10, s14, s16, $0xb8;
	[tilespmem:$0x1B420] =	vst v63  }
0x1ad: {  	_ =	swait.ge [sflag:s20], $0x800  }
0x1ae: {  	[sflag:s20] =	ssyncset.done $0x0  }
0x1af: {  	[sflag:s20] =	ssyncadd.s32 $0xFFFFF800  }
.LBB2_25:
0x1b0: {  	s22 =	sadd.s32 $0x0, s4  }
0x1b1: {  	[bflag:$0x0] =	sbarrier.arrive $0xFFFF;
	p0 =	sgt.u32 s22, $0x1F3  }
0x1b2: {  	s22 =	simm.s32 @!p0 $0x1A7A0;
	s24 =	simm.s32 @!p0 $0x3;
	p0 =	por p0, p0  }
0x1b3: {  	[tilespmem:s22], [sflag:$0x3] =	stream.linear.gather @!p0 [spmem:s10], $0xC80, $0x38;
	[tilespmem:$0x1B420] =	vst v63  }
0x1b4: {  	_ =	swait.ge @!p0 [sflag:s24], $0xC80  }
0x1b5: {  	s31 =	sadd.s32 $0x10, s4;
	[sflag:s24] =	ssyncset.done @!p0 $0x0  }
0x1b6: {  	s25 =	simm.s32 @!p0 $0x2;
	[sflag:s24] =	ssyncadd.s32 @!p0 $0xFFFFF380;
	s24 =	simm.s32 @!p0 $0x0  }
0x1b7: {  	[hbm4b:s12+s24] =	stream.linear.scatter @!p0 [tilespmem:s22], [sflag:$0x2], $0xC80, $0x38;
	[tilespmem:$0x1B420] =	vst v63  }
0x1b8: {  	s23 =	simm.s32 $0x20;
	p1 =	sgt.u32 s31, $0x1F3;
	_ =	swait.ge @!p0 [sflag:s25], $0xC80  }
0x1b9: {  	s22 =	sadd.s32 $0x1900, s12;
	s24 =	sadd.s32 $0xC800, s10;
	[sflag:s25] =	ssyncset.done @!p0 $0x0  }
.LBB2_26:
0x1ba: {  	s26 =	simm.s32 @!p1 $0x1A7A0;
	s28 =	simm.s32 @!p1 $0x3;
	[sflag:s25] =	ssyncadd.s32 @!p0 $0xFFFFF380  }
0x1bb: {  	s29 =	smov.u32 s23;
	p0 =	por p1, p1;
	s23 =	sadd.s32 $0x10, s23  }
0x1bc: {  	[tilespmem:s26], [sflag:$0x3] =	stream.linear.gather @!p0 [spmem:s24], $0xC80, $0x38;
	[tilespmem:$0x1B420] =	vst v63  }
0x1bd: {  	p2 =	sne.s32 s23, $0x200;
	_ =	swait.ge @!p0 [sflag:s28], $0xC80  }
.Ltmp16:
0x1be: {  	[sflag:s28] =	ssyncset.done @!p0 $0x0;
	(pc) =	sbr.rel @p2 .LBB2_26-.Ltmp16, $4  }
0x1bf: {  	s25 =	simm.s32 @!p0 $0x2;
	[sflag:s28] =	ssyncadd.s32 @!p0 $0xFFFFF380;
	s28 =	simm.s32 @!p0 $0x0  }
0x1c0: {  	[hbm4b:s22+s28] =	stream.linear.scatter @!p0 [tilespmem:s26], [sflag:$0x2], $0xC80, $0x38;
	[tilespmem:$0x1B420] =	vst v63  }
0x1c1: {  	s26 =	sadd.s32 s29, s4;
	s22 =	sadd.s32 $0x1900, s22;
	_ =	swait.ge @!p0 [sflag:s25], $0xC80  }
0x1c2: {  	s24 =	sadd.s32 $0xC800, s24;
	p1 =	sgt.u32 s26, $0x1F3;
	[sflag:s25] =	ssyncset.done @!p0 $0x0  }
0x1c3: {  	s23 =	simm.s32 @!p1 $0x1A7A0  }
0x1c4: {  	s26 =	simm.s32 @!p1 $0x3;
	[sflag:s25] =	ssyncadd.s32 @!p0 $0xFFFFF380;
	p0 =	por p1, p1  }
0x1c5: {  	[tilespmem:s23], [sflag:$0x3] =	stream.linear.gather @!p0 [spmem:s24], $0xC80, $0x38;
	[tilespmem:$0x1B420] =	vst v63  }
0x1c6: {  	_ =	swait.ge @!p0 [sflag:s26], $0xC80  }
0x1c7: {  	[sflag:s26] =	ssyncset.done @!p0 $0x0  }
0x1c8: {  	s24 =	simm.s32 @!p0 $0x0;
	s25 =	simm.s32 @!p0 $0x2;
	[sflag:s26] =	ssyncadd.s32 @!p0 $0xFFFFF380  }
0x1c9: {  	[hbm4b:s22+s24] =	stream.linear.scatter @!p0 [tilespmem:s23], [sflag:$0x2], $0xC80, $0x38;
	[tilespmem:$0x1B420] =	vst v63  }
0x1ca: {  	_ =	swait.ge @!p0 [sflag:s25], $0xC80  }
0x1cb: {  	[sflag:s25] =	ssyncset.done @!p0 $0x0  }
0x1cc: {  	s22 =	simm.s32 $0x40;
	s23 =	simm.s32 $0x0;
	[sflag:s25] =	ssyncadd.s32 @!p0 $0xFFFFF380  }
.LBB2_28:
0x1cd: {  	p0 =	sne.s32 s22, $0x31C0;
	[tilespmem:s23+$0x1A7A0] =	vst v0;
	s23 =	smov.u32 s22;
	s22 =	sadd.s32 $0x40, s22  }
.Ltmp17:
0x1ce: {  	(pc) =	sbr.rel @p0 .LBB2_28-.Ltmp17, $2  }
0x1cf: {  	_ =	sdelay $0x2  }
0x1d0: {  	s23 =	sshra.s32 s23, $0x2  }
0x1d1: {  	s3 =	sadd.s32 $0x1, s3  }
0x1d2: {  	p0 =	sne.s32 s3, s9  }
.Ltmp18:
0x1d3: {  	_ = 	snop;
	(pc) =	sbr.rel @p0 .LBB2_1-.Ltmp18, $2  }
0x1d4: {  	_ =	sdelay $0x2  }
0x1d5: {  	[tilespmem:s23+$0x1A7A0] =	vst v0  }
0x1d6: {  	_ =	sfence.sel $0x180000  }
0x1d7: {  	[bflag:$0x0] =	sbarrier.arrive $0xFFFF  }
0x1d8: {  	p0 =	sne.s32 s4, $0x0;
	_ =	strace $0x9000004A  }
0x1d9: {  	s0 =	sadd.s32 @!p0 $0x100000, s0;
	[bflag:$0x2] =	sbarrier.arrive $0xFFFF  }
0x1da: {  	[sflag:s0] =	ssyncadd.tile.s32 @!p0 $0x1;
	_ =	shalt  }
.Lfunc_end2:
_tile_overlayer_lowered:
.L_overlay_start_2:
0x1db: {  	(tag) =	ssettag $0x2  }
0x1dc: {  	s0 =	rddreg [dreg:$0x0];
	s2 =	stileid.u32  }
0x1dd: {  	s1 =	rddreg [dreg:$0x1];
	p0 =	sne.s32 s2, $0x0  }
0x1de: {  	s3 =	rddreg [dreg:$0x2];
	[bflag:$0x3] =	sbarrier.arrive $0xFFFF;
	s2 =	simm.s32 @!p0 $0x1C02  }
0x1df: {  	[timem:s3], [sflag:s2] =	dma.local @!p0 [hbm:s0], s1  }
0x1e0: {  	s0 =	simm.s32 @!p0 $0x2  }
0x1e1: {  	_ =	swait.ge @!p0 [sflag:s0], s1  }
0x1e2: {  	s1 =	ssub.s32 @!p0 $0x0, s1;
	[sflag:s0] =	ssyncset.done @!p0 $0x0  }
0x1e3: {  	[sflag:s0] =	ssyncadd.s32 @!p0 s1  }
0x1e4: {  	[bflag:$0x3] =	sbarrier.arrive $0xFFFF  }
0x1e5: {  	_ =	shalt  }

// kernel: kernel.7.cloned.1.call-start
scs
__scs_entry_jumppad:
0x0: {  	(pc) =	sbr.rel $0x88, $3  }
0x1: {  	(tag) =	ssettag $0x0;
	lr =	simm.s32 $0x1  }
0x2: {  	[smem:$0x3F97] =	sst lr;
	_ =	strace $0xD0000000  }
0x3: {  	_ = 	snop  }
0x4: {  	_ = 	snop  }
0x5: {  	_ = 	snop  }
0x6: {  	_ = 	snop  }
0x7: {  	_ = 	snop  }
__scs_overlays_trampoline_lowered:
0x8: {  	[smem:$0x3FA6] =	sst s0  }
0x9: {  	[smem:$0x3FA7] =	sst s1  }
0xa: {  	[smem:$0x3FA8] =	sst s2  }
0xb: {  	[smem:$0x3FA9] =	sst s3  }
0xc: {  	[smem:$0x3FAA] =	sst s4  }
0xd: {  	[smem:$0x3FAB] =	sst s5  }
0xe: {  	[smem:$0x3FAC] =	sst s6  }
0xf: {  	[smem:$0x3FAD] =	sst s7  }
0x10: {  	[smem:$0x3FAE] =	sst s8  }
0x11: {  	[smem:$0x3FAF] =	sst s9;
	s0 =	simm.s32 @!p0 $0x0  }
0x12: {  	s1 =	sld [smem:$0x3F95];
	s0 =	simm.s32 @p0 $0x1  }
0x13: {  	[smem:$0x3FB0] =	sst s0;
	s0 =	simm.s32 @!p1 $0x0  }
0x14: {  	s2 =	sld [smem:$0x3F94];
	s0 =	simm.s32 @p1 $0x1  }
0x15: {  	[smem:$0x3FB1] =	sst s0;
	s0 =	simm.s32 @!p2 $0x0  }
0x16: {  	s3 =	sld [smem:$0x3FDB];
	s0 =	simm.s32 @p2 $0x1  }
0x17: {  	s4 =	simm.s32 $0x1BF5;
	[smem:$0x3FB3] =	sst s0  }
0x18: {  	s0 =	sld [smem:$0x3F96];
	_ =	swait.ge [sflag:s4], $0x0  }
0x19: {  	s7 =	sld [smem:$0x3F97]  }
0x1a: {  	s8 =	sadd.s32 $0xFFFFE003, lr  }
0x1b: {  	s9 =	sadd.s32 $0xFFFFFEF7, lr;
	s5 =	simm.s32 $0xFFFFFFFF;
	p2 =	slt.u32 s8, $0xFFFFF086  }
0x1c: {  	p1 =	slt.u32 s9, $0xF7A;
	s5 =	simm.s32 @!p2 $0x0  }
0x1d: {  	s5 =	simm.s32 @p1 $0x1;
	p0 =	seq.s32 s7, s2  }
0x1e: {  	s7 =	smul.u32 @!p0 $0xF7A, s2;
	p2 =	seq.s32 @!p0 s5, $0x0  }
0x1f: {  	s9 =	smul.u32 $0xF7A, s1;
	s8 =	simm.s32 @!p0 $0x1BF5;
	p2 =	por !p2, p0  }
0x20: {  	[sflag:s8] =	ssyncset.s32 @!p0 $0xFFFFF086;
	s6 =	sadd.s32 @!p0 s3, s7;
	s7 =	simm.s32 @!p0 $0x108  }
0x21: {  	s3 =	sadd.s32 s3, s9;
	s6 =	sadd.s32 @!p0 $0x88, s6;
	s7 =	simm.s32 @p2 $0x1082  }
0x22: {  	[simem:s7], [sflag:s8] =	dma.local @!p0 [hbm:s6], $0xF7A  }
0x23: {  	s9 =	sor.u32 $0xD0000000, s2;
	s6 =	simm.s32 $0x108;
	_ =	swait.ge @!p0 [sflag:s8], $0x0  }
0x24: {  	s3 =	sadd.s32 $0x88, s3;
	s6 =	simm.s32 @!p1 $0x1082;
	[sflag:s4] =	ssyncset.s32 $0xFFFFF086  }
0x25: {  	[simem:s6], [sflag:s4] =	dma.local [hbm:s3], $0xF7A  }
0x26: {  	[smem:$0x3F97] =	sst s1;
	(tag) =	ssettag s2;
	_ =	strace s9  }
0x27: {  	s1 =	sld [smem:$0x3FA7]  }
0x28: {  	s2 =	sld [smem:$0x3FA8]  }
0x29: {  	s4 =	sld [smem:$0x3FAA]  }
0x2a: {  	p0 =	seq.s32 s5, $0x0;
	s5 =	sld [smem:$0x3FAB]  }
0x2b: {  	s6 =	sld [smem:$0x3FAC]  }
0x2c: {  	s7 =	sld [smem:$0x3FAD]  }
0x2d: {  	s3 =	simm.s32 $0x108;
	s8 =	sld [smem:$0x3FAE]  }
0x2e: {  	s3 =	simm.s32 @!p0 $0x1082;
	s9 =	sld [smem:$0x3FAF]  }
0x2f: {  	lr =	sadd.s32 s0, s3;
	s0 =	sld [smem:$0x3FA6]  }
0x30: {  	s3 =	sld [smem:$0x3FA9]  }
0x31: {  	[smem:$0x3FB2] =	sst s10  }
0x32: {  	s10 =	sld [smem:$0x3FB0];
	_ =	sdelay $0x3  }
0x33: {  	p0 =	seq.s32 s10, $0x1;
	s10 =	sld [smem:$0x3FB2];
	_ =	sdelay $0x3  }
0x34: {  	[smem:$0x3FB2] =	sst s10  }
0x35: {  	s10 =	sld [smem:$0x3FB1];
	_ =	sdelay $0x3  }
0x36: {  	p1 =	seq.s32 s10, $0x1;
	s10 =	sld [smem:$0x3FB2];
	_ =	sdelay $0x3  }
0x37: {  	[smem:$0x3FB2] =	sst s10  }
0x38: {  	s10 =	sld [smem:$0x3FB3]  }
0x39: {  	_ = 	snop;
	(pc) =	sbr.ind lr, $3  }
0x3a: {  	_ = 	snop  }
0x3b: {  	_ = 	snop  }
0x3c: {  	p2 =	seq.s32 s10, $0x1;
	s10 =	sld [smem:$0x3FB2]  }
0x3d: {  	_ =	shalt  }
0x3e: {  	_ =	shalt  }
0x3f: {  	_ =	shalt  }
0x40: {  	_ =	shalt  }
0x41: {  	_ =	shalt  }
0x42: {  	_ =	shalt  }
0x43: {  	_ =	shalt  }
0x44: {  	_ =	shalt  }
0x45: {  	_ =	shalt  }
0x46: {  	_ =	shalt  }
0x47: {  	_ =	shalt  }
0x48: {  	_ =	shalt  }
0x49: {  	_ =	shalt  }
0x4a: {  	_ =	shalt  }
0x4b: {  	_ =	shalt  }
0x4c: {  	_ =	shalt  }
0x4d: {  	_ =	shalt  }
0x4e: {  	_ =	shalt  }
0x4f: {  	_ =	shalt  }
0x50: {  	_ =	shalt  }
0x51: {  	_ =	shalt  }
0x52: {  	_ =	shalt  }
0x53: {  	_ =	shalt  }
0x54: {  	_ =	shalt  }
0x55: {  	_ =	shalt  }
0x56: {  	_ =	shalt  }
0x57: {  	_ =	shalt  }
0x58: {  	_ =	shalt  }
0x59: {  	_ =	shalt  }
0x5a: {  	_ =	shalt  }
0x5b: {  	_ =	shalt  }
0x5c: {  	_ =	shalt  }
0x5d: {  	_ =	shalt  }
0x5e: {  	_ =	shalt  }
0x5f: {  	_ =	shalt  }
0x60: {  	_ =	shalt  }
0x61: {  	_ =	shalt  }
0x62: {  	_ =	shalt  }
0x63: {  	_ =	shalt  }
0x64: {  	_ =	shalt  }
0x65: {  	_ =	shalt  }
0x66: {  	_ =	shalt  }
0x67: {  	_ =	shalt  }
0x68: {  	_ =	shalt  }
0x69: {  	_ =	shalt  }
0x6a: {  	_ =	shalt  }
0x6b: {  	_ =	shalt  }
0x6c: {  	_ =	shalt  }
0x6d: {  	_ =	shalt  }
0x6e: {  	_ =	shalt  }
0x6f: {  	_ =	shalt  }
0x70: {  	_ =	shalt  }
0x71: {  	_ =	shalt  }
0x72: {  	_ =	shalt  }
0x73: {  	_ =	shalt  }
0x74: {  	_ =	shalt  }
0x75: {  	_ =	shalt  }
0x76: {  	_ =	shalt  }
0x77: {  	_ =	shalt  }
0x78: {  	_ =	shalt  }
0x79: {  	_ =	shalt  }
0x7a: {  	_ =	shalt  }
0x7b: {  	_ =	shalt  }
0x7c: {  	_ =	shalt  }
0x7d: {  	_ =	shalt  }
0x7e: {  	_ =	shalt  }
0x7f: {  	_ =	shalt  }
0x80: {  	_ =	shalt  }
0x81: {  	_ =	shalt  }
0x82: {  	_ =	shalt  }
0x83: {  	_ =	shalt  }
0x84: {  	_ =	shalt  }
0x85: {  	_ =	shalt  }
0x86: {  	_ =	shalt  }
0x87: {  	_ =	shalt  }
.Lfunc_end0:
.L_simem_size_0:
called_computation_lowered:
.L_overlay_start_0:
0x88: {  	s2 =	sld [smem:$0x3FD9]  }
0x89: {  	s3 =	sld [smem:$0x3FFE];
	_ =	sdelay $0x1  }
0x8a: {  	s1 =	srdreg.scid  }
0x8b: {  	s0 =	sand.u32 $0x1, s1  }
0x8c: {  	s17 =	sshll.u32 s0, $0xA;
	s2 =	sadd.s32 s3, s2  }
0x8d: {  	s2 =	sadd.s32 s2, s17  }
0x8e: {  	[smem:$0x3FBE] =	sst s2  }
0x8f: {  	_ = 	snop  }
0x90: {  	s2 =	sld [smem:$0x3FD0];
	(tm) =	ssettm $0x1  }
0x91: {  	s18 =	sld [smem:$0x3FFB];
	_ =	sdelay $0x3  }
0x92: {  	_ =	strace s18  }
0x93: {  	s3 =	sld [smem:$0x3FFC];
	_ =	sdelay $0x3  }
0x94: {  	_ =	strace s3  }
0x95: {  	s3 =	sld [smem:$0x3FFD];
	_ =	sdelay $0x3  }
0x96: {  	_ =	strace s3  }
0x97: {  	_ =	strace $0x8FFFFFFF  }
0x98: {  	s19 =	sld [smem:$0x3FDB];
	_ =	sdelay $0x1  }
0x99: {  	s4 =	simm.s32 $_scs_section_size  }
0x9a: {  	s5 =	simm.s32 $_size__tile_overlayer_lowered;
	s6 =	simm.s32 $_tile_overlayer_lowered  }
0x9b: {  	s22 =	simm.s32 $0x1BFF;
	s21 =	sshll.u32 s6, $0x1;
	s3 =	sadd.s32 s4, s19  }
0x9c: {  	s7 =	simm.s32 $0x0;
	s20 =	sshll.u32 s5, $0x1;
	s5 =	sadd.s32 s21, s3  }
0x9d: {  	[timem:s7], [sflag:s22] =	dma.local [hbm:s5], s20  }
0x9e: {  	_ =	swait.ge [sflag:s22], s20  }
0x9f: {  	s4 =	ssub.s32 $0x0, s20;
	[sflag:s22] =	ssyncset.done $0x0  }
0xa0: {  	[sflag:s22] =	ssyncadd.s32 s4;
	_ =	sdelay $0x1  }
0xa1: {  	s23 =	simm.s32 $0x1B8B  }
0xa2: {  	_ =	swait.ge [sflag:s23], $0x1  }
0xa3: {  	[sflag:s23] =	ssyncset.done $0x0  }
0xa4: {  	s25 =	simm.s32 $0x1B8E;
	s24 =	sld [smem:$0x3FFE];
	[sflag:s23] =	ssyncadd.s32 $0xFFFFFFFF  }
0xa5: {  	s26 =	simm.s32 $execute0_lowered;
	[smem:$0x3FD2] =	sst s25  }
0xa6: {  	s5 =	sshll.u32 s26, $0x1;
	_ =	strace $0x80000046;
	[dreg:$0x1] =	wrdreg $0xFFFFFFFF  }
0xa7: {  	s28 =	simm.s32 $_size_execute0_lowered;
	s3 =	sadd.s32 s3, s5;
	[dreg:$0x0] =	wrdreg $0x0  }
0xa8: {  	s5 =	sshll.u32 s28, $0x1;
	[dreg:$0x2] =	wrdreg s3  }
0xa9: {  	[dreg:$0x3] =	wrdreg s5  }
0xaa: {  	[dreg:$0x4] =	wrdreg $0xC0  }
0xab: {  	_ =	task [dreg:s7], $0x5FFFF  }
0xac: {  	[dreg:$0x1] =	wrdreg $0xFFFFFFFF  }
0xad: {  	[dreg:$0x0] =	wrdreg $0x60  }
0xae: {  	[dreg:$0x2] =	wrdreg s24  }
0xaf: {  	[dreg:$0x3] =	wrdreg s2  }
0xb0: {  	[dreg:$0x4] =	wrdreg $0x0  }
0xb1: {  	[dreg:$0x5] =	wrdreg $0x9  }
0xb2: {  	_ =	task.clear_ibuf [dreg:s7], $0x6FFFF;
	_ =	strace $0x90000046  }
0xb3: {  	s29 =	simm.s32 $0x9;
	_ =	strace $0x80000048  }
0xb4: {  	_ =	swait.ge [sflag:s29], $0x1  }
0xb5: {  	[sflag:s29] =	ssyncadd.s32 $0xFFFFFFFF  }
0xb6: {  	_ =	strace $0x90000048  }
0xb7: {  	_ =	sfence  }
0xb8: {  	s30 =	sld [smem:$0x0];
	_ =	sdelay $0x2  }
0xb9: {  	s31 =	sshll.u32 s1, $0xD;
	s1 =	sshrl.u32 s1, $0x2  }
0xba: {  	s3 =	sand.u32 $0x4000, s31;
	s1 =	sadd.s32 s1, s30  }
0xbb: {  	s0 =	sor.u32 s3, s0;
	s1 =	sshll.u32 s1, $0x11  }
0xbc: {  	s0 =	sor.u32 s1, s0  }
0xbd: {  	s0 =	sadd.s32 $0x8F2B, s0  }
0xbe: {  	[sflag:s0] =	ssyncadd.remote.s32 $0x1  }
0xbf: {  	_ =	sfence.sel $0xFFFF  }
0xc0: {  	[dreg:$0x0] =	wrdreg $0xFFFFFFFF;
	(pc) =	sbr.abs _section_cstart, $3  }
0xc1: {  	[dreg:$0x1] =	wrdreg $0xFFFFFFFF  }
0xc2: {  	_ =	task.clear_ibuf [dreg:s7], $0x2FFFF;
	_ =	strace $0x9FFFFFFF  }
0xc3: {  	(tm) =	ssettm $0x7FFFFFFF  }
tec
execute0_lowered:
.L_overlay_start_1:
0x0: {  	(tag) =	ssettag $0x1  }
0x1: {  	s8 =	rddreg [dreg:$0x0]  }
0x2: {  	s1 =	rddreg [dreg:$0x1]  }
0x3: {  	s2 =	rddreg [dreg:$0x2]  }
0x4: {  	s0 =	rddreg [dreg:$0x3]  }
0x5: {  	s3 =	simm.s32 $0x0;
	s4 =	srdreg.scid;
	s14 =	simm.s32 $0x1  }
0x6: {  	s15 =	simm.s32 $0x80;
	s16 =	simm.s32 $0x18820;
	s17 =	simm.s32 $0x19020  }
0x7: {  	s18 =	simm.s32 $0x1A020;
	s20 =	simm.s32 $0x187A0;
	s21 =	simm.s32 $0x19820  }
0x8: {  	[smem:$0x7FF] =	sst s3;
	s5 =	sadd.s32 $0x2200, s8;
	s19 =	sand.u32 $0x1, s4  }
0x9: {  	s6 =	sadd.s32 $0x340400, s8;
	s4 =	stileid.u32;
	s9 =	smul.u32 $0x30D40, s19  }
0xa: {  	s7 =	sadd.s32 $0x33000, s8;
	s10 =	ssub.s32 $0x2, s19;
	s11 =	smul.u32 $0x3200, s4  }
0xb: {  	_ =	strace $0x80000047;
	s13 =	smul.u32 $0x190, s4;
	s28 =	sshrl.u32 s10, $0x1  }
0xc: {  	s29 =	sshll.u32 s19, $0x1;
	s12 =	sadd.s32 s9, s8;
	s8 =	ssub.s32 s10, s28  }
0xd: {  	v4 =	vlaneseq.u32;
	v5 =	vmov s19;
	s19 =	simm.s32 $0x2;
	s30 =	sshrl.u32 s11, $0x2;
	s8 =	smax.u32 s8, $0x1  }
0xe: {  	v6 =	vimm.f32 $0.0e+00;
	v7 =	vmul.u32 $0x10, v4;
	v0 =	vmov s29;
	s9 =	sadd.s32 s30, s2;
	s31 =	sadd.s32 s13, s12;
	s12 =	simm.s32 $0x186A0  }
0xf: {  	v1 =	vor.u32 $0x1, v0;
	v2 =	vor.u32 $0x4, v0;
	v3 =	vor.u32 $0x5, v0;
	s13 =	simm.s32 $0x18720;
	s10 =	sadd.s32 $0x63E00, s31;
	s11 =	sadd.s32 $0xC5A00, s31  }
.LBB2_1:
0x10: {  	s22 =	simm.s32 $0x40;
	s23 =	simm.s32 $0x0  }
.LBB2_2:
0x11: {  	p0 =	sne.s32 s22, $0x31C0;
	[tilespmem:s23+$0x1A820] =	vst v6;
	s23 =	smov.u32 s22;
	s22 =	sadd.s32 $0x40, s22  }
.Ltmp0:
0x12: {  	(pc) =	sbr.rel @p0 .LBB2_2-.Ltmp0, $2  }
0x13: {  	_ =	sdelay $0x2  }
0x14: {  	s23 =	sshra.s32 s23, $0x2  }
0x15: {  	[tilespmem:s23+$0x1A820] =	vst v6;
	s22 =	simm.s32 $0x40;
	s23 =	simm.s32 $0x0  }
.LBB2_4:
0x16: {  	p0 =	sne.s32 s22, $0x1FC0;
	[tilespmem:s23+$0x1A020] =	vst v6;
	s23 =	smov.u32 s22;
	s22 =	sadd.s32 $0x40, s22  }
.Ltmp1:
0x17: {  	(pc) =	sbr.rel @p0 .LBB2_4-.Ltmp1, $2  }
0x18: {  	_ =	sdelay $0x2  }
0x19: {  	s23 =	sshra.s32 s23, $0x2  }
0x1a: {  	s22 =	sadd.s32 $0x0, s4  }
0x1b: {  	p0 =	sgt.u32 s22, $0x1F3  }
0x1c: {  	[tilespmem:s23+$0x1A020] =	vst v6;
	s22 =	simm.s32 @!p0 $0x1A820;
	s25 =	simm.s32 @!p0 $0x2  }
0x1d: {  	[spmem:s9] =	stream.linear.scatter @!p0 [tilespmem:s22], [sflag:$0x2], $0xC80, $0x38;
	[tilespmem:$0x1B4A0] =	vst v63  }
0x1e: {  	s23 =	simm.s32 $0x10;
	_ =	swait.ge @!p0 [sflag:s25], $0xC80  }
0x1f: {  	s24 =	simm.s32 $0x20;
	s22 =	sadd.s32 $0xC800, s9;
	[sflag:s25] =	ssyncset.done @!p0 $0x0  }
.LBB2_6:
0x20: {  	s26 =	sadd.s32 s23, s4;
	s23 =	smov.u32 s24;
	s24 =	sadd.s32 $0x10, s24  }
0x21: {  	[sflag:s25] =	ssyncadd.s32 @!p0 $0xFFFFF380;
	p1 =	sne.s32 s24, $0x200  }
.Ltmp2:
0x22: {  	p0 =	sgt.u32 s26, $0x1F3;
	(pc) =	sbr.rel @p1 .LBB2_6-.Ltmp2, $4  }
0x23: {  	s26 =	simm.s32 @!p0 $0x1A820;
	s25 =	simm.s32 @!p0 $0x2  }
0x24: {  	[spmem:s22] =	stream.linear.scatter @!p0 [tilespmem:s26], [sflag:$0x2], $0xC80, $0x38;
	[tilespmem:$0x1B4A0] =	vst v63  }
0x25: {  	_ =	swait.ge @!p0 [sflag:s25], $0xC80  }
0x26: {  	s22 =	sadd.s32 $0xC800, s22;
	[sflag:s25] =	ssyncset.done @!p0 $0x0  }
0x27: {  	s23 =	sadd.s32 s23, s4  }
0x28: {  	p1 =	sgt.u32 s23, $0x1F3  }
0x29: {  	[sflag:s25] =	ssyncadd.s32 @!p0 $0xFFFFF380;
	s23 =	simm.s32 @!p1 $0x1A820;
	s24 =	simm.s32 @!p1 $0x2  }
0x2a: {  	[spmem:s22] =	stream.linear.scatter @!p1 [tilespmem:s23], [sflag:$0x2], $0xC80, $0x38;
	[tilespmem:$0x1B4A0] =	vst v63  }
.Ltmp3:
0x2b: {  	_ =	swait.ge @!p1 [sflag:s24], $0xC80;
	(pc) =	sbr.rel .LBB2_8-.Ltmp3, $4  }
0x2c: {  	[sflag:s24] =	ssyncset.done @!p1 $0x0  }
0x2d: {  	[sflag:s24] =	ssyncadd.s32 @!p1 $0xFFFFF380  }
0x2e: {  	[bflag:$0x0] =	sbarrier.arrive $0xFFFF  }
0x2f: {  	s22 =	simm.s32 $0x0  }
.LBB2_12:
0x30: {  	s22 =	sadd.s32 $0x1, s22  }
0x31: {  	p0 =	sne.s32 s22, $0x30E  }
.Ltmp4:
0x32: {  	_ = 	snop;
	(pc) =	sbr.rel @!p0 .LBB2_13-.Ltmp4, $1  }
0x33: {  	_ =	sdelay $0x3  }
.LBB2_8:
0x34: {  	s23 =	sshll.u32 s22, $0x4  }
0x35: {  	s23 =	sor.u32 s4, s23  }
0x36: {  	p0 =	sgt.u32 s23, $0x30D3  }
.Ltmp5:
0x37: {  	_ = 	snop;
	(pc) =	sbr.rel @p0 .LBB2_12-.Ltmp5, $1  }
0x38: {  	_ =	sdelay $0x3  }
0x39: {  	s23 =	sshll.u32 s23, $0x4  }
0x3a: {  	s25 =	simm.s32 $0x0;
	s24 =	sadd.s32 s5, s23  }
0x3b: {  	[tilespmem:s12], [sflag:$0x1] =	stream.linear.gather [hbm4b:s24+s25], $0x80, $0x38;
	[tilespmem:$0x1B4A0] =	vst v63  }
0x3c: {  	s23 =	sadd.s32 s1, s23  }
0x3d: {  	[tilespmem:s13], [sflag:$0x1] =	stream.linear.gather [hbm4b:s23+s25], $0x80, $0x38;
	[tilespmem:$0x1B4A0] =	vst v63  }
0x3e: {  	_ =	swait.ge [sflag:s14], $0x80  }
0x3f: {  	[sflag:s14] =	ssyncset.done $0x0  }
0x40: {  	[sflag:s14] =	ssyncadd.s32 $0xFFFFFF80  }
0x41: {  	_ =	swait.ge [sflag:s14], $0x80  }
0x42: {  	[sflag:s14] =	ssyncset.done $0x0  }
0x43: {  	[sflag:s14] =	ssyncadd.s32 $0xFFFFFF80  }
0x44: {  	[tilespmem:s16], [sflag:$0x1] =	stream.indirect.gather [hbm4b:s7+s15], $0x10, s12, s15, $0xb8;
	[tilespmem:$0x1B4A0] =	vst v63  }
0x45: {  	v8 =	vmov s25  }
0x46: {  	v8 =	vshll.u32 v8, $0x4;
	[tilespmem:s17], [sflag:$0x1] =	stream.indirect.gather [hbm4b:s7+s15], $0x10, s13, s15, $0xb8;
	[tilespmem:$0x1B4A0] =	vst v63  }
0x47: {  	v8 =	vor.u32 v7, v8;
	_ =	swait.ge [sflag:s14], $0x800  }
0x48: {  	v9 =	vor.u32 v3, v8;
	[sflag:s14] =	ssyncset.done $0x0  }
0x49: {  	v10 =	vor.u32 v2, v8;
	[sflag:s14] =	ssyncadd.s32 $0xFFFFF800  }
0x4a: {  	v11 =	vor.u32 v0, v8;
	_ =	swait.ge [sflag:s14], $0x800  }
0x4b: {  	v12 =	vor.u32 v1, v8;
	[sflag:s14] =	ssyncset.done $0x0  }
0x4c: {  	[sflag:s14] =	ssyncadd.s32 $0xFFFFF800  }
0x4d: {  	v9 =	vld.idx.msk [tilespmem:v9+s17+$0x0], $0xffff  }
0x4e: {  	v10 =	vld.idx.msk [tilespmem:v10+s17+$0x0], $0xffff  }
0x4f: {  	v11 =	vld.idx.msk [tilespmem:v11+s16+$0x0], $0xffff  }
0x50: {  	v12 =	vld.idx.msk [tilespmem:v12+s16+$0x0], $0xffff;
	_ =	sdelay $0x3  }
0x51: {  	v10 =	vadd.f32 v10, v11  }
0x52: {  	v9 =	vadd.f32 v9, v12  }
0x53: {  	v11 =	vmul.f32 $2.000000030e-01, v10  }
0x54: {  	v12 =	vmul.f32 $2.000000030e-01, v9  }
0x55: {  	v10 =	vmax.f32 v10, v11  }
0x56: {  	v9 =	vmax.f32 v9, v12;
	v10 =	vmul.f32 $1.442695020e+00, v10  }
0x57: {  	v12 =	vmul.f32 $1.442695020e+00, v9  }
0x58: {  	(erf) = vpow2.f32 v10  }
0x59: {  	(erf) = vpow2.f32 v12;
	_ =	sdelay $0x1  }
0x5a: {  	s31 =	simm.s32 $0x10  }
0x5b: {  	v11 =	vmov s31  }
0x5c: {  	v9 =	vshll.u32 v11, $0x4  }
0x5d: {  	v9 =	vor.u32 v7, v9;
	v10 =	vor.u32 $0x1, v8  }
0x5e: {  	s23 =	simm.s32 $0x20;
	v11 =	vor.u32 v3, v9  }
.LBB2_10:
0x5f: {  	p0 =	sne.s32 s23, $0x70;
	v12 =	vor.u32 v2, v9  }
0x60: {  	v13 =	vor.u32 v0, v9;
	v14 =	vpop (erf)  }
0x61: {  	v15 =	vor.u32 v1, v9;
	[tilespmem:v8+s18+$0x0] =	vst.idx.msk $0xffff, v14;
	v14 =	vpop (erf);
	v8 =	vmov v9  }
0x62: {  	[tilespmem:v10+s18+$0x0] =	vst.idx.msk $0xffff, v14  }
0x63: {  	v9 =	vld.idx.msk [tilespmem:v11+s17+$0x0], $0xffff  }
0x64: {  	v10 =	vld.idx.msk [tilespmem:v12+s17+$0x0], $0xffff  }
0x65: {  	v11 =	vld.idx.msk [tilespmem:v13+s16+$0x0], $0xffff  }
0x66: {  	v12 =	vld.idx.msk [tilespmem:v15+s16+$0x0], $0xffff;
	_ =	sdelay $0x4  }
0x67: {  	v10 =	vadd.f32 v10, v11  }
0x68: {  	v9 =	vadd.f32 v9, v12  }
0x69: {  	v11 =	vmul.f32 $2.000000030e-01, v10  }
0x6a: {  	v12 =	vmul.f32 $2.000000030e-01, v9  }
0x6b: {  	v10 =	vmax.f32 v10, v11  }
0x6c: {  	v10 =	vmul.f32 $1.442695020e+00, v10;
	v9 =	vmax.f32 v9, v12  }
0x6d: {  	v9 =	vmul.f32 $1.442695020e+00, v9  }
0x6e: {  	(erf) = vpow2.f32 v10  }
0x6f: {  	(erf) = vpow2.f32 v9;
	_ =	sdelay $0x1  }
.Ltmp6:
0x70: {  	(pc) =	sbr.rel @p0 .LBB2_10-.Ltmp6, $4  }
0x71: {  	v9 =	vmov s23  }
0x72: {  	v9 =	vshll.u32 v9, $0x4  }
0x73: {  	v10 =	vor.u32 $0x1, v8;
	v9 =	vor.u32 v7, v9  }
0x74: {  	s23 =	sadd.s32 $0x10, s23;
	v11 =	vor.u32 v3, v9  }
0x75: {  	_ =	sdelay $0x1  }
0x76: {  	v12 =	vor.u32 v2, v9  }
0x77: {  	v13 =	vor.u32 v0, v9;
	v14 =	vpop (erf)  }
0x78: {  	v15 =	vor.u32 v1, v9;
	[tilespmem:v8+s18+$0x0] =	vst.idx.msk $0xffff, v14;
	v8 =	vpop (erf)  }
0x79: {  	[tilespmem:v10+s18+$0x0] =	vst.idx.msk $0xffff, v8  }
0x7a: {  	v8 =	vld.idx.msk [tilespmem:v11+s17+$0x0], $0xffff  }
0x7b: {  	v10 =	vld.idx.msk [tilespmem:v12+s17+$0x0], $0xffff  }
0x7c: {  	v61 =	vld.idx.msk [tilespmem:v13+s16+$0x0], $0xffff  }
0x7d: {  	v62 =	vld.idx.msk [tilespmem:v15+s16+$0x0], $0xffff;
	_ =	sdelay $0x3  }
0x7e: {  	v10 =	vadd.f32 v10, v61  }
0x7f: {  	v8 =	vadd.f32 v8, v62  }
0x80: {  	v11 =	vmul.f32 $2.000000030e-01, v10  }
0x81: {  	v12 =	vmul.f32 $2.000000030e-01, v8  }
0x82: {  	v10 =	vmax.f32 v10, v11  }
0x83: {  	v8 =	vmax.f32 v8, v12;
	v10 =	vmul.f32 $1.442695020e+00, v10  }
0x84: {  	v8 =	vmul.f32 $1.442695020e+00, v8  }
0x85: {  	(erf) = vpow2.f32 v10  }
0x86: {  	(erf) = vpow2.f32 v8;
	_ =	sdelay $0x4  }
0x87: {  	v8 =	vor.u32 $0x1, v9;
	_ =	sdelay $0x2  }
0x88: {  	v10 =	vpop (erf)  }
0x89: {  	[tilespmem:v9+s18+$0x0] =	vst.idx.msk $0xffff, v10;
	v63 =	vpop (erf)  }
.Ltmp7:
0x8a: {  	[tilespmem:v8+s18+$0x0] =	vst.idx.msk $0xffff, v63;
	(pc) =	sbr.rel .LBB2_12-.Ltmp7, $4  }
0x8b: {  	[spmem:s2] =	stream.indirect.scatter.add.f32 [tilespmem:s18], [sflag:$0x2], $0x10, s13, s15, $0xb8;
	[tilespmem:$0x1B4A0] =	vst v63  }
0x8c: {  	_ =	swait.ge [sflag:s19], $0x800  }
0x8d: {  	[sflag:s19] =	ssyncset.done $0x0  }
0x8e: {  	[sflag:s19] =	ssyncadd.s32 $0xFFFFF800  }
.LBB2_13:
0x8f: {  	s22 =	sadd.s32 $0x0, s4  }
0x90: {  	[bflag:$0x0] =	sbarrier.arrive $0xFFFF;
	p0 =	sgt.u32 s22, $0x1F3  }
0x91: {  	s22 =	simm.s32 @!p0 $0x1A820;
	s24 =	simm.s32 @!p0 $0x3;
	p0 =	por p0, p0  }
0x92: {  	[tilespmem:s22], [sflag:$0x3] =	stream.linear.gather @!p0 [spmem:s9], $0xC80, $0x38;
	[tilespmem:$0x1B4A0] =	vst v63  }
0x93: {  	_ =	swait.ge @!p0 [sflag:s24], $0xC80  }
0x94: {  	s31 =	sadd.s32 $0x10, s4;
	[sflag:s24] =	ssyncset.done @!p0 $0x0  }
0x95: {  	s25 =	simm.s32 @!p0 $0x2;
	[sflag:s24] =	ssyncadd.s32 @!p0 $0xFFFFF380;
	s24 =	simm.s32 @!p0 $0x0  }
0x96: {  	[hbm4b:s10+s24] =	stream.linear.scatter @!p0 [tilespmem:s22], [sflag:$0x2], $0xC80, $0x38;
	[tilespmem:$0x1B4A0] =	vst v63  }
0x97: {  	s23 =	simm.s32 $0x20;
	p1 =	sgt.u32 s31, $0x1F3;
	_ =	swait.ge @!p0 [sflag:s25], $0xC80  }
0x98: {  	s22 =	sadd.s32 $0x1900, s10;
	s24 =	sadd.s32 $0xC800, s9;
	[sflag:s25] =	ssyncset.done @!p0 $0x0  }
.LBB2_14:
0x99: {  	s26 =	simm.s32 @!p1 $0x1A820;
	s28 =	simm.s32 @!p1 $0x3;
	[sflag:s25] =	ssyncadd.s32 @!p0 $0xFFFFF380  }
0x9a: {  	s29 =	smov.u32 s23;
	p0 =	por p1, p1;
	s23 =	sadd.s32 $0x10, s23  }
0x9b: {  	[tilespmem:s26], [sflag:$0x3] =	stream.linear.gather @!p0 [spmem:s24], $0xC80, $0x38;
	[tilespmem:$0x1B4A0] =	vst v63  }
0x9c: {  	p2 =	sne.s32 s23, $0x200;
	_ =	swait.ge @!p0 [sflag:s28], $0xC80  }
.Ltmp8:
0x9d: {  	[sflag:s28] =	ssyncset.done @!p0 $0x0;
	(pc) =	sbr.rel @p2 .LBB2_14-.Ltmp8, $4  }
0x9e: {  	s25 =	simm.s32 @!p0 $0x2;
	[sflag:s28] =	ssyncadd.s32 @!p0 $0xFFFFF380;
	s28 =	simm.s32 @!p0 $0x0  }
0x9f: {  	[hbm4b:s22+s28] =	stream.linear.scatter @!p0 [tilespmem:s26], [sflag:$0x2], $0xC80, $0x38;
	[tilespmem:$0x1B4A0] =	vst v63  }
0xa0: {  	s26 =	sadd.s32 s29, s4;
	s22 =	sadd.s32 $0x1900, s22;
	_ =	swait.ge @!p0 [sflag:s25], $0xC80  }
0xa1: {  	s24 =	sadd.s32 $0xC800, s24;
	p1 =	sgt.u32 s26, $0x1F3;
	[sflag:s25] =	ssyncset.done @!p0 $0x0  }
0xa2: {  	s23 =	simm.s32 @!p1 $0x1A820  }
0xa3: {  	s26 =	simm.s32 @!p1 $0x3;
	[sflag:s25] =	ssyncadd.s32 @!p0 $0xFFFFF380;
	p0 =	por p1, p1  }
0xa4: {  	[tilespmem:s23], [sflag:$0x3] =	stream.linear.gather @!p0 [spmem:s24], $0xC80, $0x38;
	[tilespmem:$0x1B4A0] =	vst v63  }
0xa5: {  	_ =	swait.ge @!p0 [sflag:s26], $0xC80  }
0xa6: {  	[sflag:s26] =	ssyncset.done @!p0 $0x0  }
0xa7: {  	s24 =	simm.s32 @!p0 $0x0;
	s25 =	simm.s32 @!p0 $0x2;
	[sflag:s26] =	ssyncadd.s32 @!p0 $0xFFFFF380  }
0xa8: {  	[hbm4b:s22+s24] =	stream.linear.scatter @!p0 [tilespmem:s23], [sflag:$0x2], $0xC80, $0x38;
	[tilespmem:$0x1B4A0] =	vst v63  }
0xa9: {  	_ =	swait.ge @!p0 [sflag:s25], $0xC80  }
0xaa: {  	[sflag:s25] =	ssyncset.done @!p0 $0x0  }
0xab: {  	s22 =	simm.s32 $0x40;
	s23 =	simm.s32 $0x0;
	[sflag:s25] =	ssyncadd.s32 @!p0 $0xFFFFF380  }
.LBB2_16:
0xac: {  	p0 =	sne.s32 s22, $0x31C0;
	[tilespmem:s23+$0x1A820] =	vst v6;
	s23 =	smov.u32 s22;
	s22 =	sadd.s32 $0x40, s22  }
.Ltmp9:
0xad: {  	(pc) =	sbr.rel @p0 .LBB2_16-.Ltmp9, $2  }
0xae: {  	_ =	sdelay $0x2  }
0xaf: {  	s23 =	sshra.s32 s23, $0x2  }
0xb0: {  	s22 =	sadd.s32 $0x0, s4  }
0xb1: {  	[tilespmem:s23+$0x1A820] =	vst v6;
	p0 =	sgt.u32 s22, $0x1F3  }
0xb2: {  	[bflag:$0x0] =	sbarrier.arrive $0xFFFF;
	s22 =	simm.s32 @!p0 $0x1A820;
	s25 =	simm.s32 @!p0 $0x2  }
0xb3: {  	[spmem:s9] =	stream.linear.scatter @!p0 [tilespmem:s22], [sflag:$0x2], $0xC80, $0x38;
	[tilespmem:$0x1B4A0] =	vst v63  }
0xb4: {  	s23 =	simm.s32 $0x10;
	_ =	swait.ge @!p0 [sflag:s25], $0xC80  }
0xb5: {  	s24 =	simm.s32 $0x20;
	s22 =	sadd.s32 $0xC800, s9;
	[sflag:s25] =	ssyncset.done @!p0 $0x0  }
.LBB2_18:
0xb6: {  	s26 =	sadd.s32 s23, s4;
	s23 =	smov.u32 s24;
	s24 =	sadd.s32 $0x10, s24  }
0xb7: {  	[sflag:s25] =	ssyncadd.s32 @!p0 $0xFFFFF380;
	p1 =	sne.s32 s24, $0x200  }
.Ltmp10:
0xb8: {  	p0 =	sgt.u32 s26, $0x1F3;
	(pc) =	sbr.rel @p1 .LBB2_18-.Ltmp10, $4  }
0xb9: {  	s26 =	simm.s32 @!p0 $0x1A820;
	s25 =	simm.s32 @!p0 $0x2  }
0xba: {  	[spmem:s22] =	stream.linear.scatter @!p0 [tilespmem:s26], [sflag:$0x2], $0xC80, $0x38;
	[tilespmem:$0x1B4A0] =	vst v63  }
0xbb: {  	_ =	swait.ge @!p0 [sflag:s25], $0xC80  }
0xbc: {  	s22 =	sadd.s32 $0xC800, s22;
	[sflag:s25] =	ssyncset.done @!p0 $0x0  }
0xbd: {  	s23 =	sadd.s32 s23, s4  }
0xbe: {  	p1 =	sgt.u32 s23, $0x1F3  }
0xbf: {  	[sflag:s25] =	ssyncadd.s32 @!p0 $0xFFFFF380;
	s23 =	simm.s32 @!p1 $0x1A820;
	s24 =	simm.s32 @!p1 $0x2  }
0xc0: {  	[spmem:s22] =	stream.linear.scatter @!p1 [tilespmem:s23], [sflag:$0x2], $0xC80, $0x38;
	[tilespmem:$0x1B4A0] =	vst v63  }
.Ltmp11:
0xc1: {  	_ =	swait.ge @!p1 [sflag:s24], $0xC80;
	(pc) =	sbr.rel .LBB2_20-.Ltmp11, $4  }
0xc2: {  	[sflag:s24] =	ssyncset.done @!p1 $0x0  }
0xc3: {  	[sflag:s24] =	ssyncadd.s32 @!p1 $0xFFFFF380  }
0xc4: {  	[bflag:$0x0] =	sbarrier.arrive $0xFFFF  }
0xc5: {  	s22 =	simm.s32 $0x0  }
.LBB2_26:
0xc6: {  	s22 =	sadd.s32 $0x1, s22  }
0xc7: {  	p0 =	sne.s32 s22, $0x30E  }
.Ltmp12:
0xc8: {  	_ = 	snop;
	(pc) =	sbr.rel @!p0 .LBB2_27-.Ltmp12, $1  }
0xc9: {  	_ =	sdelay $0x3  }
.LBB2_20:
0xca: {  	s23 =	sshll.u32 s22, $0x4  }
0xcb: {  	s23 =	sor.u32 s4, s23  }
0xcc: {  	p0 =	sgt.u32 s23, $0x30D3  }
.Ltmp13:
0xcd: {  	_ = 	snop;
	(pc) =	sbr.rel @p0 .LBB2_26-.Ltmp13, $1  }
0xce: {  	_ =	sdelay $0x3  }
0xcf: {  	s23 =	sshll.u32 s23, $0x4  }
0xd0: {  	s25 =	simm.s32 $0x0;
	s24 =	sadd.s32 s5, s23  }
0xd1: {  	[tilespmem:s12], [sflag:$0x1] =	stream.linear.gather [hbm4b:s24+s25], $0x80, $0x38;
	[tilespmem:$0x1B4A0] =	vst v63  }
0xd2: {  	s23 =	sadd.s32 s1, s23  }
0xd3: {  	[tilespmem:s13], [sflag:$0x1] =	stream.linear.gather [hbm4b:s23+s25], $0x80, $0x38;
	[tilespmem:$0x1B4A0] =	vst v63  }
0xd4: {  	_ =	swait.ge [sflag:s14], $0x80  }
0xd5: {  	v8 =	vor.u32 s25, v4;
	[sflag:s14] =	ssyncset.done $0x0  }
0xd6: {  	[sflag:s14] =	ssyncadd.s32 $0xFFFFFF80  }
0xd7: {  	_ =	swait.ge [sflag:s14], $0x80  }
0xd8: {  	[sflag:s14] =	ssyncset.done $0x0  }
0xd9: {  	[sflag:s14] =	ssyncadd.s32 $0xFFFFFF80  }
0xda: {  	v10 =	vld.idx.msk [tilespmem:v8+s12+$0x0], $0xffff;
	_ =	sdelay $0x1  }
0xdb: {  	s31 =	simm.s32 $0x10  }
0xdc: {  	v9 =	vor.u32 s31, v4;
	s23 =	simm.s32 $0x20  }
.LBB2_22:
0xdd: {  	p0 =	sne.s32 s23, $0x70  }
0xde: {  	v10 =	vshll.u32 v10, $0x1  }
0xdf: {  	v10 =	vor.u32 v5, v10  }
0xe0: {  	[tilespmem:v8+s20+$0x0] =	vst.idx.msk $0xffff, v10;
	v8 =	vmov v9  }
.Ltmp14:
0xe1: {  	v10 =	vld.idx.msk [tilespmem:v9+s12+$0x0], $0xffff;
	(pc) =	sbr.rel @p0 .LBB2_22-.Ltmp14, $2  }
0xe2: {  	_ =	sdelay $0x2  }
0xe3: {  	v9 =	vor.u32 s23, v4;
	s23 =	sadd.s32 $0x10, s23  }
0xe4: {  	_ =	sdelay $0x1  }
0xe5: {  	v10 =	vshll.u32 v10, $0x1  }
0xe6: {  	v10 =	vor.u32 v5, v10  }
0xe7: {  	[tilespmem:v8+s20+$0x0] =	vst.idx.msk $0xffff, v10  }
0xe8: {  	v8 =	vld.idx.msk [tilespmem:v9+s12+$0x0], $0xffff;
	_ =	sdelay $0x4  }
0xe9: {  	v8 =	vshll.u32 v8, $0x1  }
0xea: {  	v8 =	vor.u32 v5, v8  }
0xeb: {  	[tilespmem:v9+s20+$0x0] =	vst.idx.msk $0xffff, v8  }
0xec: {  	[tilespmem:s16], [sflag:$0x1] =	stream.indirect.gather [hbm4b:s7+s15], $0x10, s12, s15, $0xb8;
	[tilespmem:$0x1B4A0] =	vst v63  }
0xed: {  	_ = 	snop  }
0xee: {  	[tilespmem:s17], [sflag:$0x1] =	stream.indirect.gather [hbm4b:s7+s15], $0x10, s13, s15, $0xb8;
	[tilespmem:$0x1B4A0] =	vst v63  }
0xef: {  	_ = 	snop  }
0xf0: {  	[tilespmem:s21], [sflag:$0x1] =	stream.indirect.gather [hbm4b:s6+s15], $0x10, s20, s15, $0xb8;
	[tilespmem:$0x1B4A0] =	vst v63  }
0xf1: {  	s23 =	simm.s32 $0x0;
	_ =	swait.ge [sflag:s14], $0x800  }
0xf2: {  	v8 =	vmov s23;
	[sflag:s14] =	ssyncset.done $0x0  }
0xf3: {  	v8 =	vshll.u32 v8, $0x4;
	[sflag:s14] =	ssyncadd.s32 $0xFFFFF800  }
0xf4: {  	v8 =	vor.u32 v7, v8;
	_ =	swait.ge [sflag:s14], $0x800  }
0xf5: {  	v9 =	vor.u32 v0, v8;
	[sflag:s14] =	ssyncset.done $0x0  }
0xf6: {  	v10 =	vor.u32 v2, v8;
	[sflag:s14] =	ssyncadd.s32 $0xFFFFF800  }
0xf7: {  	_ =	swait.ge [sflag:s14], $0x800  }
0xf8: {  	[sflag:s14] =	ssyncset.done $0x0  }
0xf9: {  	[sflag:s14] =	ssyncadd.s32 $0xFFFFF800  }
0xfa: {  	v9 =	vld.idx.msk [tilespmem:v9+s16+$0x0], $0xffff  }
0xfb: {  	v10 =	vld.idx.msk [tilespmem:v10+s17+$0x0], $0xffff;
	_ =	sdelay $0x4  }
0xfc: {  	v9 =	vadd.f32 v10, v9;
	_ =	sdelay $0x1  }
0xfd: {  	v10 =	vmul.f32 $2.000000030e-01, v9;
	_ =	sdelay $0x1  }
0xfe: {  	v9 =	vmax.f32 v9, v10  }
0xff: {  	v9 =	vmul.f32 $1.442695020e+00, v9;
	_ =	sdelay $0x1  }
0x100: {  	(erf) = vpow2.f32 v9;
	_ =	sdelay $0x4  }
0x101: {  	v10 =	vld.idx.msk [tilespmem:v8+s21+$0x0], $0xffff  }
0x102: {  	v11 =	vor.u32 v3, v8  }
0x103: {  	v9 =	vor.u32 v1, v8  }
0x104: {  	v12 =	vor.u32 $0x1, v8  }
0x105: {  	v13 =	vpop (erf)  }
0x106: {  	v10 =	vmul.f32 v13, v10  }
0x107: {  	v11 =	vld.idx.msk [tilespmem:v11+s17+$0x0], $0xffff  }
0x108: {  	v9 =	vld.idx.msk [tilespmem:v9+s16+$0x0], $0xffff;
	[tilespmem:v8+s18+$0x0] =	vst.idx.msk $0xffff, v10  }
0x109: {  	v10 =	vld.idx.msk [tilespmem:v12+s21+$0x0], $0xffff;
	_ =	sdelay $0x2  }
0x10a: {  	v14 =	vor.u32 $0x2, v8;
	_ =	sdelay $0x1  }
0x10b: {  	v10 =	vmul.f32 v13, v10;
	_ =	sdelay $0x1  }
0x10c: {  	[tilespmem:v12+s18+$0x0] =	vst.idx.msk $0xffff, v10  }
0x10d: {  	v10 =	vld.idx.msk [tilespmem:v14+s21+$0x0], $0xffff;
	_ =	sdelay $0x2  }
0x10e: {  	v12 =	vor.u32 $0x3, v8;
	_ =	sdelay $0x1  }
0x10f: {  	v10 =	vmul.f32 v10, v13;
	_ =	sdelay $0x1  }
0x110: {  	[tilespmem:v14+s18+$0x0] =	vst.idx.msk $0xffff, v10  }
0x111: {  	v10 =	vld.idx.msk [tilespmem:v12+s21+$0x0], $0xffff;
	_ =	sdelay $0x2  }
0x112: {  	v14 =	vor.u32 $0x4, v8;
	_ =	sdelay $0x1  }
0x113: {  	v10 =	vmul.f32 v10, v13;
	_ =	sdelay $0x1  }
0x114: {  	[tilespmem:v12+s18+$0x0] =	vst.idx.msk $0xffff, v10  }
0x115: {  	v10 =	vld.idx.msk [tilespmem:v14+s21+$0x0], $0xffff;
	_ =	sdelay $0x2  }
0x116: {  	v12 =	vor.u32 $0x5, v8;
	_ =	sdelay $0x1  }
0x117: {  	v10 =	vmul.f32 v10, v13;
	_ =	sdelay $0x1  }
0x118: {  	[tilespmem:v14+s18+$0x0] =	vst.idx.msk $0xffff, v10  }
0x119: {  	v10 =	vld.idx.msk [tilespmem:v12+s21+$0x0], $0xffff;
	_ =	sdelay $0x2  }
0x11a: {  	v14 =	vor.u32 $0x6, v8;
	_ =	sdelay $0x1  }
0x11b: {  	v10 =	vmul.f32 v10, v13;
	_ =	sdelay $0x1  }
0x11c: {  	[tilespmem:v12+s18+$0x0] =	vst.idx.msk $0xffff, v10  }
0x11d: {  	v10 =	vld.idx.msk [tilespmem:v14+s21+$0x0], $0xffff;
	_ =	sdelay $0x2  }
0x11e: {  	v12 =	vor.u32 $0x7, v8  }
0x11f: {  	v9 =	vadd.f32 v11, v9  }
0x120: {  	v10 =	vmul.f32 v10, v13  }
0x121: {  	v11 =	vmul.f32 $2.000000030e-01, v9  }
0x122: {  	[tilespmem:v14+s18+$0x0] =	vst.idx.msk $0xffff, v10  }
0x123: {  	v9 =	vmax.f32 v9, v11;
	v10 =	vld.idx.msk [tilespmem:v12+s21+$0x0], $0xffff  }
0x124: {  	v9 =	vmul.f32 $1.442695020e+00, v9;
	_ =	sdelay $0x1  }
0x125: {  	v11 =	vor.u32 $0x8, v8;
	(erf) = vpow2.f32 v9;
	_ =	sdelay $0x1  }
0x126: {  	v9 =	vmul.f32 v10, v13;
	_ =	sdelay $0x1  }
0x127: {  	[tilespmem:v12+s18+$0x0] =	vst.idx.msk $0xffff, v9  }
0x128: {  	v9 =	vld.idx.msk [tilespmem:v11+s21+$0x0], $0xffff;
	_ =	sdelay $0x2  }
0x129: {  	v10 =	vor.u32 $0x9, v8  }
0x12a: {  	v14 =	vpop (erf)  }
0x12b: {  	v9 =	vmul.f32 v9, v14;
	_ =	sdelay $0x1  }
0x12c: {  	[tilespmem:v11+s18+$0x0] =	vst.idx.msk $0xffff, v9  }
0x12d: {  	v9 =	vld.idx.msk [tilespmem:v10+s21+$0x0], $0xffff;
	_ =	sdelay $0x2  }
0x12e: {  	v11 =	vor.u32 $0xA, v8;
	_ =	sdelay $0x1  }
0x12f: {  	v9 =	vmul.f32 v9, v14;
	_ =	sdelay $0x1  }
0x130: {  	[tilespmem:v10+s18+$0x0] =	vst.idx.msk $0xffff, v9  }
0x131: {  	v9 =	vld.idx.msk [tilespmem:v11+s21+$0x0], $0xffff;
	_ =	sdelay $0x2  }
0x132: {  	v10 =	vor.u32 $0xB, v8;
	_ =	sdelay $0x1  }
0x133: {  	v9 =	vmul.f32 v9, v14;
	_ =	sdelay $0x1  }
0x134: {  	[tilespmem:v11+s18+$0x0] =	vst.idx.msk $0xffff, v9  }
0x135: {  	v9 =	vld.idx.msk [tilespmem:v10+s21+$0x0], $0xffff;
	_ =	sdelay $0x2  }
0x136: {  	v11 =	vor.u32 $0xC, v8;
	_ =	sdelay $0x1  }
0x137: {  	v9 =	vmul.f32 v9, v14;
	_ =	sdelay $0x1  }
0x138: {  	[tilespmem:v10+s18+$0x0] =	vst.idx.msk $0xffff, v9  }
0x139: {  	v9 =	vld.idx.msk [tilespmem:v11+s21+$0x0], $0xffff;
	_ =	sdelay $0x2  }
0x13a: {  	v10 =	vor.u32 $0xD, v8;
	_ =	sdelay $0x1  }
0x13b: {  	v9 =	vmul.f32 v9, v14;
	_ =	sdelay $0x1  }
0x13c: {  	[tilespmem:v11+s18+$0x0] =	vst.idx.msk $0xffff, v9  }
0x13d: {  	v9 =	vld.idx.msk [tilespmem:v10+s21+$0x0], $0xffff;
	_ =	sdelay $0x2  }
0x13e: {  	v12 =	vor.u32 $0xE, v8;
	_ =	sdelay $0x1  }
0x13f: {  	v9 =	vmul.f32 v9, v14;
	_ =	sdelay $0x1  }
0x140: {  	[tilespmem:v10+s18+$0x0] =	vst.idx.msk $0xffff, v9  }
0x141: {  	v9 =	vld.idx.msk [tilespmem:v12+s21+$0x0], $0xffff;
	_ =	sdelay $0x2  }
0x142: {  	v11 =	vor.u32 $0xF, v8;
	_ =	sdelay $0x1  }
0x143: {  	v8 =	vmul.f32 v9, v14;
	_ =	sdelay $0x1  }
0x144: {  	s31 =	simm.s32 $0x10;
	[tilespmem:v12+s18+$0x0] =	vst.idx.msk $0xffff, v8  }
0x145: {  	v8 =	vmov s31;
	v15 =	vld.idx.msk [tilespmem:v11+s21+$0x0], $0xffff  }
0x146: {  	v8 =	vshll.u32 v8, $0x4  }
0x147: {  	v8 =	vor.u32 v7, v8  }
0x148: {  	v12 =	vor.u32 v0, v8  }
0x149: {  	v13 =	vor.u32 v2, v8  }
0x14a: {  	s23 =	simm.s32 $0x20;
	v9 =	vor.u32 v1, v8;
	v10 =	vor.u32 v3, v8;
	v14 =	vmul.f32 v15, v14  }
.LBB2_24:
0x14b: {  	p0 =	sne.s32 s23, $0x70;
	s24 =	smov.u32 s23;
	s23 =	sadd.s32 $0x10, s23  }
0x14c: {  	[tilespmem:v11+s18+$0x0] =	vst.idx.msk $0xffff, v14  }
0x14d: {  	v11 =	vld.idx.msk [tilespmem:v12+s16+$0x0], $0xffff  }
0x14e: {  	v12 =	vld.idx.msk [tilespmem:v13+s17+$0x0], $0xffff;
	_ =	sdelay $0x5  }
0x14f: {  	v11 =	vadd.f32 v12, v11;
	_ =	sdelay $0x1  }
0x150: {  	v12 =	vmul.f32 $2.000000030e-01, v11;
	_ =	sdelay $0x1  }
0x151: {  	v11 =	vmax.f32 v11, v12  }
0x152: {  	v11 =	vmul.f32 $1.442695020e+00, v11;
	_ =	sdelay $0x1  }
0x153: {  	(erf) = vpow2.f32 v11;
	_ =	sdelay $0x2  }
0x154: {  	v11 =	vld.idx.msk [tilespmem:v8+s21+$0x0], $0xffff;
	_ =	sdelay $0x3  }
0x155: {  	v12 =	vor.u32 $0x1, v8;
	_ =	sdelay $0x1  }
0x156: {  	v9 =	vld.idx.msk [tilespmem:v9+s16+$0x0], $0xffff;
	v13 =	vpop (erf)  }
0x157: {  	v10 =	vld.idx.msk [tilespmem:v10+s17+$0x0], $0xffff;
	v11 =	vmul.f32 v13, v11;
	_ =	sdelay $0x1  }
0x158: {  	[tilespmem:v8+s18+$0x0] =	vst.idx.msk $0xffff, v11  }
0x159: {  	v11 =	vld.idx.msk [tilespmem:v12+s21+$0x0], $0xffff;
	_ =	sdelay $0x2  }
0x15a: {  	v9 =	vadd.f32 v10, v9;
	v10 =	vor.u32 $0x2, v8;
	_ =	sdelay $0x1  }
0x15b: {  	v14 =	vmul.f32 $2.000000030e-01, v9  }
0x15c: {  	v11 =	vmul.f32 v13, v11  }
0x15d: {  	v9 =	vmax.f32 v9, v14  }
0x15e: {  	v9 =	vmul.f32 $1.442695020e+00, v9;
	[tilespmem:v12+s18+$0x0] =	vst.idx.msk $0xffff, v11  }
0x15f: {  	v11 =	vld.idx.msk [tilespmem:v10+s21+$0x0], $0xffff;
	_ =	sdelay $0x2  }
0x160: {  	v12 =	vor.u32 $0x3, v8;
	_ =	sdelay $0x2  }
0x161: {  	v11 =	vmul.f32 v11, v13;
	_ =	sdelay $0x1  }
0x162: {  	[tilespmem:v10+s18+$0x0] =	vst.idx.msk $0xffff, v11  }
0x163: {  	v10 =	vld.idx.msk [tilespmem:v12+s21+$0x0], $0xffff;
	_ =	sdelay $0x2  }
0x164: {  	v11 =	vor.u32 $0x4, v8;
	_ =	sdelay $0x2  }
0x165: {  	v10 =	vmul.f32 v10, v13;
	_ =	sdelay $0x1  }
0x166: {  	[tilespmem:v12+s18+$0x0] =	vst.idx.msk $0xffff, v10  }
0x167: {  	v10 =	vld.idx.msk [tilespmem:v11+s21+$0x0], $0xffff;
	_ =	sdelay $0x2  }
0x168: {  	v12 =	vor.u32 $0x5, v8;
	_ =	sdelay $0x2  }
0x169: {  	v10 =	vmul.f32 v10, v13;
	_ =	sdelay $0x1  }
0x16a: {  	[tilespmem:v11+s18+$0x0] =	vst.idx.msk $0xffff, v10  }
0x16b: {  	v10 =	vld.idx.msk [tilespmem:v12+s21+$0x0], $0xffff;
	_ =	sdelay $0x2  }
0x16c: {  	v11 =	vor.u32 $0x6, v8;
	_ =	sdelay $0x2  }
0x16d: {  	v10 =	vmul.f32 v10, v13;
	_ =	sdelay $0x1  }
0x16e: {  	[tilespmem:v12+s18+$0x0] =	vst.idx.msk $0xffff, v10  }
0x16f: {  	v10 =	vld.idx.msk [tilespmem:v11+s21+$0x0], $0xffff;
	_ =	sdelay $0x2  }
0x170: {  	v12 =	vor.u32 $0x7, v8;
	_ =	sdelay $0x2  }
0x171: {  	v10 =	vmul.f32 v10, v13;
	_ =	sdelay $0x1  }
0x172: {  	[tilespmem:v11+s18+$0x0] =	vst.idx.msk $0xffff, v10  }
0x173: {  	v10 =	vld.idx.msk [tilespmem:v12+s21+$0x0], $0xffff;
	_ =	sdelay $0x2  }
0x174: {  	v11 =	vor.u32 $0x8, v8  }
0x175: {  	(erf) = vpow2.f32 v9;
	_ =	sdelay $0x1  }
0x176: {  	v9 =	vmul.f32 v10, v13;
	_ =	sdelay $0x1  }
0x177: {  	[tilespmem:v12+s18+$0x0] =	vst.idx.msk $0xffff, v9  }
0x178: {  	v9 =	vld.idx.msk [tilespmem:v11+s21+$0x0], $0xffff;
	_ =	sdelay $0x2  }
0x179: {  	v10 =	vor.u32 $0x9, v8  }
0x17a: {  	v14 =	vpop (erf);
	_ =	sdelay $0x1  }
0x17b: {  	v9 =	vmul.f32 v9, v14;
	_ =	sdelay $0x1  }
0x17c: {  	[tilespmem:v11+s18+$0x0] =	vst.idx.msk $0xffff, v9  }
0x17d: {  	v9 =	vld.idx.msk [tilespmem:v10+s21+$0x0], $0xffff;
	_ =	sdelay $0x2  }
0x17e: {  	v11 =	vor.u32 $0xA, v8;
	_ =	sdelay $0x2  }
0x17f: {  	v9 =	vmul.f32 v9, v14;
	_ =	sdelay $0x1  }
0x180: {  	[tilespmem:v10+s18+$0x0] =	vst.idx.msk $0xffff, v9  }
0x181: {  	v9 =	vld.idx.msk [tilespmem:v11+s21+$0x0], $0xffff;
	_ =	sdelay $0x2  }
0x182: {  	v10 =	vor.u32 $0xB, v8;
	_ =	sdelay $0x2  }
0x183: {  	v9 =	vmul.f32 v9, v14;
	_ =	sdelay $0x1  }
0x184: {  	[tilespmem:v11+s18+$0x0] =	vst.idx.msk $0xffff, v9  }
0x185: {  	v9 =	vld.idx.msk [tilespmem:v10+s21+$0x0], $0xffff;
	_ =	sdelay $0x2  }
0x186: {  	v11 =	vor.u32 $0xC, v8;
	_ =	sdelay $0x2  }
0x187: {  	v9 =	vmul.f32 v9, v14;
	_ =	sdelay $0x1  }
0x188: {  	[tilespmem:v10+s18+$0x0] =	vst.idx.msk $0xffff, v9  }
0x189: {  	v9 =	vld.idx.msk [tilespmem:v11+s21+$0x0], $0xffff;
	_ =	sdelay $0x2  }
0x18a: {  	v10 =	vor.u32 $0xD, v8;
	_ =	sdelay $0x2  }
0x18b: {  	v9 =	vmul.f32 v9, v14;
	_ =	sdelay $0x1  }
0x18c: {  	[tilespmem:v11+s18+$0x0] =	vst.idx.msk $0xffff, v9  }
0x18d: {  	v9 =	vld.idx.msk [tilespmem:v10+s21+$0x0], $0xffff;
	_ =	sdelay $0x2  }
0x18e: {  	v12 =	vor.u32 $0xE, v8;
	_ =	sdelay $0x2  }
0x18f: {  	v9 =	vmul.f32 v9, v14;
	_ =	sdelay $0x1  }
0x190: {  	[tilespmem:v10+s18+$0x0] =	vst.idx.msk $0xffff, v9  }
0x191: {  	v9 =	vld.idx.msk [tilespmem:v12+s21+$0x0], $0xffff;
	_ =	sdelay $0x2  }
0x192: {  	v11 =	vor.u32 $0xF, v8;
	_ =	sdelay $0x2  }
0x193: {  	v8 =	vmul.f32 v9, v14;
	_ =	sdelay $0x1  }
0x194: {  	[tilespmem:v12+s18+$0x0] =	vst.idx.msk $0xffff, v8  }
0x195: {  	v15 =	vld.idx.msk [tilespmem:v11+s21+$0x0], $0xffff  }
0x196: {  	v8 =	vmov s24  }
.Ltmp15:
0x197: {  	v8 =	vshll.u32 v8, $0x4;
	(pc) =	sbr.rel @p0 .LBB2_24-.Ltmp15, $4  }
0x198: {  	v8 =	vor.u32 v7, v8  }
0x199: {  	v12 =	vor.u32 v0, v8;
	v9 =	vor.u32 v1, v8;
	v13 =	vor.u32 v2, v8  }
0x19a: {  	v10 =	vor.u32 v3, v8  }
0x19b: {  	v14 =	vmul.f32 v15, v14  }
0x19c: {  	_ =	sdelay $0x3  }
0x19d: {  	[tilespmem:v11+s18+$0x0] =	vst.idx.msk $0xffff, v14  }
0x19e: {  	v11 =	vld.idx.msk [tilespmem:v12+s16+$0x0], $0xffff  }
0x19f: {  	v43 =	vld.idx.msk [tilespmem:v13+s17+$0x0], $0xffff;
	_ =	sdelay $0x4  }
0x1a0: {  	v11 =	vadd.f32 v43, v11;
	_ =	sdelay $0x1  }
0x1a1: {  	v12 =	vmul.f32 $2.000000030e-01, v11;
	_ =	sdelay $0x1  }
0x1a2: {  	v11 =	vmax.f32 v11, v12  }
0x1a3: {  	v11 =	vmul.f32 $1.442695020e+00, v11;
	_ =	sdelay $0x1  }
0x1a4: {  	(erf) = vpow2.f32 v11;
	_ =	sdelay $0x4  }
0x1a5: {  	v44 =	vld.idx.msk [tilespmem:v8+s21+$0x0], $0xffff;
	_ =	sdelay $0x2  }
0x1a6: {  	v45 =	vor.u32 $0x1, v8  }
0x1a7: {  	v46 =	vpop (erf)  }
0x1a8: {  	v11 =	vmul.f32 v46, v44  }
0x1a9: {  	v9 =	vld.idx.msk [tilespmem:v9+s16+$0x0], $0xffff  }
0x1aa: {  	v10 =	vld.idx.msk [tilespmem:v10+s17+$0x0], $0xffff;
	[tilespmem:v8+s18+$0x0] =	vst.idx.msk $0xffff, v11  }
0x1ab: {  	v11 =	vld.idx.msk [tilespmem:v45+s21+$0x0], $0xffff;
	_ =	sdelay $0x2  }
0x1ac: {  	v47 =	vor.u32 $0x2, v8;
	_ =	sdelay $0x1  }
0x1ad: {  	v11 =	vmul.f32 v46, v11;
	_ =	sdelay $0x1  }
0x1ae: {  	[tilespmem:v45+s18+$0x0] =	vst.idx.msk $0xffff, v11  }
0x1af: {  	v11 =	vld.idx.msk [tilespmem:v47+s21+$0x0], $0xffff;
	_ =	sdelay $0x2  }
0x1b0: {  	v48 =	vor.u32 $0x3, v8;
	_ =	sdelay $0x1  }
0x1b1: {  	v11 =	vmul.f32 v11, v46;
	_ =	sdelay $0x1  }
0x1b2: {  	[tilespmem:v47+s18+$0x0] =	vst.idx.msk $0xffff, v11  }
0x1b3: {  	v11 =	vld.idx.msk [tilespmem:v48+s21+$0x0], $0xffff;
	_ =	sdelay $0x2  }
0x1b4: {  	v49 =	vor.u32 $0x4, v8;
	_ =	sdelay $0x1  }
0x1b5: {  	v11 =	vmul.f32 v11, v46;
	_ =	sdelay $0x1  }
0x1b6: {  	[tilespmem:v48+s18+$0x0] =	vst.idx.msk $0xffff, v11  }
0x1b7: {  	v11 =	vld.idx.msk [tilespmem:v49+s21+$0x0], $0xffff;
	_ =	sdelay $0x2  }
0x1b8: {  	v50 =	vor.u32 $0x5, v8;
	_ =	sdelay $0x1  }
0x1b9: {  	v11 =	vmul.f32 v11, v46;
	_ =	sdelay $0x1  }
0x1ba: {  	[tilespmem:v49+s18+$0x0] =	vst.idx.msk $0xffff, v11  }
0x1bb: {  	v11 =	vld.idx.msk [tilespmem:v50+s21+$0x0], $0xffff;
	_ =	sdelay $0x2  }
0x1bc: {  	v51 =	vor.u32 $0x6, v8;
	_ =	sdelay $0x1  }
0x1bd: {  	v11 =	vmul.f32 v11, v46;
	_ =	sdelay $0x1  }
0x1be: {  	[tilespmem:v50+s18+$0x0] =	vst.idx.msk $0xffff, v11  }
0x1bf: {  	v11 =	vld.idx.msk [tilespmem:v51+s21+$0x0], $0xffff;
	_ =	sdelay $0x2  }
0x1c0: {  	v52 =	vor.u32 $0x7, v8  }
0x1c1: {  	v9 =	vadd.f32 v10, v9  }
0x1c2: {  	v53 =	vmul.f32 v11, v46  }
0x1c3: {  	v54 =	vmul.f32 $2.000000030e-01, v9  }
0x1c4: {  	[tilespmem:v51+s18+$0x0] =	vst.idx.msk $0xffff, v53  }
0x1c5: {  	v9 =	vmax.f32 v9, v54;
	v10 =	vld.idx.msk [tilespmem:v52+s21+$0x0], $0xffff  }
0x1c6: {  	v9 =	vmul.f32 $1.442695020e+00, v9;
	_ =	sdelay $0x1  }
0x1c7: {  	v55 =	vor.u32 $0x8, v8;
	(erf) = vpow2.f32 v9;
	_ =	sdelay $0x1  }
0x1c8: {  	v56 =	vmul.f32 v10, v46;
	_ =	sdelay $0x1  }
0x1c9: {  	[tilespmem:v52+s18+$0x0] =	vst.idx.msk $0xffff, v56  }
0x1ca: {  	v9 =	vld.idx.msk [tilespmem:v55+s21+$0x0], $0xffff;
	_ =	sdelay $0x2  }
0x1cb: {  	v57 =	vor.u32 $0x9, v8  }
0x1cc: {  	v58 =	vpop (erf)  }
0x1cd: {  	v9 =	vmul.f32 v9, v58;
	_ =	sdelay $0x1  }
0x1ce: {  	[tilespmem:v55+s18+$0x0] =	vst.idx.msk $0xffff, v9  }
0x1cf: {  	v9 =	vld.idx.msk [tilespmem:v57+s21+$0x0], $0xffff;
	_ =	sdelay $0x2  }
0x1d0: {  	v59 =	vor.u32 $0xA, v8;
	_ =	sdelay $0x1  }
0x1d1: {  	v9 =	vmul.f32 v9, v58;
	_ =	sdelay $0x1  }
0x1d2: {  	[tilespmem:v57+s18+$0x0] =	vst.idx.msk $0xffff, v9  }
0x1d3: {  	v9 =	vld.idx.msk [tilespmem:v59+s21+$0x0], $0xffff;
	_ =	sdelay $0x2  }
0x1d4: {  	v60 =	vor.u32 $0xB, v8;
	_ =	sdelay $0x1  }
0x1d5: {  	v9 =	vmul.f32 v9, v58;
	_ =	sdelay $0x1  }
0x1d6: {  	[tilespmem:v59+s18+$0x0] =	vst.idx.msk $0xffff, v9  }
0x1d7: {  	v9 =	vld.idx.msk [tilespmem:v60+s21+$0x0], $0xffff;
	_ =	sdelay $0x2  }
0x1d8: {  	v61 =	vor.u32 $0xC, v8;
	_ =	sdelay $0x1  }
0x1d9: {  	v9 =	vmul.f32 v9, v58;
	_ =	sdelay $0x1  }
0x1da: {  	[tilespmem:v60+s18+$0x0] =	vst.idx.msk $0xffff, v9  }
0x1db: {  	v9 =	vld.idx.msk [tilespmem:v61+s21+$0x0], $0xffff;
	_ =	sdelay $0x2  }
0x1dc: {  	v62 =	vor.u32 $0xD, v8;
	_ =	sdelay $0x1  }
0x1dd: {  	v9 =	vmul.f32 v9, v58;
	_ =	sdelay $0x1  }
0x1de: {  	[tilespmem:v61+s18+$0x0] =	vst.idx.msk $0xffff, v9  }
0x1df: {  	v9 =	vld.idx.msk [tilespmem:v62+s21+$0x0], $0xffff;
	_ =	sdelay $0x2  }
0x1e0: {  	v63 =	vor.u32 $0xE, v8;
	_ =	sdelay $0x1  }
0x1e1: {  	v9 =	vmul.f32 v9, v58;
	_ =	sdelay $0x1  }
0x1e2: {  	[tilespmem:v62+s18+$0x0] =	vst.idx.msk $0xffff, v9  }
0x1e3: {  	v9 =	vld.idx.msk [tilespmem:v63+s21+$0x0], $0xffff;
	_ =	sdelay $0x2  }
0x1e4: {  	v8 =	vor.u32 $0xF, v8;
	_ =	sdelay $0x1  }
0x1e5: {  	v9 =	vmul.f32 v9, v58;
	_ =	sdelay $0x1  }
0x1e6: {  	[tilespmem:v63+s18+$0x0] =	vst.idx.msk $0xffff, v9  }
0x1e7: {  	v9 =	vld.idx.msk [tilespmem:v8+s21+$0x0], $0xffff;
	_ =	sdelay $0x4  }
0x1e8: {  	v9 =	vmul.f32 v9, v58;
	_ =	sdelay $0x1  }
.Ltmp16:
0x1e9: {  	[tilespmem:v8+s18+$0x0] =	vst.idx.msk $0xffff, v9;
	(pc) =	sbr.rel .LBB2_26-.Ltmp16, $4  }
0x1ea: {  	[spmem:s2] =	stream.indirect.scatter.add.f32 [tilespmem:s18], [sflag:$0x2], $0x10, s13, s15, $0xb8;
	[tilespmem:$0x1B4A0] =	vst v63  }
0x1eb: {  	_ =	swait.ge [sflag:s19], $0x800  }
0x1ec: {  	[sflag:s19] =	ssyncset.done $0x0  }
0x1ed: {  	[sflag:s19] =	ssyncadd.s32 $0xFFFFF800  }
.LBB2_27:
0x1ee: {  	s22 =	sadd.s32 $0x0, s4  }
0x1ef: {  	[bflag:$0x0] =	sbarrier.arrive $0xFFFF;
	p0 =	sgt.u32 s22, $0x1F3  }
0x1f0: {  	s22 =	simm.s32 @!p0 $0x1A820;
	s24 =	simm.s32 @!p0 $0x3;
	p0 =	por p0, p0  }
0x1f1: {  	[tilespmem:s22], [sflag:$0x3] =	stream.linear.gather @!p0 [spmem:s9], $0xC80, $0x38;
	[tilespmem:$0x1B4A0] =	vst v63  }
0x1f2: {  	_ =	swait.ge @!p0 [sflag:s24], $0xC80  }
0x1f3: {  	s31 =	sadd.s32 $0x10, s4;
	[sflag:s24] =	ssyncset.done @!p0 $0x0  }
0x1f4: {  	s25 =	simm.s32 @!p0 $0x2;
	[sflag:s24] =	ssyncadd.s32 @!p0 $0xFFFFF380;
	s24 =	simm.s32 @!p0 $0x0  }
0x1f5: {  	[hbm4b:s11+s24] =	stream.linear.scatter @!p0 [tilespmem:s22], [sflag:$0x2], $0xC80, $0x38;
	[tilespmem:$0x1B4A0] =	vst v63  }
0x1f6: {  	s23 =	simm.s32 $0x20;
	p1 =	sgt.u32 s31, $0x1F3;
	_ =	swait.ge @!p0 [sflag:s25], $0xC80  }
0x1f7: {  	s22 =	sadd.s32 $0x1900, s11;
	s24 =	sadd.s32 $0xC800, s9;
	[sflag:s25] =	ssyncset.done @!p0 $0x0  }
.LBB2_28:
0x1f8: {  	s26 =	simm.s32 @!p1 $0x1A820;
	s28 =	simm.s32 @!p1 $0x3;
	[sflag:s25] =	ssyncadd.s32 @!p0 $0xFFFFF380  }
0x1f9: {  	s29 =	smov.u32 s23;
	p0 =	por p1, p1;
	s23 =	sadd.s32 $0x10, s23  }
0x1fa: {  	[tilespmem:s26], [sflag:$0x3] =	stream.linear.gather @!p0 [spmem:s24], $0xC80, $0x38;
	[tilespmem:$0x1B4A0] =	vst v63  }
0x1fb: {  	p2 =	sne.s32 s23, $0x200;
	_ =	swait.ge @!p0 [sflag:s28], $0xC80  }
.Ltmp17:
0x1fc: {  	[sflag:s28] =	ssyncset.done @!p0 $0x0;
	(pc) =	sbr.rel @p2 .LBB2_28-.Ltmp17, $4  }
0x1fd: {  	s25 =	simm.s32 @!p0 $0x2;
	[sflag:s28] =	ssyncadd.s32 @!p0 $0xFFFFF380;
	s28 =	simm.s32 @!p0 $0x0  }
0x1fe: {  	[hbm4b:s22+s28] =	stream.linear.scatter @!p0 [tilespmem:s26], [sflag:$0x2], $0xC80, $0x38;
	[tilespmem:$0x1B4A0] =	vst v63  }
0x1ff: {  	s26 =	sadd.s32 s29, s4;
	s22 =	sadd.s32 $0x1900, s22;
	_ =	swait.ge @!p0 [sflag:s25], $0xC80  }
0x200: {  	s24 =	sadd.s32 $0xC800, s24;
	p1 =	sgt.u32 s26, $0x1F3;
	[sflag:s25] =	ssyncset.done @!p0 $0x0  }
0x201: {  	s23 =	simm.s32 @!p1 $0x1A820  }
0x202: {  	s26 =	simm.s32 @!p1 $0x3;
	[sflag:s25] =	ssyncadd.s32 @!p0 $0xFFFFF380;
	p0 =	por p1, p1  }
0x203: {  	[tilespmem:s23], [sflag:$0x3] =	stream.linear.gather @!p0 [spmem:s24], $0xC80, $0x38;
	[tilespmem:$0x1B4A0] =	vst v63  }
0x204: {  	_ =	swait.ge @!p0 [sflag:s26], $0xC80  }
0x205: {  	[sflag:s26] =	ssyncset.done @!p0 $0x0  }
0x206: {  	s24 =	simm.s32 @!p0 $0x0;
	s25 =	simm.s32 @!p0 $0x2;
	[sflag:s26] =	ssyncadd.s32 @!p0 $0xFFFFF380  }
0x207: {  	[hbm4b:s22+s24] =	stream.linear.scatter @!p0 [tilespmem:s23], [sflag:$0x2], $0xC80, $0x38;
	[tilespmem:$0x1B4A0] =	vst v63  }
0x208: {  	_ =	swait.ge @!p0 [sflag:s25], $0xC80  }
0x209: {  	[sflag:s25] =	ssyncset.done @!p0 $0x0  }
0x20a: {  	s22 =	simm.s32 $0x40;
	s23 =	simm.s32 $0x0;
	[sflag:s25] =	ssyncadd.s32 @!p0 $0xFFFFF380  }
.LBB2_30:
0x20b: {  	p0 =	sne.s32 s22, $0x31C0;
	[tilespmem:s23+$0x1A820] =	vst v6;
	s23 =	smov.u32 s22;
	s22 =	sadd.s32 $0x40, s22  }
.Ltmp18:
0x20c: {  	(pc) =	sbr.rel @p0 .LBB2_30-.Ltmp18, $2  }
0x20d: {  	_ =	sdelay $0x2  }
0x20e: {  	s23 =	sshra.s32 s23, $0x2  }
0x20f: {  	s3 =	sadd.s32 $0x1, s3  }
0x210: {  	p0 =	sne.s32 s3, s8  }
.Ltmp19:
0x211: {  	_ = 	snop;
	(pc) =	sbr.rel @p0 .LBB2_1-.Ltmp19, $2  }
0x212: {  	_ =	sdelay $0x2  }
0x213: {  	[tilespmem:s23+$0x1A820] =	vst v6  }
0x214: {  	_ =	sfence.sel $0x180000  }
0x215: {  	[bflag:$0x0] =	sbarrier.arrive $0xFFFF  }
0x216: {  	p0 =	sne.s32 s4, $0x0;
	_ =	strace $0x90000047  }
0x217: {  	s0 =	sadd.s32 @!p0 $0x100000, s0;
	[bflag:$0x2] =	sbarrier.arrive $0xFFFF  }
0x218: {  	[sflag:s0] =	ssyncadd.tile.s32 @!p0 $0x1;
	_ =	shalt  }
.Lfunc_end2:
_tile_overlayer_lowered:
.L_overlay_start_2:
0x219: {  	(tag) =	ssettag $0x2  }
0x21a: {  	s0 =	rddreg [dreg:$0x0];
	s2 =	stileid.u32  }
0x21b: {  	s1 =	rddreg [dreg:$0x1];
	p0 =	sne.s32 s2, $0x0  }
0x21c: {  	s3 =	rddreg [dreg:$0x2];
	[bflag:$0x3] =	sbarrier.arrive $0xFFFF;
	s2 =	simm.s32 @!p0 $0x1C02  }
0x21d: {  	[timem:s3], [sflag:s2] =	dma.local @!p0 [hbm:s0], s1  }
0x21e: {  	s0 =	simm.s32 @!p0 $0x2  }
0x21f: {  	_ =	swait.ge @!p0 [sflag:s0], s1  }
0x220: {  	s1 =	ssub.s32 @!p0 $0x0, s1;
	[sflag:s0] =	ssyncset.done @!p0 $0x0  }
0x221: {  	[sflag:s0] =	ssyncadd.s32 @!p0 s1  }
0x222: {  	[bflag:$0x3] =	sbarrier.arrive $0xFFFF  }
0x223: {  	_ =	shalt  }

</sc_bundles>
